<compile_context>
chip_gen: v7x
topology: tpu7x:2x2x1
jax: 0.10.2.dev20260603
libtpu: 0.0.44.dev20260713+nightly
codegen_flags: <defaults>
</compile_context>

<pallas_src>
import functools

import jax
import jax.numpy as jnp
from jax import lax
from jax.experimental import pallas as pl
from jax.experimental.pallas import tpu as pltpu
from jax.experimental.pallas import tpu_sc as plsc

N = 10000
E = 320000
D = 128
DE = 16
H = 128

NC = 2
NS = 16
NW = NC * NS
L = 16

NPAD = 10240
RPT = NPAD // NS
C = 100
NCHUNK = E // C
NB = NCHUNK // NW
G2 = NB // 4
ET = NB * C

BR = 1024
GRID = NPAD // BR

EB = E * DE // 128
BR4 = 4000
GRID4 = EB // BR4

_SC_PARAMS = pltpu.CompilerParams(needs_layout_passes=False)



def _sc_degree(dst3, ones):
    mesh = plsc.VectorSubcoreMesh(core_axis_name="c", subcore_axis_name="s")

    @functools.partial(
        pl.kernel,
        out_type=jax.ShapeDtypeStruct((NC, NPAD), jnp.float32),
        mesh=mesh,
        scratch_types=[
            pltpu.VMEM_SHARED((NPAD,), jnp.float32),
            pltpu.VMEM((NB, 1, C), jnp.int32),
            pltpu.VMEM((C,), jnp.float32),
            pltpu.SemaphoreType.DMA,
        ],
        compiler_params=_SC_PARAMS,
    )
    def k(dst_hbm, ones_hbm, out_hbm, dsh, didx_all, ones_v, sem):
        c = lax.axis_index("c")
        s = lax.axis_index("s")
        wid = s * NC + c
        rbase = s * RPT
        pltpu.sync_copy(ones_hbm.at[pl.ds(rbase, RPT)], dsh.at[pl.ds(rbase, RPT)])
        pltpu.sync_copy(ones_hbm.at[pl.ds(0, C)], ones_v)
        plsc.subcore_barrier()

        pltpu.sync_copy(dst_hbm.at[pl.ds(wid * NB, NB)], didx_all)

        def fire(j, carry):
            pltpu.async_copy(ones_v, dsh.at[didx_all.at[j, 0]], sem, add=True)
            return carry

        lax.fori_loop(0, NB, fire, 0)

        def drain(j, carry):
            pltpu.make_async_copy(ones_v, dsh.at[didx_all.at[0, 0]], sem).wait()
            return carry

        lax.fori_loop(0, NB, drain, 0)
        plsc.subcore_barrier()
        pltpu.sync_copy(dsh.at[pl.ds(rbase, RPT)],
                        out_hbm.at[c].at[pl.ds(rbase, RPT)])

    return k(dst3, ones)


def _sc_spmm(hs, src3, dst3):
    mesh = plsc.VectorSubcoreMesh(core_axis_name="c", subcore_axis_name="s")

    @functools.partial(
        pl.kernel,
        out_type=jax.ShapeDtypeStruct((NC, NPAD, D), jnp.float32),
        mesh=mesh,
        scratch_types=[
            pltpu.VMEM_SHARED((NPAD, D), jnp.float32),
            pltpu.VMEM((G2, 1, C), jnp.int32),
            pltpu.VMEM((G2, 1, C), jnp.int32),
            pltpu.VMEM((3, C, D), jnp.float32),
            pltpu.SemaphoreType.DMA,
            pltpu.SemaphoreType.DMA,
        ],
        compiler_params=_SC_PARAMS,
    )
    def k(hs_hbm, src_hbm, dst_hbm, out_hbm, ysh, sidx_all, didx_all,
          rows, gsem, ssem):
        c = lax.axis_index("c")
        s = lax.axis_index("s")
        wid = s * NC + c
        rbase = s * RPT
        pltpu.sync_copy(hs_hbm.at[pl.ds(rbase, RPT)], ysh.at[pl.ds(rbase, RPT)])
        plsc.subcore_barrier()

        for g in range(NB // G2):
            pltpu.sync_copy(src_hbm.at[pl.ds(wid * NB + g * G2, G2)], sidx_all)
            pltpu.sync_copy(dst_hbm.at[pl.ds(wid * NB + g * G2, G2)], didx_all)

            pltpu.async_copy(hs_hbm.at[sidx_all.at[0, 0]], rows.at[0], gsem)
            pltpu.async_copy(hs_hbm.at[sidx_all.at[1, 0]], rows.at[1], gsem)

            def body(j, carry):
                buf = lax.rem(j, 3)
                pltpu.make_async_copy(hs_hbm.at[sidx_all.at[j, 0]],
                                      rows.at[buf], gsem).wait()
                pltpu.async_copy(rows.at[buf], ysh.at[didx_all.at[j, 0]],
                                 ssem, add=True)

                @pl.when(j >= 1)
                def _():
                    pltpu.make_async_copy(
                        rows.at[0], ysh.at[didx_all.at[0, 0]], ssem).wait()

                @pl.when(j < G2 - 2)
                def _():
                    pltpu.async_copy(hs_hbm.at[sidx_all.at[j + 2, 0]],
                                     rows.at[lax.rem(j + 2, 3)], gsem)

                return carry

            lax.fori_loop(0, G2, body, 0)
            pltpu.make_async_copy(rows.at[0], ysh.at[didx_all.at[0, 0]],
                                  ssem).wait()

        plsc.subcore_barrier()
        pltpu.sync_copy(ysh.at[pl.ds(rbase, RPT)],
                        out_hbm.at[c].at[pl.ds(rbase, RPT)])

    return k(hs, src3, dst3)


def _sc_edge_logits(a, b, src3, dst3, etf):
    mesh = plsc.VectorSubcoreMesh(core_axis_name="c", subcore_axis_name="s")
    OFFS = (0, 16, 32, 48, 64, 80, C - L)

    @functools.partial(
        pl.kernel,
        out_type=jax.ShapeDtypeStruct((E,), jnp.float32),
        mesh=mesh,
        scratch_types=[
            pltpu.VMEM((NPAD,), jnp.float32),
            pltpu.VMEM((NPAD,), jnp.float32),
            pltpu.VMEM((NB, 1, C), jnp.int32),
            pltpu.VMEM((NB, 1, C), jnp.int32),
            pltpu.VMEM((ET,), jnp.float32),
            pltpu.VMEM((ET,), jnp.float32),
        ],
        compiler_params=_SC_PARAMS,
    )
    def k(a_hbm, b_hbm, src_hbm, dst_hbm, et_hbm, out_hbm,
          av, bv, sidx_all, didx_all, etv_all, ov_all):
        c = lax.axis_index("c")
        s = lax.axis_index("s")
        wid = s * NC + c
        cb = wid * NB
        eb = wid * ET
        pltpu.sync_copy(a_hbm, av)
        pltpu.sync_copy(b_hbm, bv)
        pltpu.sync_copy(src_hbm.at[pl.ds(cb, NB)], sidx_all)
        pltpu.sync_copy(dst_hbm.at[pl.ds(cb, NB)], didx_all)
        pltpu.sync_copy(et_hbm.at[pl.ds(eb, ET)], etv_all)

        def body(j, carry):
            for off in OFFS:
                sl = pl.ds(off, L)
                fsl = pl.ds(j * C + off, L)
                ga = plsc.load_gather(av, [sidx_all[j, 0, sl]])
                gb = plsc.load_gather(bv, [didx_all[j, 0, sl]])
                ov_all[fsl] = ga + gb + etv_all[fsl]
            return carry

        lax.fori_loop(0, NB, body, 0)
        pltpu.sync_copy(ov_all, out_hbm.at[pl.ds(eb, ET)])

    return k(a, b, src3, dst3, etf)



def _k_mm_scale_body(x_ref, w_ref, dv_ref, o_ref):
    h = jnp.dot(x_ref[...], w_ref[...], preferred_element_type=jnp.float32)
    o_ref[...] = h * dv_ref[...]


def _k_mm_scale(x, w, dv):
    return pl.pallas_call(
        _k_mm_scale_body,
        grid=(GRID,),
        in_specs=[
            pl.BlockSpec((BR, D), lambda i: (i, 0)),
            pl.BlockSpec((D, H), lambda i: (0, 0)),
            pl.BlockSpec((BR, H), lambda i: (i, 0)),
        ],
        out_specs=pl.BlockSpec((BR, H), lambda i: (i, 0)),
        out_shape=jax.ShapeDtypeStruct((NPAD, H), jnp.float32),
    )(x, w, dv)


def _k_combine_stats_body(pa_ref, pb_ref, hs_ref, dv_ref, b_ref,
                          y_ref, st_ref):
    i = pl.program_id(0)
    y = dv_ref[...] * (pa_ref[0] + pb_ref[0] - hs_ref[...]) + b_ref[...]
    y_ref[...] = y

    @pl.when(i == 0)
    def _():
        st_ref[...] = jnp.zeros_like(st_ref)

    gid = i * BR + lax.broadcasted_iota(jnp.int32, (BR, 1), 0)
    ym = jnp.where(gid < N, y, 0.0)
    st_ref[0:1, :] += jnp.sum(ym, axis=0, keepdims=True)
    st_ref[1:2, :] += jnp.sum(ym * ym, axis=0, keepdims=True)


def _k_combine_stats(p, hs, dv, b):
    return pl.pallas_call(
        _k_combine_stats_body,
        grid=(GRID,),
        in_specs=[
            pl.BlockSpec((1, BR, H), lambda i: (0, i, 0)),
            pl.BlockSpec((1, BR, H), lambda i: (1, i, 0)),
            pl.BlockSpec((BR, H), lambda i: (i, 0)),
            pl.BlockSpec((BR, H), lambda i: (i, 0)),
            pl.BlockSpec((1, H), lambda i: (0, 0)),
        ],
        out_specs=[
            pl.BlockSpec((BR, H), lambda i: (i, 0)),
            pl.BlockSpec((8, H), lambda i: (0, 0)),
        ],
        out_shape=[
            jax.ShapeDtypeStruct((NPAD, H), jnp.float32),
            jax.ShapeDtypeStruct((8, H), jnp.float32),
        ],
    )(p, p, hs, dv, b)


def _k_bn_mm_body(y_ref, st_ref, g_ref, be_ref, dv_ref, w_ref, o_ref):
    mu = st_ref[0:1, :] * (1.0 / N)
    ex2 = st_ref[1:2, :] * (1.0 / N)
    var = ex2 - mu * mu
    z = g_ref[...] * (y_ref[...] - mu) * lax.rsqrt(var + 1e-5) + be_ref[...]
    z = jnp.maximum(z, 0.0)
    o_ref[...] = (jnp.dot(z, w_ref[...], preferred_element_type=jnp.float32)
                  * dv_ref[...])


def _k_bn_mm(y, st, g, be, dv, w):
    return pl.pallas_call(
        _k_bn_mm_body,
        grid=(GRID,),
        in_specs=[
            pl.BlockSpec((BR, H), lambda i: (i, 0)),
            pl.BlockSpec((8, H), lambda i: (0, 0)),
            pl.BlockSpec((1, H), lambda i: (0, 0)),
            pl.BlockSpec((1, H), lambda i: (0, 0)),
            pl.BlockSpec((BR, H), lambda i: (i, 0)),
            pl.BlockSpec((H, H), lambda i: (0, 0)),
        ],
        out_specs=pl.BlockSpec((BR, H), lambda i: (i, 0)),
        out_shape=jax.ShapeDtypeStruct((NPAD, H), jnp.float32),
    )(y, st, g, be, dv, w)


def _k_bn_proj_body(y_ref, st_ref, g_ref, be_ref, w_ref, o_ref):
    mu = st_ref[0:1, :] * (1.0 / N)
    ex2 = st_ref[1:2, :] * (1.0 / N)
    var = ex2 - mu * mu
    z = g_ref[...] * (y_ref[...] - mu) * lax.rsqrt(var + 1e-5) + be_ref[...]
    z = jnp.maximum(z, 0.0)
    o_ref[...] = jnp.dot(z, w_ref[...], preferred_element_type=jnp.float32)


def _k_bn_proj(y, st, g, be, wab):
    return pl.pallas_call(
        _k_bn_proj_body,
        grid=(GRID,),
        in_specs=[
            pl.BlockSpec((BR, H), lambda i: (i, 0)),
            pl.BlockSpec((8, H), lambda i: (0, 0)),
            pl.BlockSpec((1, H), lambda i: (0, 0)),
            pl.BlockSpec((1, H), lambda i: (0, 0)),
            pl.BlockSpec((H, H), lambda i: (0, 0)),
        ],
        out_specs=pl.BlockSpec((BR, H), lambda i: (i, 0)),
        out_shape=jax.ShapeDtypeStruct((NPAD, H), jnp.float32),
    )(y, st, g, be, wab)


def _k_edge_term_body(ea_ref, g_ref, o_ref):
    o_ref[...] = jnp.dot(ea_ref[...], g_ref[...],
                         preferred_element_type=jnp.float32)


def _k_edge_term(ea2, gmat):
    return pl.pallas_call(
        _k_edge_term_body,
        grid=(GRID4,),
        in_specs=[
            pl.BlockSpec((BR4, 128), lambda i: (i, 0)),
            pl.BlockSpec((128, 8), lambda i: (0, 0)),
        ],
        out_specs=pl.BlockSpec((BR4, 8), lambda i: (i, 0)),
        out_shape=jax.ShapeDtypeStruct((EB, 8), jnp.float32),
    )(ea2, gmat)



def kernel(x, edge_index, edge_attr, W1, b1, g1, be1, W2, b2, g2, be2, Wc, bc):
    src3 = edge_index[0].reshape(NCHUNK, 1, C)
    dst3 = edge_index[1].reshape(NCHUNK, 1, C)

    xpad = jnp.pad(x, ((0, NPAD - N), (0, 0)))
    ones = jnp.ones((NPAD,), jnp.float32)

    degp = _sc_degree(dst3, ones)
    deg = degp[0] + degp[1] - 1.0
    dv = jnp.broadcast_to(lax.rsqrt(jnp.maximum(deg, 1.0))[:, None], (NPAD, H))

    b1r = b1.reshape(1, H)
    g1r = g1.reshape(1, H)
    be1r = be1.reshape(1, H)
    b2r = b2.reshape(1, H)
    g2r = g2.reshape(1, H)
    be2r = be2.reshape(1, H)

    hs1 = _k_mm_scale(xpad, W1, dv)
    p1 = _sc_spmm(hs1, src3, dst3)
    y1, st1 = _k_combine_stats(p1, hs1, dv, b1r)
    hs2 = _k_bn_mm(y1, st1, g1r, be1r, dv, W2)

    p2 = _sc_spmm(hs2, src3, dst3)
    y2, st2 = _k_combine_stats(p2, hs2, dv, b2r)

    wab = jnp.zeros((H, H), jnp.float32)
    wab = wab.at[:, 0].set(Wc[:H, 0])
    wab = wab.at[:, 1].set(Wc[H:2 * H, 0])
    ab = _k_bn_proj(y2, st2, g2r, be2r, wab)
    a = ab[:, 0] + bc[0]
    b = ab[:, 1]

    we = Wc[2 * H:, 0]
    gmat = jnp.zeros((128, 8), jnp.float32)
    for j in range(8):
        gmat = gmat.at[16 * j:16 * (j + 1), j].set(we)
    ea2 = edge_attr.reshape(EB, 128)
    etf = _k_edge_term(ea2, gmat).reshape(E)

    return _sc_edge_logits(a, b, src3, dst3, etf)

# --- scband reference (transcript-rebuilt; emitter-appended) ---
"""Pipeline reference for scband-edge-classifier-wrapper-7138235646466 (READ-ONLY COPY).

The authoritative reference and input builder live on the scoring server;
editing this copy changes nothing except your own understanding.
"""

import jax, jax.numpy as jnp
import numpy as np

N = 10000
E = 320000
D = 128
DE = 16
H = 128

def setup_inputs(seed: int = 0):
    key = jax.random.key(seed)
    ks = jax.random.split(key, 8)
    inp = {}
    inp["x"] = jax.random.normal(ks[0], (N, D), dtype=jnp.float32)
    inp["edge_index"] = jax.random.randint(ks[1], (2, E), 0, N, dtype=jnp.int32)
    inp["edge_attr"] = jax.random.normal(ks[2], (E, DE), dtype=jnp.float32)
    inp["W1"] = jax.random.normal(ks[3], (D, H), dtype=jnp.float32) * (1.0 / np.sqrt(D))
    inp["b1"] = jnp.zeros((H,), dtype=jnp.float32)
    inp["g1"] = jnp.ones((H,), dtype=jnp.float32)
    inp["be1"] = jnp.zeros((H,), dtype=jnp.float32)
    inp["W2"] = jax.random.normal(ks[4], (H, H), dtype=jnp.float32) * (1.0 / np.sqrt(H))
    inp["b2"] = jnp.zeros((H,), dtype=jnp.float32)
    inp["g2"] = jnp.ones((H,), dtype=jnp.float32)
    inp["be2"] = jnp.zeros((H,), dtype=jnp.float32)
    inp["Wc"] = jax.random.normal(ks[5], (2 * H + DE, 1), dtype=jnp.float32) * (1.0 / np.sqrt(2 * H + DE))
    inp["bc"] = jnp.zeros((1,), dtype=jnp.float32)
    return inp

def _gcn_conv(x, src, dst, W, b):
    n = x.shape[0]
    loop = jnp.arange(n, dtype=src.dtype)
    s = jnp.concatenate([src, loop])
    d = jnp.concatenate([dst, loop])
    deg = jnp.zeros((n,), dtype=x.dtype).at[d].add(1.0)
    dinv = jax.lax.rsqrt(jnp.maximum(deg, 1.0))
    h = x @ W
    coef = (dinv[s] * dinv[d])[:, None]
    out = jax.ops.segment_sum(h[s] * coef, d, num_segments=n)
    return out + b

def _bn(x, g, b):
    mu = jnp.mean(x, axis=0)
    var = jnp.var(x, axis=0)
    return g * (x - mu) * jax.lax.rsqrt(var + 1e-5) + b

def reference(x, edge_index, edge_attr, W1, b1, g1, be1, W2, b2, g2, be2, Wc, bc):
    src = edge_index[0]
    dst = edge_index[1]
    h = _gcn_conv(x, src, dst, W1, b1)
    h = jax.nn.relu(_bn(h, g1, be1))
    h = _gcn_conv(h, src, dst, W2, b2)
    h = jax.nn.relu(_bn(h, g2, be2))
    ef = jnp.concatenate([h[src], h[dst], edge_attr], axis=1)
    logits = (ef @ Wc + bc).reshape(-1)
    return logits

if __name__ == "__main__":
    import jax
    _d = setup_inputs()
    print(jax.jit(kernel)(*tuple(_d.values())))

</pallas_src>

<mosaic_0001>
#map = affine_map<(d0, d1) -> (0, 0, 0)>
#map1 = affine_map<(d0, d1) -> (0)>
#map2 = affine_map<(d0, d1) -> (0, 0)>
module attributes {stable_mosaic.version = 14 : i64} {
  func.func @k(%arg0: i32, %arg1: i32, %arg2: memref<3200x1x100xi32, #tpu.memory_space<hbm>>, %arg3: memref<10240xf32, #tpu.memory_space<hbm>>, %arg4: memref<2x10240xf32, #tpu.memory_space<hbm>>, %arg5: memref<10240xf32, #tpu.memory_space<vmem_shared>>, %arg6: memref<100x1x100xi32, #tpu.memory_space<vmem>>, %arg7: memref<100xf32, #tpu.memory_space<vmem>>, %arg8: memref<!tpu.dma_semaphore, #tpu.memory_space<semaphore_mem>>) attributes {dimension_semantics = [#tpu.dimension_semantics<core_parallel>, #tpu.dimension_semantics<subcore_parallel>], iteration_bounds = array<i64: 2, 16>, scalar_prefetch = 0 : i64, scratch_operands = 4 : i64, tpu.core_type = #tpu.core_type<sc_vector_subcore>, window_params = [{transform_indices = #map}, {transform_indices = #map1}, {transform_indices = #map2}]} {
    %mul3A = arith.constant 2 : i32
    %mul3A_0 = arith.muli %arg1, %mul3A : i32
    %add3A = arith.addi %mul3A_0, %arg0 : i32
    %mul3A_1 = arith.constant 640 : i32
    %mul3A_2 = arith.muli %arg1, %mul3A_1 : i32
    "tpu.region"() ({
      %run_scoped3A = tpu.sem_alloc : memref<!tpu.dma_semaphore, #tpu.memory_space<semaphore_mem>>
      %dma_start3A = tpu.memref_slice %arg5[%mul3A_2] : memref<10240xf32, #tpu.memory_space<vmem_shared>> -> memref<640xf32, #tpu.memory_space<vmem_shared>>
      %dma_start3A_17 = tpu.memref_slice %arg3[%mul3A_2] : memref<10240xf32, #tpu.memory_space<hbm>> -> memref<640xf32, #tpu.memory_space<hbm>>
      tpu.enqueue_dma source(%dma_start3A_17 : memref<640xf32, #tpu.memory_space<hbm>>) target(%dma_start3A : memref<640xf32, #tpu.memory_space<vmem_shared>>) target_semaphore(%run_scoped3A : memref<!tpu.dma_semaphore, #tpu.memory_space<semaphore_mem>>)
      %dma_wait3A = tpu.memref_slice %arg5[%mul3A_2] : memref<10240xf32, #tpu.memory_space<vmem_shared>> -> memref<640xf32, #tpu.memory_space<vmem_shared>>
      %dma_wait3A_18 = tpu.memref_slice %arg3[%mul3A_2] : memref<10240xf32, #tpu.memory_space<hbm>> -> memref<640xf32, #tpu.memory_space<hbm>>
      tpu.wait_dma2 semaphore(%run_scoped3A : memref<!tpu.dma_semaphore, #tpu.memory_space<semaphore_mem>>) src(%dma_wait3A_18 : memref<640xf32, #tpu.memory_space<hbm>>) dst(%dma_wait3A : memref<640xf32, #tpu.memory_space<vmem_shared>>)
      tpu.yield
    }) : () -> ()
    "tpu.region"() ({
      %run_scoped3A = tpu.sem_alloc : memref<!tpu.dma_semaphore, #tpu.memory_space<semaphore_mem>>
      %dma_start3A = arith.constant 0 : i32
      %dma_start3A_17 = tpu.memref_slice %arg3[%dma_start3A] : memref<10240xf32, #tpu.memory_space<hbm>> -> memref<100xf32, #tpu.memory_space<hbm>>
      %dma_start3A_18 = arith.constant 0 : i32
      %dma_start3A_19 = tpu.memref_slice %arg3[%dma_start3A_18] : memref<10240xf32, #tpu.memory_space<hbm>> -> memref<100xf32, #tpu.memory_space<hbm>>
      tpu.enqueue_dma source(%dma_start3A_19 : memref<100xf32, #tpu.memory_space<hbm>>) target(%arg7 : memref<100xf32, #tpu.memory_space<vmem>>) target_semaphore(%run_scoped3A : memref<!tpu.dma_semaphore, #tpu.memory_space<semaphore_mem>>)
      %dma_wait3A = arith.constant 0 : i32
      %dma_wait3A_20 = tpu.memref_slice %arg3[%dma_wait3A] : memref<10240xf32, #tpu.memory_space<hbm>> -> memref<100xf32, #tpu.memory_space<hbm>>
      %dma_wait3A_21 = arith.constant 0 : i32
      %dma_wait3A_22 = tpu.memref_slice %arg3[%dma_wait3A_21] : memref<10240xf32, #tpu.memory_space<hbm>> -> memref<100xf32, #tpu.memory_space<hbm>>
      tpu.wait_dma2 semaphore(%run_scoped3A : memref<!tpu.dma_semaphore, #tpu.memory_space<semaphore_mem>>) src(%dma_wait3A_22 : memref<100xf32, #tpu.memory_space<hbm>>) dst(%arg7 : memref<100xf32, #tpu.memory_space<vmem>>)
      tpu.yield
    }) : () -> ()
    %barrier3A = arith.constant 0 : index
    tpu.barrier barrier_id(%barrier3A)
    %mul3A_3 = arith.constant 100 : i32
    %mul3A_4 = arith.muli %add3A, %mul3A_3 : i32
    "tpu.region"() ({
      %run_scoped3A = tpu.sem_alloc : memref<!tpu.dma_semaphore, #tpu.memory_space<semaphore_mem>>
      %dma_start3A = arith.constant 0 : i32
      %dma_start3A_17 = arith.constant 0 : i32
      %dma_start3A_18 = tpu.memref_slice %arg2[%mul3A_4, %dma_start3A, %dma_start3A_17] : memref<3200x1x100xi32, #tpu.memory_space<hbm>> -> memref<100x1x100xi32, #tpu.memory_space<hbm>>
      %dma_start3A_19 = arith.constant 0 : i32
      %dma_start3A_20 = arith.constant 0 : i32
      %dma_start3A_21 = tpu.memref_slice %arg2[%mul3A_4, %dma_start3A_19, %dma_start3A_20] : memref<3200x1x100xi32, #tpu.memory_space<hbm>> -> memref<100x1x100xi32, #tpu.memory_space<hbm>>
      tpu.enqueue_dma source(%dma_start3A_21 : memref<100x1x100xi32, #tpu.memory_space<hbm>>) target(%arg6 : memref<100x1x100xi32, #tpu.memory_space<vmem>>) target_semaphore(%run_scoped3A : memref<!tpu.dma_semaphore, #tpu.memory_space<semaphore_mem>>)
      %dma_wait3A = arith.constant 0 : i32
      %dma_wait3A_22 = arith.constant 0 : i32
      %dma_wait3A_23 = tpu.memref_slice %arg2[%mul3A_4, %dma_wait3A, %dma_wait3A_22] : memref<3200x1x100xi32, #tpu.memory_space<hbm>> -> memref<100x1x100xi32, #tpu.memory_space<hbm>>
      %dma_wait3A_24 = arith.constant 0 : i32
      %dma_wait3A_25 = arith.constant 0 : i32
      %dma_wait3A_26 = tpu.memref_slice %arg2[%mul3A_4, %dma_wait3A_24, %dma_wait3A_25] : memref<3200x1x100xi32, #tpu.memory_space<hbm>> -> memref<100x1x100xi32, #tpu.memory_space<hbm>>
      tpu.wait_dma2 semaphore(%run_scoped3A : memref<!tpu.dma_semaphore, #tpu.memory_space<semaphore_mem>>) src(%dma_wait3A_26 : memref<100x1x100xi32, #tpu.memory_space<hbm>>) dst(%arg6 : memref<100x1x100xi32, #tpu.memory_space<vmem>>)
      tpu.yield
    }) : () -> ()
    %scan3A = arith.constant 0 : i32
    %scan3A_5 = arith.constant 0 : i32
    %scan3A_6 = arith.constant 100 : i32
    %scan3A_7 = arith.addi %scan3A_5, %scan3A_6 : i32
    %scan3A_8 = arith.constant 1 : i32
    scf.for %scan3A_17 = %scan3A_5 to %scan3A_7 step %scan3A_8  : i32 {
      %dma_start3A = arith.constant 0 : i32
      %dma_start3A_18 = arith.constant 0 : i32
      %dma_start3A_19 = tpu.memref_slice %arg6[%scan3A_17, %dma_start3A, %dma_start3A_18] : memref<100x1x100xi32, #tpu.memory_space<vmem>> -> memref<1x1x100xi32, #tpu.memory_space<vmem>>
      %dma_start3A_20 = tpu.memref_squeeze %dma_start3A_19 : memref<1x1x100xi32, #tpu.memory_space<vmem>> -> memref<100xi32, #tpu.memory_space<vmem>>
      %dma_start3A_21 = arith.constant 0 : i32
      %dma_start3A_22 = tpu.memref_slice %arg5[%dma_start3A_21] : memref<10240xf32, #tpu.memory_space<vmem_shared>> -> memref<10240xf32, #tpu.memory_space<vmem_shared>>
      tpu.enqueue_indirect_dma source(%arg7 : memref<100xf32, #tpu.memory_space<vmem>>) target(%dma_start3A_22 : memref<10240xf32, #tpu.memory_space<vmem_shared>>) offsets(%dma_start3A_20 : memref<100xi32, #tpu.memory_space<vmem>>) semaphore(%arg8 : memref<!tpu.dma_semaphore, #tpu.memory_space<semaphore_mem>>) {add = true}
    }
    %scan3A_9 = arith.constant 100 : i32
    %scan3A_10 = arith.constant 0 : i32
    %scan3A_11 = arith.constant 0 : i32
    %scan3A_12 = arith.constant 100 : i32
    %scan3A_13 = arith.addi %scan3A_11, %scan3A_12 : i32
    %scan3A_14 = arith.constant 1 : i32
    scf.for %scan3A_17 = %scan3A_11 to %scan3A_13 step %scan3A_14  : i32 {
      %dma_wait3A = arith.constant 0 : i32
      %dma_wait3A_18 = arith.constant 0 : i32
      %dma_wait3A_19 = arith.constant 0 : i32
      %dma_wait3A_20 = tpu.memref_slice %arg6[%dma_wait3A, %dma_wait3A_18, %dma_wait3A_19] : memref<100x1x100xi32, #tpu.memory_space<vmem>> -> memref<1x1x100xi32, #tpu.memory_space<vmem>>
      %dma_wait3A_21 = tpu.memref_squeeze %dma_wait3A_20 : memref<1x1x100xi32, #tpu.memory_space<vmem>> -> memref<100xi32, #tpu.memory_space<vmem>>
      %dma_wait3A_22 = arith.constant 0 : i32
      %dma_wait3A_23 = tpu.memref_slice %arg5[%dma_wait3A_22] : memref<10240xf32, #tpu.memory_space<vmem_shared>> -> memref<10240xf32, #tpu.memory_space<vmem_shared>>
      tpu.wait_indirect_dma semaphore(%arg8 : memref<!tpu.dma_semaphore, #tpu.memory_space<semaphore_mem>>) src(%arg7 : memref<100xf32, #tpu.memory_space<vmem>>) dst(%dma_wait3A_23 : memref<10240xf32, #tpu.memory_space<vmem_shared>>)
    }
    %scan3A_15 = arith.constant 100 : i32
    %barrier3A_16 = arith.constant 0 : index
    tpu.barrier barrier_id(%barrier3A_16)
    "tpu.region"() ({
      %run_scoped3A = tpu.sem_alloc : memref<!tpu.dma_semaphore, #tpu.memory_space<semaphore_mem>>
      %dma_start3A = arith.constant 0 : i32
      %dma_start3A_17 = tpu.memref_slice %arg4[%arg0, %dma_start3A] : memref<2x10240xf32, #tpu.memory_space<hbm>> -> memref<1x10240xf32, #tpu.memory_space<hbm>>
      %dma_start3A_18 = tpu.memref_squeeze %dma_start3A_17 : memref<1x10240xf32, #tpu.memory_space<hbm>> -> memref<10240xf32, #tpu.memory_space<hbm>>
      %dma_start3A_19 = tpu.memref_slice %dma_start3A_18[%mul3A_2] : memref<10240xf32, #tpu.memory_space<hbm>> -> memref<640xf32, #tpu.memory_space<hbm>>
      %dma_start3A_20 = tpu.memref_slice %arg5[%mul3A_2] : memref<10240xf32, #tpu.memory_space<vmem_shared>> -> memref<640xf32, #tpu.memory_space<vmem_shared>>
      tpu.enqueue_dma source(%dma_start3A_20 : memref<640xf32, #tpu.memory_space<vmem_shared>>) target(%dma_start3A_19 : memref<640xf32, #tpu.memory_space<hbm>>) target_semaphore(%run_scoped3A : memref<!tpu.dma_semaphore, #tpu.memory_space<semaphore_mem>>)
      %dma_wait3A = arith.constant 0 : i32
      %dma_wait3A_21 = tpu.memref_slice %arg4[%arg0, %dma_wait3A] : memref<2x10240xf32, #tpu.memory_space<hbm>> -> memref<1x10240xf32, #tpu.memory_space<hbm>>
      %dma_wait3A_22 = tpu.memref_squeeze %dma_wait3A_21 : memref<1x10240xf32, #tpu.memory_space<hbm>> -> memref<10240xf32, #tpu.memory_space<hbm>>
      %dma_wait3A_23 = tpu.memref_slice %dma_wait3A_22[%mul3A_2] : memref<10240xf32, #tpu.memory_space<hbm>> -> memref<640xf32, #tpu.memory_space<hbm>>
      %dma_wait3A_24 = tpu.memref_slice %arg5[%mul3A_2] : memref<10240xf32, #tpu.memory_space<vmem_shared>> -> memref<640xf32, #tpu.memory_space<vmem_shared>>
      tpu.wait_dma2 semaphore(%run_scoped3A : memref<!tpu.dma_semaphore, #tpu.memory_space<semaphore_mem>>) src(%dma_wait3A_24 : memref<640xf32, #tpu.memory_space<vmem_shared>>) dst(%dma_wait3A_23 : memref<640xf32, #tpu.memory_space<hbm>>)
      tpu.yield
    }) : () -> ()
    return
  }
}

#map = affine_map<(d0, d1) -> (0, 0)>
#map1 = affine_map<(d0, d1) -> (0, 0, 0)>
module attributes {stable_mosaic.version = 14 : i64} {
  func.func @k(%arg0: i32, %arg1: i32, %arg2: memref<10240x128xf32, #tpu.memory_space<hbm>>, %arg3: memref<3200x1x100xi32, #tpu.memory_space<hbm>>, %arg4: memref<3200x1x100xi32, #tpu.memory_space<hbm>>, %arg5: memref<2x10240x128xf32, #tpu.memory_space<hbm>>, %arg6: memref<10240x128xf32, #tpu.memory_space<vmem_shared>>, %arg7: memref<25x1x100xi32, #tpu.memory_space<vmem>>, %arg8: memref<25x1x100xi32, #tpu.memory_space<vmem>>, %arg9: memref<3x100x128xf32, #tpu.memory_space<vmem>>, %arg10: memref<!tpu.dma_semaphore, #tpu.memory_space<semaphore_mem>>, %arg11: memref<!tpu.dma_semaphore, #tpu.memory_space<semaphore_mem>>) attributes {dimension_semantics = [#tpu.dimension_semantics<core_parallel>, #tpu.dimension_semantics<subcore_parallel>], iteration_bounds = array<i64: 2, 16>, scalar_prefetch = 0 : i64, scratch_operands = 6 : i64, tpu.core_type = #tpu.core_type<sc_vector_subcore>, window_params = [{transform_indices = #map}, {transform_indices = #map1}, {transform_indices = #map1}, {transform_indices = #map1}]} {
    %mul3A = arith.constant 2 : i32
    %mul3A_0 = arith.muli %arg1, %mul3A : i32
    %add3A = arith.addi %mul3A_0, %arg0 : i32
    %mul3A_1 = arith.constant 640 : i32
    %mul3A_2 = arith.muli %arg1, %mul3A_1 : i32
    "tpu.region"() ({
      %run_scoped3A = tpu.sem_alloc : memref<!tpu.dma_semaphore, #tpu.memory_space<semaphore_mem>>
      %dma_start3A_213 = arith.constant 0 : i32
      %dma_start3A_214 = tpu.memref_slice %arg6[%mul3A_2, %dma_start3A_213] : memref<10240x128xf32, #tpu.memory_space<vmem_shared>> -> memref<640x128xf32, #tpu.memory_space<vmem_shared>>
      %dma_start3A_215 = arith.constant 0 : i32
      %dma_start3A_216 = tpu.memref_slice %arg2[%mul3A_2, %dma_start3A_215] : memref<10240x128xf32, #tpu.memory_space<hbm>> -> memref<640x128xf32, #tpu.memory_space<hbm>>
      tpu.enqueue_dma source(%dma_start3A_216 : memref<640x128xf32, #tpu.memory_space<hbm>>) target(%dma_start3A_214 : memref<640x128xf32, #tpu.memory_space<vmem_shared>>) target_semaphore(%run_scoped3A : memref<!tpu.dma_semaphore, #tpu.memory_space<semaphore_mem>>)
      %dma_wait3A_217 = arith.constant 0 : i32
      %dma_wait3A_218 = tpu.memref_slice %arg6[%mul3A_2, %dma_wait3A_217] : memref<10240x128xf32, #tpu.memory_space<vmem_shared>> -> memref<640x128xf32, #tpu.memory_space<vmem_shared>>
      %dma_wait3A_219 = arith.constant 0 : i32
      %dma_wait3A_220 = tpu.memref_slice %arg2[%mul3A_2, %dma_wait3A_219] : memref<10240x128xf32, #tpu.memory_space<hbm>> -> memref<640x128xf32, #tpu.memory_space<hbm>>
      tpu.wait_dma2 semaphore(%run_scoped3A : memref<!tpu.dma_semaphore, #tpu.memory_space<semaphore_mem>>) src(%dma_wait3A_220 : memref<640x128xf32, #tpu.memory_space<hbm>>) dst(%dma_wait3A_218 : memref<640x128xf32, #tpu.memory_space<vmem_shared>>)
      tpu.yield
    }) : () -> ()
    %barrier3A = arith.constant 0 : index
    tpu.barrier barrier_id(%barrier3A)
    %mul3A_3 = arith.constant 100 : i32
    %mul3A_4 = arith.muli %add3A, %mul3A_3 : i32
    %add3A_5 = arith.constant 0 : i32
    %add3A_6 = arith.addi %mul3A_4, %add3A_5 : i32
    "tpu.region"() ({
      %run_scoped3A = tpu.sem_alloc : memref<!tpu.dma_semaphore, #tpu.memory_space<semaphore_mem>>
      %dma_start3A_213 = arith.constant 0 : i32
      %dma_start3A_214 = arith.constant 0 : i32
      %dma_start3A_215 = tpu.memref_slice %arg3[%add3A_6, %dma_start3A_213, %dma_start3A_214] : memref<3200x1x100xi32, #tpu.memory_space<hbm>> -> memref<25x1x100xi32, #tpu.memory_space<hbm>>
      %dma_start3A_216 = arith.constant 0 : i32
      %dma_start3A_217 = arith.constant 0 : i32
      %dma_start3A_218 = tpu.memref_slice %arg3[%add3A_6, %dma_start3A_216, %dma_start3A_217] : memref<3200x1x100xi32, #tpu.memory_space<hbm>> -> memref<25x1x100xi32, #tpu.memory_space<hbm>>
      tpu.enqueue_dma source(%dma_start3A_218 : memref<25x1x100xi32, #tpu.memory_space<hbm>>) target(%arg7 : memref<25x1x100xi32, #tpu.memory_space<vmem>>) target_semaphore(%run_scoped3A : memref<!tpu.dma_semaphore, #tpu.memory_space<semaphore_mem>>)
      %dma_wait3A_219 = arith.constant 0 : i32
      %dma_wait3A_220 = arith.constant 0 : i32
      %dma_wait3A_221 = tpu.memref_slice %arg3[%add3A_6, %dma_wait3A_219, %dma_wait3A_220] : memref<3200x1x100xi32, #tpu.memory_space<hbm>> -> memref<25x1x100xi32, #tpu.memory_space<hbm>>
      %dma_wait3A_222 = arith.constant 0 : i32
      %dma_wait3A_223 = arith.constant 0 : i32
      %dma_wait3A_224 = tpu.memref_slice %arg3[%add3A_6, %dma_wait3A_222, %dma_wait3A_223] : memref<3200x1x100xi32, #tpu.memory_space<hbm>> -> memref<25x1x100xi32, #tpu.memory_space<hbm>>
      tpu.wait_dma2 semaphore(%run_scoped3A : memref<!tpu.dma_semaphore, #tpu.memory_space<semaphore_mem>>) src(%dma_wait3A_224 : memref<25x1x100xi32, #tpu.memory_space<hbm>>) dst(%arg7 : memref<25x1x100xi32, #tpu.memory_space<vmem>>)
      tpu.yield
    }) : () -> ()
    %mul3A_7 = arith.constant 100 : i32
    %mul3A_8 = arith.muli %add3A, %mul3A_7 : i32
    %add3A_9 = arith.constant 0 : i32
    %add3A_10 = arith.addi %mul3A_8, %add3A_9 : i32
    "tpu.region"() ({
      %run_scoped3A = tpu.sem_alloc : memref<!tpu.dma_semaphore, #tpu.memory_space<semaphore_mem>>
      %dma_start3A_213 = arith.constant 0 : i32
      %dma_start3A_214 = arith.constant 0 : i32
      %dma_start3A_215 = tpu.memref_slice %arg4[%add3A_10, %dma_start3A_213, %dma_start3A_214] : memref<3200x1x100xi32, #tpu.memory_space<hbm>> -> memref<25x1x100xi32, #tpu.memory_space<hbm>>
      %dma_start3A_216 = arith.constant 0 : i32
      %dma_start3A_217 = arith.constant 0 : i32
      %dma_start3A_218 = tpu.memref_slice %arg4[%add3A_10, %dma_start3A_216, %dma_start3A_217] : memref<3200x1x100xi32, #tpu.memory_space<hbm>> -> memref<25x1x100xi32, #tpu.memory_space<hbm>>
      tpu.enqueue_dma source(%dma_start3A_218 : memref<25x1x100xi32, #tpu.memory_space<hbm>>) target(%arg8 : memref<25x1x100xi32, #tpu.memory_space<vmem>>) target_semaphore(%run_scoped3A : memref<!tpu.dma_semaphore, #tpu.memory_space<semaphore_mem>>)
      %dma_wait3A_219 = arith.constant 0 : i32
      %dma_wait3A_220 = arith.constant 0 : i32
      %dma_wait3A_221 = tpu.memref_slice %arg4[%add3A_10, %dma_wait3A_219, %dma_wait3A_220] : memref<3200x1x100xi32, #tpu.memory_space<hbm>> -> memref<25x1x100xi32, #tpu.memory_space<hbm>>
      %dma_wait3A_222 = arith.constant 0 : i32
      %dma_wait3A_223 = arith.constant 0 : i32
      %dma_wait3A_224 = tpu.memref_slice %arg4[%add3A_10, %dma_wait3A_222, %dma_wait3A_223] : memref<3200x1x100xi32, #tpu.memory_space<hbm>> -> memref<25x1x100xi32, #tpu.memory_space<hbm>>
      tpu.wait_dma2 semaphore(%run_scoped3A : memref<!tpu.dma_semaphore, #tpu.memory_space<semaphore_mem>>) src(%dma_wait3A_224 : memref<25x1x100xi32, #tpu.memory_space<hbm>>) dst(%arg8 : memref<25x1x100xi32, #tpu.memory_space<vmem>>)
      tpu.yield
    }) : () -> ()
    %dma_start3A = arith.constant 0 : i32
    %dma_start3A_11 = arith.constant 0 : i32
    %dma_start3A_12 = arith.constant 0 : i32
    %dma_start3A_13 = arith.constant 0 : i32
    %dma_start3A_14 = arith.constant 0 : i32
    %dma_start3A_15 = tpu.memref_slice %arg9[%dma_start3A_12, %dma_start3A_13, %dma_start3A_14] : memref<3x100x128xf32, #tpu.memory_space<vmem>> -> memref<1x100x128xf32, #tpu.memory_space<vmem>>
    %dma_start3A_16 = tpu.memref_squeeze %dma_start3A_15 : memref<1x100x128xf32, #tpu.memory_space<vmem>> -> memref<100x128xf32, #tpu.memory_space<vmem>>
    %dma_start3A_17 = arith.constant 0 : i32
    %dma_start3A_18 = tpu.memref_slice %arg7[%dma_start3A, %dma_start3A_11, %dma_start3A_17] : memref<25x1x100xi32, #tpu.memory_space<vmem>> -> memref<1x1x100xi32, #tpu.memory_space<vmem>>
    %dma_start3A_19 = tpu.memref_squeeze %dma_start3A_18 : memref<1x1x100xi32, #tpu.memory_space<vmem>> -> memref<100xi32, #tpu.memory_space<vmem>>
    %dma_start3A_20 = arith.constant 0 : i32
    %dma_start3A_21 = arith.constant 0 : i32
    %dma_start3A_22 = tpu.memref_slice %arg2[%dma_start3A_20, %dma_start3A_21] : memref<10240x128xf32, #tpu.memory_space<hbm>> -> memref<10240x128xf32, #tpu.memory_space<hbm>>
    tpu.enqueue_indirect_dma source(%dma_start3A_22 : memref<10240x128xf32, #tpu.memory_space<hbm>>) target(%dma_start3A_16 : memref<100x128xf32, #tpu.memory_space<vmem>>) offsets(%dma_start3A_19 : memref<100xi32, #tpu.memory_space<vmem>>) semaphore(%arg10 : memref<!tpu.dma_semaphore, #tpu.memory_space<semaphore_mem>>)
    %dma_start3A_23 = arith.constant 1 : i32
    %dma_start3A_24 = arith.constant 0 : i32
    %dma_start3A_25 = arith.constant 1 : i32
    %dma_start3A_26 = arith.constant 0 : i32
    %dma_start3A_27 = arith.constant 0 : i32
    %dma_start3A_28 = tpu.memref_slice %arg9[%dma_start3A_25, %dma_start3A_26, %dma_start3A_27] : memref<3x100x128xf32, #tpu.memory_space<vmem>> -> memref<1x100x128xf32, #tpu.memory_space<vmem>>
    %dma_start3A_29 = tpu.memref_squeeze %dma_start3A_28 : memref<1x100x128xf32, #tpu.memory_space<vmem>> -> memref<100x128xf32, #tpu.memory_space<vmem>>
    %dma_start3A_30 = arith.constant 0 : i32
    %dma_start3A_31 = tpu.memref_slice %arg7[%dma_start3A_23, %dma_start3A_24, %dma_start3A_30] : memref<25x1x100xi32, #tpu.memory_space<vmem>> -> memref<1x1x100xi32, #tpu.memory_space<vmem>>
    %dma_start3A_32 = tpu.memref_squeeze %dma_start3A_31 : memref<1x1x100xi32, #tpu.memory_space<vmem>> -> memref<100xi32, #tpu.memory_space<vmem>>
    %dma_start3A_33 = arith.constant 0 : i32
    %dma_start3A_34 = arith.constant 0 : i32
    %dma_start3A_35 = tpu.memref_slice %arg2[%dma_start3A_33, %dma_start3A_34] : memref<10240x128xf32, #tpu.memory_space<hbm>> -> memref<10240x128xf32, #tpu.memory_space<hbm>>
    tpu.enqueue_indirect_dma source(%dma_start3A_35 : memref<10240x128xf32, #tpu.memory_space<hbm>>) target(%dma_start3A_29 : memref<100x128xf32, #tpu.memory_space<vmem>>) offsets(%dma_start3A_32 : memref<100xi32, #tpu.memory_space<vmem>>) semaphore(%arg10 : memref<!tpu.dma_semaphore, #tpu.memory_space<semaphore_mem>>)
    %scan3A = arith.constant 0 : i32
    %scan3A_36 = arith.constant 0 : i32
    %scan3A_37 = arith.constant 25 : i32
    %scan3A_38 = arith.addi %scan3A_36, %scan3A_37 : i32
    %scan3A_39 = arith.constant 1 : i32
    scf.for %scan3A_213 = %scan3A_36 to %scan3A_38 step %scan3A_39  : i32 {
      %rem3A = arith.constant 3 : i32
      %rem3A_214 = arith.remsi %scan3A_213, %rem3A : i32
      %dma_wait3A_215 = arith.constant 0 : i32
      %dma_wait3A_216 = arith.constant 0 : i32
      %dma_wait3A_217 = arith.constant 0 : i32
      %dma_wait3A_218 = tpu.memref_slice %arg9[%rem3A_214, %dma_wait3A_216, %dma_wait3A_217] : memref<3x100x128xf32, #tpu.memory_space<vmem>> -> memref<1x100x128xf32, #tpu.memory_space<vmem>>
      %dma_wait3A_219 = tpu.memref_squeeze %dma_wait3A_218 : memref<1x100x128xf32, #tpu.memory_space<vmem>> -> memref<100x128xf32, #tpu.memory_space<vmem>>
      %dma_wait3A_220 = arith.constant 0 : i32
      %dma_wait3A_221 = tpu.memref_slice %arg7[%scan3A_213, %dma_wait3A_215, %dma_wait3A_220] : memref<25x1x100xi32, #tpu.memory_space<vmem>> -> memref<1x1x100xi32, #tpu.memory_space<vmem>>
      %dma_wait3A_222 = tpu.memref_squeeze %dma_wait3A_221 : memref<1x1x100xi32, #tpu.memory_space<vmem>> -> memref<100xi32, #tpu.memory_space<vmem>>
      %dma_wait3A_223 = arith.constant 0 : i32
      %dma_wait3A_224 = arith.constant 0 : i32
      %dma_wait3A_225 = tpu.memref_slice %arg2[%dma_wait3A_223, %dma_wait3A_224] : memref<10240x128xf32, #tpu.memory_space<hbm>> -> memref<10240x128xf32, #tpu.memory_space<hbm>>
      tpu.wait_indirect_dma semaphore(%arg10 : memref<!tpu.dma_semaphore, #tpu.memory_space<semaphore_mem>>) src(%dma_wait3A_225 : memref<10240x128xf32, #tpu.memory_space<hbm>>) dst(%dma_wait3A_219 : memref<100x128xf32, #tpu.memory_space<vmem>>)
      %dma_start3A_226 = arith.constant 0 : i32
      %dma_start3A_227 = arith.constant 0 : i32
      %dma_start3A_228 = arith.constant 0 : i32
      %dma_start3A_229 = tpu.memref_slice %arg9[%rem3A_214, %dma_start3A_227, %dma_start3A_228] : memref<3x100x128xf32, #tpu.memory_space<vmem>> -> memref<1x100x128xf32, #tpu.memory_space<vmem>>
      %dma_start3A_230 = tpu.memref_squeeze %dma_start3A_229 : memref<1x100x128xf32, #tpu.memory_space<vmem>> -> memref<100x128xf32, #tpu.memory_space<vmem>>
      %dma_start3A_231 = arith.constant 0 : i32
      %dma_start3A_232 = tpu.memref_slice %arg8[%scan3A_213, %dma_start3A_226, %dma_start3A_231] : memref<25x1x100xi32, #tpu.memory_space<vmem>> -> memref<1x1x100xi32, #tpu.memory_space<vmem>>
      %dma_start3A_233 = tpu.memref_squeeze %dma_start3A_232 : memref<1x1x100xi32, #tpu.memory_space<vmem>> -> memref<100xi32, #tpu.memory_space<vmem>>
      %dma_start3A_234 = arith.constant 0 : i32
      %dma_start3A_235 = arith.constant 0 : i32
      %dma_start3A_236 = tpu.memref_slice %arg6[%dma_start3A_234, %dma_start3A_235] : memref<10240x128xf32, #tpu.memory_space<vmem_shared>> -> memref<10240x128xf32, #tpu.memory_space<vmem_shared>>
      tpu.enqueue_indirect_dma source(%dma_start3A_230 : memref<100x128xf32, #tpu.memory_space<vmem>>) target(%dma_start3A_236 : memref<10240x128xf32, #tpu.memory_space<vmem_shared>>) offsets(%dma_start3A_233 : memref<100xi32, #tpu.memory_space<vmem>>) semaphore(%arg11 : memref<!tpu.dma_semaphore, #tpu.memory_space<semaphore_mem>>) {add = true}
      %ge3A = arith.constant 1 : i32
      %ge3A_237 = arith.cmpi sge, %scan3A_213, %ge3A : i32
      %convert_element_type3A = arith.extui %ge3A_237 : i1 to i32
      %cond3A = arith.constant 0 : i32
      %cond3A_238 = arith.cmpi ne, %convert_element_type3A, %cond3A : i32
      scf.if %cond3A_238 {
        %dma_wait3A_243 = arith.constant 0 : i32
        %dma_wait3A_244 = arith.constant 0 : i32
        %dma_wait3A_245 = arith.constant 0 : i32
        %dma_wait3A_246 = arith.constant 0 : i32
        %dma_wait3A_247 = arith.constant 0 : i32
        %dma_wait3A_248 = tpu.memref_slice %arg9[%dma_wait3A_243, %dma_wait3A_246, %dma_wait3A_247] : memref<3x100x128xf32, #tpu.memory_space<vmem>> -> memref<1x100x128xf32, #tpu.memory_space<vmem>>
        %dma_wait3A_249 = tpu.memref_squeeze %dma_wait3A_248 : memref<1x100x128xf32, #tpu.memory_space<vmem>> -> memref<100x128xf32, #tpu.memory_space<vmem>>
        %dma_wait3A_250 = arith.constant 0 : i32
        %dma_wait3A_251 = tpu.memref_slice %arg8[%dma_wait3A_244, %dma_wait3A_245, %dma_wait3A_250] : memref<25x1x100xi32, #tpu.memory_space<vmem>> -> memref<1x1x100xi32, #tpu.memory_space<vmem>>
        %dma_wait3A_252 = tpu.memref_squeeze %dma_wait3A_251 : memref<1x1x100xi32, #tpu.memory_space<vmem>> -> memref<100xi32, #tpu.memory_space<vmem>>
        %dma_wait3A_253 = arith.constant 0 : i32
        %dma_wait3A_254 = arith.constant 0 : i32
        %dma_wait3A_255 = tpu.memref_slice %arg6[%dma_wait3A_253, %dma_wait3A_254] : memref<10240x128xf32, #tpu.memory_space<vmem_shared>> -> memref<10240x128xf32, #tpu.memory_space<vmem_shared>>
        tpu.wait_indirect_dma semaphore(%arg11 : memref<!tpu.dma_semaphore, #tpu.memory_space<semaphore_mem>>) src(%dma_wait3A_249 : memref<100x128xf32, #tpu.memory_space<vmem>>) dst(%dma_wait3A_255 : memref<10240x128xf32, #tpu.memory_space<vmem_shared>>)
      } else {
      }
      %lt3A = arith.constant 23 : i32
      %lt3A_239 = arith.cmpi slt, %scan3A_213, %lt3A : i32
      %convert_element_type3A_240 = arith.extui %lt3A_239 : i1 to i32
      %cond3A_241 = arith.constant 0 : i32
      %cond3A_242 = arith.cmpi ne, %convert_element_type3A_240, %cond3A_241 : i32
      scf.if %cond3A_242 {
        %add3A_243 = arith.constant 2 : i32
        %add3A_244 = arith.addi %scan3A_213, %add3A_243 : i32
        %add3A_245 = arith.constant 2 : i32
        %add3A_246 = arith.addi %scan3A_213, %add3A_245 : i32
        %rem3A_247 = arith.constant 3 : i32
        %rem3A_248 = arith.remsi %add3A_246, %rem3A_247 : i32
        %dma_start3A_249 = arith.constant 0 : i32
        %dma_start3A_250 = arith.constant 0 : i32
        %dma_start3A_251 = arith.constant 0 : i32
        %dma_start3A_252 = tpu.memref_slice %arg9[%rem3A_248, %dma_start3A_250, %dma_start3A_251] : memref<3x100x128xf32, #tpu.memory_space<vmem>> -> memref<1x100x128xf32, #tpu.memory_space<vmem>>
        %dma_start3A_253 = tpu.memref_squeeze %dma_start3A_252 : memref<1x100x128xf32, #tpu.memory_space<vmem>> -> memref<100x128xf32, #tpu.memory_space<vmem>>
        %dma_start3A_254 = arith.constant 0 : i32
        %dma_start3A_255 = tpu.memref_slice %arg7[%add3A_244, %dma_start3A_249, %dma_start3A_254] : memref<25x1x100xi32, #tpu.memory_space<vmem>> -> memref<1x1x100xi32, #tpu.memory_space<vmem>>
        %dma_start3A_256 = tpu.memref_squeeze %dma_start3A_255 : memref<1x1x100xi32, #tpu.memory_space<vmem>> -> memref<100xi32, #tpu.memory_space<vmem>>
        %dma_start3A_257 = arith.constant 0 : i32
        %dma_start3A_258 = arith.constant 0 : i32
        %dma_start3A_259 = tpu.memref_slice %arg2[%dma_start3A_257, %dma_start3A_258] : memref<10240x128xf32, #tpu.memory_space<hbm>> -> memref<10240x128xf32, #tpu.memory_space<hbm>>
        tpu.enqueue_indirect_dma source(%dma_start3A_259 : memref<10240x128xf32, #tpu.memory_space<hbm>>) target(%dma_start3A_253 : memref<100x128xf32, #tpu.memory_space<vmem>>) offsets(%dma_start3A_256 : memref<100xi32, #tpu.memory_space<vmem>>) semaphore(%arg10 : memref<!tpu.dma_semaphore, #tpu.memory_space<semaphore_mem>>)
      } else {
      }
    }
    %scan3A_40 = arith.constant 25 : i32
    %dma_wait3A = arith.constant 0 : i32
    %dma_wait3A_41 = arith.constant 0 : i32
    %dma_wait3A_42 = arith.constant 0 : i32
    %dma_wait3A_43 = arith.constant 0 : i32
    %dma_wait3A_44 = arith.constant 0 : i32
    %dma_wait3A_45 = tpu.memref_slice %arg9[%dma_wait3A, %dma_wait3A_43, %dma_wait3A_44] : memref<3x100x128xf32, #tpu.memory_space<vmem>> -> memref<1x100x128xf32, #tpu.memory_space<vmem>>
    %dma_wait3A_46 = tpu.memref_squeeze %dma_wait3A_45 : memref<1x100x128xf32, #tpu.memory_space<vmem>> -> memref<100x128xf32, #tpu.memory_space<vmem>>
    %dma_wait3A_47 = arith.constant 0 : i32
    %dma_wait3A_48 = tpu.memref_slice %arg8[%dma_wait3A_41, %dma_wait3A_42, %dma_wait3A_47] : memref<25x1x100xi32, #tpu.memory_space<vmem>> -> memref<1x1x100xi32, #tpu.memory_space<vmem>>
    %dma_wait3A_49 = tpu.memref_squeeze %dma_wait3A_48 : memref<1x1x100xi32, #tpu.memory_space<vmem>> -> memref<100xi32, #tpu.memory_space<vmem>>
    %dma_wait3A_50 = arith.constant 0 : i32
    %dma_wait3A_51 = arith.constant 0 : i32
    %dma_wait3A_52 = tpu.memref_slice %arg6[%dma_wait3A_50, %dma_wait3A_51] : memref<10240x128xf32, #tpu.memory_space<vmem_shared>> -> memref<10240x128xf32, #tpu.memory_space<vmem_shared>>
    tpu.wait_indirect_dma semaphore(%arg11 : memref<!tpu.dma_semaphore, #tpu.memory_space<semaphore_mem>>) src(%dma_wait3A_46 : memref<100x128xf32, #tpu.memory_space<vmem>>) dst(%dma_wait3A_52 : memref<10240x128xf32, #tpu.memory_space<vmem_shared>>)
    %mul3A_53 = arith.constant 100 : i32
    %mul3A_54 = arith.muli %add3A, %mul3A_53 : i32
    %add3A_55 = arith.constant 25 : i32
    %add3A_56 = arith.addi %mul3A_54, %add3A_55 : i32
    "tpu.region"() ({
      %run_scoped3A = tpu.sem_alloc : memref<!tpu.dma_semaphore, #tpu.memory_space<semaphore_mem>>
      %dma_start3A_213 = arith.constant 0 : i32
      %dma_start3A_214 = arith.constant 0 : i32
      %dma_start3A_215 = tpu.memref_slice %arg3[%add3A_56, %dma_start3A_213, %dma_start3A_214] : memref<3200x1x100xi32, #tpu.memory_space<hbm>> -> memref<25x1x100xi32, #tpu.memory_space<hbm>>
      %dma_start3A_216 = arith.constant 0 : i32
      %dma_start3A_217 = arith.constant 0 : i32
      %dma_start3A_218 = tpu.memref_slice %arg3[%add3A_56, %dma_start3A_216, %dma_start3A_217] : memref<3200x1x100xi32, #tpu.memory_space<hbm>> -> memref<25x1x100xi32, #tpu.memory_space<hbm>>
      tpu.enqueue_dma source(%dma_start3A_218 : memref<25x1x100xi32, #tpu.memory_space<hbm>>) target(%arg7 : memref<25x1x100xi32, #tpu.memory_space<vmem>>) target_semaphore(%run_scoped3A : memref<!tpu.dma_semaphore, #tpu.memory_space<semaphore_mem>>)
      %dma_wait3A_219 = arith.constant 0 : i32
      %dma_wait3A_220 = arith.constant 0 : i32
      %dma_wait3A_221 = tpu.memref_slice %arg3[%add3A_56, %dma_wait3A_219, %dma_wait3A_220] : memref<3200x1x100xi32, #tpu.memory_space<hbm>> -> memref<25x1x100xi32, #tpu.memory_space<hbm>>
      %dma_wait3A_222 = arith.constant 0 : i32
      %dma_wait3A_223 = arith.constant 0 : i32
      %dma_wait3A_224 = tpu.memref_slice %arg3[%add3A_56, %dma_wait3A_222, %dma_wait3A_223] : memref<3200x1x100xi32, #tpu.memory_space<hbm>> -> memref<25x1x100xi32, #tpu.memory_space<hbm>>
      tpu.wait_dma2 semaphore(%run_scoped3A : memref<!tpu.dma_semaphore, #tpu.memory_space<semaphore_mem>>) src(%dma_wait3A_224 : memref<25x1x100xi32, #tpu.memory_space<hbm>>) dst(%arg7 : memref<25x1x100xi32, #tpu.memory_space<vmem>>)
      tpu.yield
    }) : () -> ()
    %mul3A_57 = arith.constant 100 : i32
    %mul3A_58 = arith.muli %add3A, %mul3A_57 : i32
    %add3A_59 = arith.constant 25 : i32
    %add3A_60 = arith.addi %mul3A_58, %add3A_59 : i32
    "tpu.region"() ({
      %run_scoped3A = tpu.sem_alloc : memref<!tpu.dma_semaphore, #tpu.memory_space<semaphore_mem>>
      %dma_start3A_213 = arith.constant 0 : i32
      %dma_start3A_214 = arith.constant 0 : i32
      %dma_start3A_215 = tpu.memref_slice %arg4[%add3A_60, %dma_start3A_213, %dma_start3A_214] : memref<3200x1x100xi32, #tpu.memory_space<hbm>> -> memref<25x1x100xi32, #tpu.memory_space<hbm>>
      %dma_start3A_216 = arith.constant 0 : i32
      %dma_start3A_217 = arith.constant 0 : i32
      %dma_start3A_218 = tpu.memref_slice %arg4[%add3A_60, %dma_start3A_216, %dma_start3A_217] : memref<3200x1x100xi32, #tpu.memory_space<hbm>> -> memref<25x1x100xi32, #tpu.memory_space<hbm>>
      tpu.enqueue_dma source(%dma_start3A_218 : memref<25x1x100xi32, #tpu.memory_space<hbm>>) target(%arg8 : memref<25x1x100xi32, #tpu.memory_space<vmem>>) target_semaphore(%run_scoped3A : memref<!tpu.dma_semaphore, #tpu.memory_space<semaphore_mem>>)
      %dma_wait3A_219 = arith.constant 0 : i32
      %dma_wait3A_220 = arith.constant 0 : i32
      %dma_wait3A_221 = tpu.memref_slice %arg4[%add3A_60, %dma_wait3A_219, %dma_wait3A_220] : memref<3200x1x100xi32, #tpu.memory_space<hbm>> -> memref<25x1x100xi32, #tpu.memory_space<hbm>>
      %dma_wait3A_222 = arith.constant 0 : i32
      %dma_wait3A_223 = arith.constant 0 : i32
      %dma_wait3A_224 = tpu.memref_slice %arg4[%add3A_60, %dma_wait3A_222, %dma_wait3A_223] : memref<3200x1x100xi32, #tpu.memory_space<hbm>> -> memref<25x1x100xi32, #tpu.memory_space<hbm>>
      tpu.wait_dma2 semaphore(%run_scoped3A : memref<!tpu.dma_semaphore, #tpu.memory_space<semaphore_mem>>) src(%dma_wait3A_224 : memref<25x1x100xi32, #tpu.memory_space<hbm>>) dst(%arg8 : memref<25x1x100xi32, #tpu.memory_space<vmem>>)
      tpu.yield
    }) : () -> ()
    %dma_start3A_61 = arith.constant 0 : i32
    %dma_start3A_62 = arith.constant 0 : i32
    %dma_start3A_63 = arith.constant 0 : i32
    %dma_start3A_64 = arith.constant 0 : i32
    %dma_start3A_65 = arith.constant 0 : i32
    %dma_start3A_66 = tpu.memref_slice %arg9[%dma_start3A_63, %dma_start3A_64, %dma_start3A_65] : memref<3x100x128xf32, #tpu.memory_space<vmem>> -> memref<1x100x128xf32, #tpu.memory_space<vmem>>
    %dma_start3A_67 = tpu.memref_squeeze %dma_start3A_66 : memref<1x100x128xf32, #tpu.memory_space<vmem>> -> memref<100x128xf32, #tpu.memory_space<vmem>>
    %dma_start3A_68 = arith.constant 0 : i32
    %dma_start3A_69 = tpu.memref_slice %arg7[%dma_start3A_61, %dma_start3A_62, %dma_start3A_68] : memref<25x1x100xi32, #tpu.memory_space<vmem>> -> memref<1x1x100xi32, #tpu.memory_space<vmem>>
    %dma_start3A_70 = tpu.memref_squeeze %dma_start3A_69 : memref<1x1x100xi32, #tpu.memory_space<vmem>> -> memref<100xi32, #tpu.memory_space<vmem>>
    %dma_start3A_71 = arith.constant 0 : i32
    %dma_start3A_72 = arith.constant 0 : i32
    %dma_start3A_73 = tpu.memref_slice %arg2[%dma_start3A_71, %dma_start3A_72] : memref<10240x128xf32, #tpu.memory_space<hbm>> -> memref<10240x128xf32, #tpu.memory_space<hbm>>
    tpu.enqueue_indirect_dma source(%dma_start3A_73 : memref<10240x128xf32, #tpu.memory_space<hbm>>) target(%dma_start3A_67 : memref<100x128xf32, #tpu.memory_space<vmem>>) offsets(%dma_start3A_70 : memref<100xi32, #tpu.memory_space<vmem>>) semaphore(%arg10 : memref<!tpu.dma_semaphore, #tpu.memory_space<semaphore_mem>>)
    %dma_start3A_74 = arith.constant 1 : i32
    %dma_start3A_75 = arith.constant 0 : i32
    %dma_start3A_76 = arith.constant 1 : i32
    %dma_start3A_77 = arith.constant 0 : i32
    %dma_start3A_78 = arith.constant 0 : i32
    %dma_start3A_79 = tpu.memref_slice %arg9[%dma_start3A_76, %dma_start3A_77, %dma_start3A_78] : memref<3x100x128xf32, #tpu.memory_space<vmem>> -> memref<1x100x128xf32, #tpu.memory_space<vmem>>
    %dma_start3A_80 = tpu.memref_squeeze %dma_start3A_79 : memref<1x100x128xf32, #tpu.memory_space<vmem>> -> memref<100x128xf32, #tpu.memory_space<vmem>>
    %dma_start3A_81 = arith.constant 0 : i32
    %dma_start3A_82 = tpu.memref_slice %arg7[%dma_start3A_74, %dma_start3A_75, %dma_start3A_81] : memref<25x1x100xi32, #tpu.memory_space<vmem>> -> memref<1x1x100xi32, #tpu.memory_space<vmem>>
    %dma_start3A_83 = tpu.memref_squeeze %dma_start3A_82 : memref<1x1x100xi32, #tpu.memory_space<vmem>> -> memref<100xi32, #tpu.memory_space<vmem>>
    %dma_start3A_84 = arith.constant 0 : i32
    %dma_start3A_85 = arith.constant 0 : i32
    %dma_start3A_86 = tpu.memref_slice %arg2[%dma_start3A_84, %dma_start3A_85] : memref<10240x128xf32, #tpu.memory_space<hbm>> -> memref<10240x128xf32, #tpu.memory_space<hbm>>
    tpu.enqueue_indirect_dma source(%dma_start3A_86 : memref<10240x128xf32, #tpu.memory_space<hbm>>) target(%dma_start3A_80 : memref<100x128xf32, #tpu.memory_space<vmem>>) offsets(%dma_start3A_83 : memref<100xi32, #tpu.memory_space<vmem>>) semaphore(%arg10 : memref<!tpu.dma_semaphore, #tpu.memory_space<semaphore_mem>>)
    %scan3A_87 = arith.constant 0 : i32
    %scan3A_88 = arith.constant 0 : i32
    %scan3A_89 = arith.constant 25 : i32
    %scan3A_90 = arith.addi %scan3A_88, %scan3A_89 : i32
    %scan3A_91 = arith.constant 1 : i32
    scf.for %scan3A_213 = %scan3A_88 to %scan3A_90 step %scan3A_91  : i32 {
      %rem3A = arith.constant 3 : i32
      %rem3A_214 = arith.remsi %scan3A_213, %rem3A : i32
      %dma_wait3A_215 = arith.constant 0 : i32
      %dma_wait3A_216 = arith.constant 0 : i32
      %dma_wait3A_217 = arith.constant 0 : i32
      %dma_wait3A_218 = tpu.memref_slice %arg9[%rem3A_214, %dma_wait3A_216, %dma_wait3A_217] : memref<3x100x128xf32, #tpu.memory_space<vmem>> -> memref<1x100x128xf32, #tpu.memory_space<vmem>>
      %dma_wait3A_219 = tpu.memref_squeeze %dma_wait3A_218 : memref<1x100x128xf32, #tpu.memory_space<vmem>> -> memref<100x128xf32, #tpu.memory_space<vmem>>
      %dma_wait3A_220 = arith.constant 0 : i32
      %dma_wait3A_221 = tpu.memref_slice %arg7[%scan3A_213, %dma_wait3A_215, %dma_wait3A_220] : memref<25x1x100xi32, #tpu.memory_space<vmem>> -> memref<1x1x100xi32, #tpu.memory_space<vmem>>
      %dma_wait3A_222 = tpu.memref_squeeze %dma_wait3A_221 : memref<1x1x100xi32, #tpu.memory_space<vmem>> -> memref<100xi32, #tpu.memory_space<vmem>>
      %dma_wait3A_223 = arith.constant 0 : i32
      %dma_wait3A_224 = arith.constant 0 : i32
      %dma_wait3A_225 = tpu.memref_slice %arg2[%dma_wait3A_223, %dma_wait3A_224] : memref<10240x128xf32, #tpu.memory_space<hbm>> -> memref<10240x128xf32, #tpu.memory_space<hbm>>
      tpu.wait_indirect_dma semaphore(%arg10 : memref<!tpu.dma_semaphore, #tpu.memory_space<semaphore_mem>>) src(%dma_wait3A_225 : memref<10240x128xf32, #tpu.memory_space<hbm>>) dst(%dma_wait3A_219 : memref<100x128xf32, #tpu.memory_space<vmem>>)
      %dma_start3A_226 = arith.constant 0 : i32
      %dma_start3A_227 = arith.constant 0 : i32
      %dma_start3A_228 = arith.constant 0 : i32
      %dma_start3A_229 = tpu.memref_slice %arg9[%rem3A_214, %dma_start3A_227, %dma_start3A_228] : memref<3x100x128xf32, #tpu.memory_space<vmem>> -> memref<1x100x128xf32, #tpu.memory_space<vmem>>
      %dma_start3A_230 = tpu.memref_squeeze %dma_start3A_229 : memref<1x100x128xf32, #tpu.memory_space<vmem>> -> memref<100x128xf32, #tpu.memory_space<vmem>>
      %dma_start3A_231 = arith.constant 0 : i32
      %dma_start3A_232 = tpu.memref_slice %arg8[%scan3A_213, %dma_start3A_226, %dma_start3A_231] : memref<25x1x100xi32, #tpu.memory_space<vmem>> -> memref<1x1x100xi32, #tpu.memory_space<vmem>>
      %dma_start3A_233 = tpu.memref_squeeze %dma_start3A_232 : memref<1x1x100xi32, #tpu.memory_space<vmem>> -> memref<100xi32, #tpu.memory_space<vmem>>
      %dma_start3A_234 = arith.constant 0 : i32
      %dma_start3A_235 = arith.constant 0 : i32
      %dma_start3A_236 = tpu.memref_slice %arg6[%dma_start3A_234, %dma_start3A_235] : memref<10240x128xf32, #tpu.memory_space<vmem_shared>> -> memref<10240x128xf32, #tpu.memory_space<vmem_shared>>
      tpu.enqueue_indirect_dma source(%dma_start3A_230 : memref<100x128xf32, #tpu.memory_space<vmem>>) target(%dma_start3A_236 : memref<10240x128xf32, #tpu.memory_space<vmem_shared>>) offsets(%dma_start3A_233 : memref<100xi32, #tpu.memory_space<vmem>>) semaphore(%arg11 : memref<!tpu.dma_semaphore, #tpu.memory_space<semaphore_mem>>) {add = true}
      %ge3A = arith.constant 1 : i32
      %ge3A_237 = arith.cmpi sge, %scan3A_213, %ge3A : i32
      %convert_element_type3A = arith.extui %ge3A_237 : i1 to i32
      %cond3A = arith.constant 0 : i32
      %cond3A_238 = arith.cmpi ne, %convert_element_type3A, %cond3A : i32
      scf.if %cond3A_238 {
        %dma_wait3A_243 = arith.constant 0 : i32
        %dma_wait3A_244 = arith.constant 0 : i32
        %dma_wait3A_245 = arith.constant 0 : i32
        %dma_wait3A_246 = arith.constant 0 : i32
        %dma_wait3A_247 = arith.constant 0 : i32
        %dma_wait3A_248 = tpu.memref_slice %arg9[%dma_wait3A_243, %dma_wait3A_246, %dma_wait3A_247] : memref<3x100x128xf32, #tpu.memory_space<vmem>> -> memref<1x100x128xf32, #tpu.memory_space<vmem>>
        %dma_wait3A_249 = tpu.memref_squeeze %dma_wait3A_248 : memref<1x100x128xf32, #tpu.memory_space<vmem>> -> memref<100x128xf32, #tpu.memory_space<vmem>>
        %dma_wait3A_250 = arith.constant 0 : i32
        %dma_wait3A_251 = tpu.memref_slice %arg8[%dma_wait3A_244, %dma_wait3A_245, %dma_wait3A_250] : memref<25x1x100xi32, #tpu.memory_space<vmem>> -> memref<1x1x100xi32, #tpu.memory_space<vmem>>
        %dma_wait3A_252 = tpu.memref_squeeze %dma_wait3A_251 : memref<1x1x100xi32, #tpu.memory_space<vmem>> -> memref<100xi32, #tpu.memory_space<vmem>>
        %dma_wait3A_253 = arith.constant 0 : i32
        %dma_wait3A_254 = arith.constant 0 : i32
        %dma_wait3A_255 = tpu.memref_slice %arg6[%dma_wait3A_253, %dma_wait3A_254] : memref<10240x128xf32, #tpu.memory_space<vmem_shared>> -> memref<10240x128xf32, #tpu.memory_space<vmem_shared>>
        tpu.wait_indirect_dma semaphore(%arg11 : memref<!tpu.dma_semaphore, #tpu.memory_space<semaphore_mem>>) src(%dma_wait3A_249 : memref<100x128xf32, #tpu.memory_space<vmem>>) dst(%dma_wait3A_255 : memref<10240x128xf32, #tpu.memory_space<vmem_shared>>)
      } else {
      }
      %lt3A = arith.constant 23 : i32
      %lt3A_239 = arith.cmpi slt, %scan3A_213, %lt3A : i32
      %convert_element_type3A_240 = arith.extui %lt3A_239 : i1 to i32
      %cond3A_241 = arith.constant 0 : i32
      %cond3A_242 = arith.cmpi ne, %convert_element_type3A_240, %cond3A_241 : i32
      scf.if %cond3A_242 {
        %add3A_243 = arith.constant 2 : i32
        %add3A_244 = arith.addi %scan3A_213, %add3A_243 : i32
        %add3A_245 = arith.constant 2 : i32
        %add3A_246 = arith.addi %scan3A_213, %add3A_245 : i32
        %rem3A_247 = arith.constant 3 : i32
        %rem3A_248 = arith.remsi %add3A_246, %rem3A_247 : i32
        %dma_start3A_249 = arith.constant 0 : i32
        %dma_start3A_250 = arith.constant 0 : i32
        %dma_start3A_251 = arith.constant 0 : i32
        %dma_start3A_252 = tpu.memref_slice %arg9[%rem3A_248, %dma_start3A_250, %dma_start3A_251] : memref<3x100x128xf32, #tpu.memory_space<vmem>> -> memref<1x100x128xf32, #tpu.memory_space<vmem>>
        %dma_start3A_253 = tpu.memref_squeeze %dma_start3A_252 : memref<1x100x128xf32, #tpu.memory_space<vmem>> -> memref<100x128xf32, #tpu.memory_space<vmem>>
        %dma_start3A_254 = arith.constant 0 : i32
        %dma_start3A_255 = tpu.memref_slice %arg7[%add3A_244, %dma_start3A_249, %dma_start3A_254] : memref<25x1x100xi32, #tpu.memory_space<vmem>> -> memref<1x1x100xi32, #tpu.memory_space<vmem>>
        %dma_start3A_256 = tpu.memref_squeeze %dma_start3A_255 : memref<1x1x100xi32, #tpu.memory_space<vmem>> -> memref<100xi32, #tpu.memory_space<vmem>>
        %dma_start3A_257 = arith.constant 0 : i32
        %dma_start3A_258 = arith.constant 0 : i32
        %dma_start3A_259 = tpu.memref_slice %arg2[%dma_start3A_257, %dma_start3A_258] : memref<10240x128xf32, #tpu.memory_space<hbm>> -> memref<10240x128xf32, #tpu.memory_space<hbm>>
        tpu.enqueue_indirect_dma source(%dma_start3A_259 : memref<10240x128xf32, #tpu.memory_space<hbm>>) target(%dma_start3A_253 : memref<100x128xf32, #tpu.memory_space<vmem>>) offsets(%dma_start3A_256 : memref<100xi32, #tpu.memory_space<vmem>>) semaphore(%arg10 : memref<!tpu.dma_semaphore, #tpu.memory_space<semaphore_mem>>)
      } else {
      }
    }
    %scan3A_92 = arith.constant 25 : i32
    %dma_wait3A_93 = arith.constant 0 : i32
    %dma_wait3A_94 = arith.constant 0 : i32
    %dma_wait3A_95 = arith.constant 0 : i32
    %dma_wait3A_96 = arith.constant 0 : i32
    %dma_wait3A_97 = arith.constant 0 : i32
    %dma_wait3A_98 = tpu.memref_slice %arg9[%dma_wait3A_93, %dma_wait3A_96, %dma_wait3A_97] : memref<3x100x128xf32, #tpu.memory_space<vmem>> -> memref<1x100x128xf32, #tpu.memory_space<vmem>>
    %dma_wait3A_99 = tpu.memref_squeeze %dma_wait3A_98 : memref<1x100x128xf32, #tpu.memory_space<vmem>> -> memref<100x128xf32, #tpu.memory_space<vmem>>
    %dma_wait3A_100 = arith.constant 0 : i32
    %dma_wait3A_101 = tpu.memref_slice %arg8[%dma_wait3A_94, %dma_wait3A_95, %dma_wait3A_100] : memref<25x1x100xi32, #tpu.memory_space<vmem>> -> memref<1x1x100xi32, #tpu.memory_space<vmem>>
    %dma_wait3A_102 = tpu.memref_squeeze %dma_wait3A_101 : memref<1x1x100xi32, #tpu.memory_space<vmem>> -> memref<100xi32, #tpu.memory_space<vmem>>
    %dma_wait3A_103 = arith.constant 0 : i32
    %dma_wait3A_104 = arith.constant 0 : i32
    %dma_wait3A_105 = tpu.memref_slice %arg6[%dma_wait3A_103, %dma_wait3A_104] : memref<10240x128xf32, #tpu.memory_space<vmem_shared>> -> memref<10240x128xf32, #tpu.memory_space<vmem_shared>>
    tpu.wait_indirect_dma semaphore(%arg11 : memref<!tpu.dma_semaphore, #tpu.memory_space<semaphore_mem>>) src(%dma_wait3A_99 : memref<100x128xf32, #tpu.memory_space<vmem>>) dst(%dma_wait3A_105 : memref<10240x128xf32, #tpu.memory_space<vmem_shared>>)
    %mul3A_106 = arith.constant 100 : i32
    %mul3A_107 = arith.muli %add3A, %mul3A_106 : i32
    %add3A_108 = arith.constant 50 : i32
    %add3A_109 = arith.addi %mul3A_107, %add3A_108 : i32
    "tpu.region"() ({
      %run_scoped3A = tpu.sem_alloc : memref<!tpu.dma_semaphore, #tpu.memory_space<semaphore_mem>>
      %dma_start3A_213 = arith.constant 0 : i32
      %dma_start3A_214 = arith.constant 0 : i32
      %dma_start3A_215 = tpu.memref_slice %arg3[%add3A_109, %dma_start3A_213, %dma_start3A_214] : memref<3200x1x100xi32, #tpu.memory_space<hbm>> -> memref<25x1x100xi32, #tpu.memory_space<hbm>>
      %dma_start3A_216 = arith.constant 0 : i32
      %dma_start3A_217 = arith.constant 0 : i32
      %dma_start3A_218 = tpu.memref_slice %arg3[%add3A_109, %dma_start3A_216, %dma_start3A_217] : memref<3200x1x100xi32, #tpu.memory_space<hbm>> -> memref<25x1x100xi32, #tpu.memory_space<hbm>>
      tpu.enqueue_dma source(%dma_start3A_218 : memref<25x1x100xi32, #tpu.memory_space<hbm>>) target(%arg7 : memref<25x1x100xi32, #tpu.memory_space<vmem>>) target_semaphore(%run_scoped3A : memref<!tpu.dma_semaphore, #tpu.memory_space<semaphore_mem>>)
      %dma_wait3A_219 = arith.constant 0 : i32
      %dma_wait3A_220 = arith.constant 0 : i32
      %dma_wait3A_221 = tpu.memref_slice %arg3[%add3A_109, %dma_wait3A_219, %dma_wait3A_220] : memref<3200x1x100xi32, #tpu.memory_space<hbm>> -> memref<25x1x100xi32, #tpu.memory_space<hbm>>
      %dma_wait3A_222 = arith.constant 0 : i32
      %dma_wait3A_223 = arith.constant 0 : i32
      %dma_wait3A_224 = tpu.memref_slice %arg3[%add3A_109, %dma_wait3A_222, %dma_wait3A_223] : memref<3200x1x100xi32, #tpu.memory_space<hbm>> -> memref<25x1x100xi32, #tpu.memory_space<hbm>>
      tpu.wait_dma2 semaphore(%run_scoped3A : memref<!tpu.dma_semaphore, #tpu.memory_space<semaphore_mem>>) src(%dma_wait3A_224 : memref<25x1x100xi32, #tpu.memory_space<hbm>>) dst(%arg7 : memref<25x1x100xi32, #tpu.memory_space<vmem>>)
      tpu.yield
    }) : () -> ()
    %mul3A_110 = arith.constant 100 : i32
    %mul3A_111 = arith.muli %add3A, %mul3A_110 : i32
    %add3A_112 = arith.constant 50 : i32
    %add3A_113 = arith.addi %mul3A_111, %add3A_112 : i32
    "tpu.region"() ({
      %run_scoped3A = tpu.sem_alloc : memref<!tpu.dma_semaphore, #tpu.memory_space<semaphore_mem>>
      %dma_start3A_213 = arith.constant 0 : i32
      %dma_start3A_214 = arith.constant 0 : i32
      %dma_start3A_215 = tpu.memref_slice %arg4[%add3A_113, %dma_start3A_213, %dma_start3A_214] : memref<3200x1x100xi32, #tpu.memory_space<hbm>> -> memref<25x1x100xi32, #tpu.memory_space<hbm>>
      %dma_start3A_216 = arith.constant 0 : i32
      %dma_start3A_217 = arith.constant 0 : i32
      %dma_start3A_218 = tpu.memref_slice %arg4[%add3A_113, %dma_start3A_216, %dma_start3A_217] : memref<3200x1x100xi32, #tpu.memory_space<hbm>> -> memref<25x1x100xi32, #tpu.memory_space<hbm>>
      tpu.enqueue_dma source(%dma_start3A_218 : memref<25x1x100xi32, #tpu.memory_space<hbm>>) target(%arg8 : memref<25x1x100xi32, #tpu.memory_space<vmem>>) target_semaphore(%run_scoped3A : memref<!tpu.dma_semaphore, #tpu.memory_space<semaphore_mem>>)
      %dma_wait3A_219 = arith.constant 0 : i32
      %dma_wait3A_220 = arith.constant 0 : i32
      %dma_wait3A_221 = tpu.memref_slice %arg4[%add3A_113, %dma_wait3A_219, %dma_wait3A_220] : memref<3200x1x100xi32, #tpu.memory_space<hbm>> -> memref<25x1x100xi32, #tpu.memory_space<hbm>>
      %dma_wait3A_222 = arith.constant 0 : i32
      %dma_wait3A_223 = arith.constant 0 : i32
      %dma_wait3A_224 = tpu.memref_slice %arg4[%add3A_113, %dma_wait3A_222, %dma_wait3A_223] : memref<3200x1x100xi32, #tpu.memory_space<hbm>> -> memref<25x1x100xi32, #tpu.memory_space<hbm>>
      tpu.wait_dma2 semaphore(%run_scoped3A : memref<!tpu.dma_semaphore, #tpu.memory_space<semaphore_mem>>) src(%dma_wait3A_224 : memref<25x1x100xi32, #tpu.memory_space<hbm>>) dst(%arg8 : memref<25x1x100xi32, #tpu.memory_space<vmem>>)
      tpu.yield
    }) : () -> ()
    %dma_start3A_114 = arith.constant 0 : i32
    %dma_start3A_115 = arith.constant 0 : i32
    %dma_start3A_116 = arith.constant 0 : i32
    %dma_start3A_117 = arith.constant 0 : i32
    %dma_start3A_118 = arith.constant 0 : i32
    %dma_start3A_119 = tpu.memref_slice %arg9[%dma_start3A_116, %dma_start3A_117, %dma_start3A_118] : memref<3x100x128xf32, #tpu.memory_space<vmem>> -> memref<1x100x128xf32, #tpu.memory_space<vmem>>
    %dma_start3A_120 = tpu.memref_squeeze %dma_start3A_119 : memref<1x100x128xf32, #tpu.memory_space<vmem>> -> memref<100x128xf32, #tpu.memory_space<vmem>>
    %dma_start3A_121 = arith.constant 0 : i32
    %dma_start3A_122 = tpu.memref_slice %arg7[%dma_start3A_114, %dma_start3A_115, %dma_start3A_121] : memref<25x1x100xi32, #tpu.memory_space<vmem>> -> memref<1x1x100xi32, #tpu.memory_space<vmem>>
    %dma_start3A_123 = tpu.memref_squeeze %dma_start3A_122 : memref<1x1x100xi32, #tpu.memory_space<vmem>> -> memref<100xi32, #tpu.memory_space<vmem>>
    %dma_start3A_124 = arith.constant 0 : i32
    %dma_start3A_125 = arith.constant 0 : i32
    %dma_start3A_126 = tpu.memref_slice %arg2[%dma_start3A_124, %dma_start3A_125] : memref<10240x128xf32, #tpu.memory_space<hbm>> -> memref<10240x128xf32, #tpu.memory_space<hbm>>
    tpu.enqueue_indirect_dma source(%dma_start3A_126 : memref<10240x128xf32, #tpu.memory_space<hbm>>) target(%dma_start3A_120 : memref<100x128xf32, #tpu.memory_space<vmem>>) offsets(%dma_start3A_123 : memref<100xi32, #tpu.memory_space<vmem>>) semaphore(%arg10 : memref<!tpu.dma_semaphore, #tpu.memory_space<semaphore_mem>>)
    %dma_start3A_127 = arith.constant 1 : i32
    %dma_start3A_128 = arith.constant 0 : i32
    %dma_start3A_129 = arith.constant 1 : i32
    %dma_start3A_130 = arith.constant 0 : i32
    %dma_start3A_131 = arith.constant 0 : i32
    %dma_start3A_132 = tpu.memref_slice %arg9[%dma_start3A_129, %dma_start3A_130, %dma_start3A_131] : memref<3x100x128xf32, #tpu.memory_space<vmem>> -> memref<1x100x128xf32, #tpu.memory_space<vmem>>
    %dma_start3A_133 = tpu.memref_squeeze %dma_start3A_132 : memref<1x100x128xf32, #tpu.memory_space<vmem>> -> memref<100x128xf32, #tpu.memory_space<vmem>>
    %dma_start3A_134 = arith.constant 0 : i32
    %dma_start3A_135 = tpu.memref_slice %arg7[%dma_start3A_127, %dma_start3A_128, %dma_start3A_134] : memref<25x1x100xi32, #tpu.memory_space<vmem>> -> memref<1x1x100xi32, #tpu.memory_space<vmem>>
    %dma_start3A_136 = tpu.memref_squeeze %dma_start3A_135 : memref<1x1x100xi32, #tpu.memory_space<vmem>> -> memref<100xi32, #tpu.memory_space<vmem>>
    %dma_start3A_137 = arith.constant 0 : i32
    %dma_start3A_138 = arith.constant 0 : i32
    %dma_start3A_139 = tpu.memref_slice %arg2[%dma_start3A_137, %dma_start3A_138] : memref<10240x128xf32, #tpu.memory_space<hbm>> -> memref<10240x128xf32, #tpu.memory_space<hbm>>
    tpu.enqueue_indirect_dma source(%dma_start3A_139 : memref<10240x128xf32, #tpu.memory_space<hbm>>) target(%dma_start3A_133 : memref<100x128xf32, #tpu.memory_space<vmem>>) offsets(%dma_start3A_136 : memref<100xi32, #tpu.memory_space<vmem>>) semaphore(%arg10 : memref<!tpu.dma_semaphore, #tpu.memory_space<semaphore_mem>>)
    %scan3A_140 = arith.constant 0 : i32
    %scan3A_141 = arith.constant 0 : i32
    %scan3A_142 = arith.constant 25 : i32
    %scan3A_143 = arith.addi %scan3A_141, %scan3A_142 : i32
    %scan3A_144 = arith.constant 1 : i32
    scf.for %scan3A_213 = %scan3A_141 to %scan3A_143 step %scan3A_144  : i32 {
      %rem3A = arith.constant 3 : i32
      %rem3A_214 = arith.remsi %scan3A_213, %rem3A : i32
      %dma_wait3A_215 = arith.constant 0 : i32
      %dma_wait3A_216 = arith.constant 0 : i32
      %dma_wait3A_217 = arith.constant 0 : i32
      %dma_wait3A_218 = tpu.memref_slice %arg9[%rem3A_214, %dma_wait3A_216, %dma_wait3A_217] : memref<3x100x128xf32, #tpu.memory_space<vmem>> -> memref<1x100x128xf32, #tpu.memory_space<vmem>>
      %dma_wait3A_219 = tpu.memref_squeeze %dma_wait3A_218 : memref<1x100x128xf32, #tpu.memory_space<vmem>> -> memref<100x128xf32, #tpu.memory_space<vmem>>
      %dma_wait3A_220 = arith.constant 0 : i32
      %dma_wait3A_221 = tpu.memref_slice %arg7[%scan3A_213, %dma_wait3A_215, %dma_wait3A_220] : memref<25x1x100xi32, #tpu.memory_space<vmem>> -> memref<1x1x100xi32, #tpu.memory_space<vmem>>
      %dma_wait3A_222 = tpu.memref_squeeze %dma_wait3A_221 : memref<1x1x100xi32, #tpu.memory_space<vmem>> -> memref<100xi32, #tpu.memory_space<vmem>>
      %dma_wait3A_223 = arith.constant 0 : i32
      %dma_wait3A_224 = arith.constant 0 : i32
      %dma_wait3A_225 = tpu.memref_slice %arg2[%dma_wait3A_223, %dma_wait3A_224] : memref<10240x128xf32, #tpu.memory_space<hbm>> -> memref<10240x128xf32, #tpu.memory_space<hbm>>
      tpu.wait_indirect_dma semaphore(%arg10 : memref<!tpu.dma_semaphore, #tpu.memory_space<semaphore_mem>>) src(%dma_wait3A_225 : memref<10240x128xf32, #tpu.memory_space<hbm>>) dst(%dma_wait3A_219 : memref<100x128xf32, #tpu.memory_space<vmem>>)
      %dma_start3A_226 = arith.constant 0 : i32
      %dma_start3A_227 = arith.constant 0 : i32
      %dma_start3A_228 = arith.constant 0 : i32
      %dma_start3A_229 = tpu.memref_slice %arg9[%rem3A_214, %dma_start3A_227, %dma_start3A_228] : memref<3x100x128xf32, #tpu.memory_space<vmem>> -> memref<1x100x128xf32, #tpu.memory_space<vmem>>
      %dma_start3A_230 = tpu.memref_squeeze %dma_start3A_229 : memref<1x100x128xf32, #tpu.memory_space<vmem>> -> memref<100x128xf32, #tpu.memory_space<vmem>>
      %dma_start3A_231 = arith.constant 0 : i32
      %dma_start3A_232 = tpu.memref_slice %arg8[%scan3A_213, %dma_start3A_226, %dma_start3A_231] : memref<25x1x100xi32, #tpu.memory_space<vmem>> -> memref<1x1x100xi32, #tpu.memory_space<vmem>>
      %dma_start3A_233 = tpu.memref_squeeze %dma_start3A_232 : memref<1x1x100xi32, #tpu.memory_space<vmem>> -> memref<100xi32, #tpu.memory_space<vmem>>
      %dma_start3A_234 = arith.constant 0 : i32
      %dma_start3A_235 = arith.constant 0 : i32
      %dma_start3A_236 = tpu.memref_slice %arg6[%dma_start3A_234, %dma_start3A_235] : memref<10240x128xf32, #tpu.memory_space<vmem_shared>> -> memref<10240x128xf32, #tpu.memory_space<vmem_shared>>
      tpu.enqueue_indirect_dma source(%dma_start3A_230 : memref<100x128xf32, #tpu.memory_space<vmem>>) target(%dma_start3A_236 : memref<10240x128xf32, #tpu.memory_space<vmem_shared>>) offsets(%dma_start3A_233 : memref<100xi32, #tpu.memory_space<vmem>>) semaphore(%arg11 : memref<!tpu.dma_semaphore, #tpu.memory_space<semaphore_mem>>) {add = true}
      %ge3A = arith.constant 1 : i32
      %ge3A_237 = arith.cmpi sge, %scan3A_213, %ge3A : i32
      %convert_element_type3A = arith.extui %ge3A_237 : i1 to i32
      %cond3A = arith.constant 0 : i32
      %cond3A_238 = arith.cmpi ne, %convert_element_type3A, %cond3A : i32
      scf.if %cond3A_238 {
        %dma_wait3A_243 = arith.constant 0 : i32
        %dma_wait3A_244 = arith.constant 0 : i32
        %dma_wait3A_245 = arith.constant 0 : i32
        %dma_wait3A_246 = arith.constant 0 : i32
        %dma_wait3A_247 = arith.constant 0 : i32
        %dma_wait3A_248 = tpu.memref_slice %arg9[%dma_wait3A_243, %dma_wait3A_246, %dma_wait3A_247] : memref<3x100x128xf32, #tpu.memory_space<vmem>> -> memref<1x100x128xf32, #tpu.memory_space<vmem>>
        %dma_wait3A_249 = tpu.memref_squeeze %dma_wait3A_248 : memref<1x100x128xf32, #tpu.memory_space<vmem>> -> memref<100x128xf32, #tpu.memory_space<vmem>>
        %dma_wait3A_250 = arith.constant 0 : i32
        %dma_wait3A_251 = tpu.memref_slice %arg8[%dma_wait3A_244, %dma_wait3A_245, %dma_wait3A_250] : memref<25x1x100xi32, #tpu.memory_space<vmem>> -> memref<1x1x100xi32, #tpu.memory_space<vmem>>
        %dma_wait3A_252 = tpu.memref_squeeze %dma_wait3A_251 : memref<1x1x100xi32, #tpu.memory_space<vmem>> -> memref<100xi32, #tpu.memory_space<vmem>>
        %dma_wait3A_253 = arith.constant 0 : i32
        %dma_wait3A_254 = arith.constant 0 : i32
        %dma_wait3A_255 = tpu.memref_slice %arg6[%dma_wait3A_253, %dma_wait3A_254] : memref<10240x128xf32, #tpu.memory_space<vmem_shared>> -> memref<10240x128xf32, #tpu.memory_space<vmem_shared>>
        tpu.wait_indirect_dma semaphore(%arg11 : memref<!tpu.dma_semaphore, #tpu.memory_space<semaphore_mem>>) src(%dma_wait3A_249 : memref<100x128xf32, #tpu.memory_space<vmem>>) dst(%dma_wait3A_255 : memref<10240x128xf32, #tpu.memory_space<vmem_shared>>)
      } else {
      }
      %lt3A = arith.constant 23 : i32
      %lt3A_239 = arith.cmpi slt, %scan3A_213, %lt3A : i32
      %convert_element_type3A_240 = arith.extui %lt3A_239 : i1 to i32
      %cond3A_241 = arith.constant 0 : i32
      %cond3A_242 = arith.cmpi ne, %convert_element_type3A_240, %cond3A_241 : i32
      scf.if %cond3A_242 {
        %add3A_243 = arith.constant 2 : i32
        %add3A_244 = arith.addi %scan3A_213, %add3A_243 : i32
        %add3A_245 = arith.constant 2 : i32
        %add3A_246 = arith.addi %scan3A_213, %add3A_245 : i32
        %rem3A_247 = arith.constant 3 : i32
        %rem3A_248 = arith.remsi %add3A_246, %rem3A_247 : i32
        %dma_start3A_249 = arith.constant 0 : i32
        %dma_start3A_250 = arith.constant 0 : i32
        %dma_start3A_251 = arith.constant 0 : i32
        %dma_start3A_252 = tpu.memref_slice %arg9[%rem3A_248, %dma_start3A_250, %dma_start3A_251] : memref<3x100x128xf32, #tpu.memory_space<vmem>> -> memref<1x100x128xf32, #tpu.memory_space<vmem>>
        %dma_start3A_253 = tpu.memref_squeeze %dma_start3A_252 : memref<1x100x128xf32, #tpu.memory_space<vmem>> -> memref<100x128xf32, #tpu.memory_space<vmem>>
        %dma_start3A_254 = arith.constant 0 : i32
        %dma_start3A_255 = tpu.memref_slice %arg7[%add3A_244, %dma_start3A_249, %dma_start3A_254] : memref<25x1x100xi32, #tpu.memory_space<vmem>> -> memref<1x1x100xi32, #tpu.memory_space<vmem>>
        %dma_start3A_256 = tpu.memref_squeeze %dma_start3A_255 : memref<1x1x100xi32, #tpu.memory_space<vmem>> -> memref<100xi32, #tpu.memory_space<vmem>>
        %dma_start3A_257 = arith.constant 0 : i32
        %dma_start3A_258 = arith.constant 0 : i32
        %dma_start3A_259 = tpu.memref_slice %arg2[%dma_start3A_257, %dma_start3A_258] : memref<10240x128xf32, #tpu.memory_space<hbm>> -> memref<10240x128xf32, #tpu.memory_space<hbm>>
        tpu.enqueue_indirect_dma source(%dma_start3A_259 : memref<10240x128xf32, #tpu.memory_space<hbm>>) target(%dma_start3A_253 : memref<100x128xf32, #tpu.memory_space<vmem>>) offsets(%dma_start3A_256 : memref<100xi32, #tpu.memory_space<vmem>>) semaphore(%arg10 : memref<!tpu.dma_semaphore, #tpu.memory_space<semaphore_mem>>)
      } else {
      }
    }
    %scan3A_145 = arith.constant 25 : i32
    %dma_wait3A_146 = arith.constant 0 : i32
    %dma_wait3A_147 = arith.constant 0 : i32
    %dma_wait3A_148 = arith.constant 0 : i32
    %dma_wait3A_149 = arith.constant 0 : i32
    %dma_wait3A_150 = arith.constant 0 : i32
    %dma_wait3A_151 = tpu.memref_slice %arg9[%dma_wait3A_146, %dma_wait3A_149, %dma_wait3A_150] : memref<3x100x128xf32, #tpu.memory_space<vmem>> -> memref<1x100x128xf32, #tpu.memory_space<vmem>>
    %dma_wait3A_152 = tpu.memref_squeeze %dma_wait3A_151 : memref<1x100x128xf32, #tpu.memory_space<vmem>> -> memref<100x128xf32, #tpu.memory_space<vmem>>
    %dma_wait3A_153 = arith.constant 0 : i32
    %dma_wait3A_154 = tpu.memref_slice %arg8[%dma_wait3A_147, %dma_wait3A_148, %dma_wait3A_153] : memref<25x1x100xi32, #tpu.memory_space<vmem>> -> memref<1x1x100xi32, #tpu.memory_space<vmem>>
    %dma_wait3A_155 = tpu.memref_squeeze %dma_wait3A_154 : memref<1x1x100xi32, #tpu.memory_space<vmem>> -> memref<100xi32, #tpu.memory_space<vmem>>
    %dma_wait3A_156 = arith.constant 0 : i32
    %dma_wait3A_157 = arith.constant 0 : i32
    %dma_wait3A_158 = tpu.memref_slice %arg6[%dma_wait3A_156, %dma_wait3A_157] : memref<10240x128xf32, #tpu.memory_space<vmem_shared>> -> memref<10240x128xf32, #tpu.memory_space<vmem_shared>>
    tpu.wait_indirect_dma semaphore(%arg11 : memref<!tpu.dma_semaphore, #tpu.memory_space<semaphore_mem>>) src(%dma_wait3A_152 : memref<100x128xf32, #tpu.memory_space<vmem>>) dst(%dma_wait3A_158 : memref<10240x128xf32, #tpu.memory_space<vmem_shared>>)
    %mul3A_159 = arith.constant 100 : i32
    %mul3A_160 = arith.muli %add3A, %mul3A_159 : i32
    %add3A_161 = arith.constant 75 : i32
    %add3A_162 = arith.addi %mul3A_160, %add3A_161 : i32
    "tpu.region"() ({
      %run_scoped3A = tpu.sem_alloc : memref<!tpu.dma_semaphore, #tpu.memory_space<semaphore_mem>>
      %dma_start3A_213 = arith.constant 0 : i32
      %dma_start3A_214 = arith.constant 0 : i32
      %dma_start3A_215 = tpu.memref_slice %arg3[%add3A_162, %dma_start3A_213, %dma_start3A_214] : memref<3200x1x100xi32, #tpu.memory_space<hbm>> -> memref<25x1x100xi32, #tpu.memory_space<hbm>>
      %dma_start3A_216 = arith.constant 0 : i32
      %dma_start3A_217 = arith.constant 0 : i32
      %dma_start3A_218 = tpu.memref_slice %arg3[%add3A_162, %dma_start3A_216, %dma_start3A_217] : memref<3200x1x100xi32, #tpu.memory_space<hbm>> -> memref<25x1x100xi32, #tpu.memory_space<hbm>>
      tpu.enqueue_dma source(%dma_start3A_218 : memref<25x1x100xi32, #tpu.memory_space<hbm>>) target(%arg7 : memref<25x1x100xi32, #tpu.memory_space<vmem>>) target_semaphore(%run_scoped3A : memref<!tpu.dma_semaphore, #tpu.memory_space<semaphore_mem>>)
      %dma_wait3A_219 = arith.constant 0 : i32
      %dma_wait3A_220 = arith.constant 0 : i32
      %dma_wait3A_221 = tpu.memref_slice %arg3[%add3A_162, %dma_wait3A_219, %dma_wait3A_220] : memref<3200x1x100xi32, #tpu.memory_space<hbm>> -> memref<25x1x100xi32, #tpu.memory_space<hbm>>
      %dma_wait3A_222 = arith.constant 0 : i32
      %dma_wait3A_223 = arith.constant 0 : i32
      %dma_wait3A_224 = tpu.memref_slice %arg3[%add3A_162, %dma_wait3A_222, %dma_wait3A_223] : memref<3200x1x100xi32, #tpu.memory_space<hbm>> -> memref<25x1x100xi32, #tpu.memory_space<hbm>>
      tpu.wait_dma2 semaphore(%run_scoped3A : memref<!tpu.dma_semaphore, #tpu.memory_space<semaphore_mem>>) src(%dma_wait3A_224 : memref<25x1x100xi32, #tpu.memory_space<hbm>>) dst(%arg7 : memref<25x1x100xi32, #tpu.memory_space<vmem>>)
      tpu.yield
    }) : () -> ()
    %mul3A_163 = arith.constant 100 : i32
    %mul3A_164 = arith.muli %add3A, %mul3A_163 : i32
    %add3A_165 = arith.constant 75 : i32
    %add3A_166 = arith.addi %mul3A_164, %add3A_165 : i32
    "tpu.region"() ({
      %run_scoped3A = tpu.sem_alloc : memref<!tpu.dma_semaphore, #tpu.memory_space<semaphore_mem>>
      %dma_start3A_213 = arith.constant 0 : i32
      %dma_start3A_214 = arith.constant 0 : i32
      %dma_start3A_215 = tpu.memref_slice %arg4[%add3A_166, %dma_start3A_213, %dma_start3A_214] : memref<3200x1x100xi32, #tpu.memory_space<hbm>> -> memref<25x1x100xi32, #tpu.memory_space<hbm>>
      %dma_start3A_216 = arith.constant 0 : i32
      %dma_start3A_217 = arith.constant 0 : i32
      %dma_start3A_218 = tpu.memref_slice %arg4[%add3A_166, %dma_start3A_216, %dma_start3A_217] : memref<3200x1x100xi32, #tpu.memory_space<hbm>> -> memref<25x1x100xi32, #tpu.memory_space<hbm>>
      tpu.enqueue_dma source(%dma_start3A_218 : memref<25x1x100xi32, #tpu.memory_space<hbm>>) target(%arg8 : memref<25x1x100xi32, #tpu.memory_space<vmem>>) target_semaphore(%run_scoped3A : memref<!tpu.dma_semaphore, #tpu.memory_space<semaphore_mem>>)
      %dma_wait3A_219 = arith.constant 0 : i32
      %dma_wait3A_220 = arith.constant 0 : i32
      %dma_wait3A_221 = tpu.memref_slice %arg4[%add3A_166, %dma_wait3A_219, %dma_wait3A_220] : memref<3200x1x100xi32, #tpu.memory_space<hbm>> -> memref<25x1x100xi32, #tpu.memory_space<hbm>>
      %dma_wait3A_222 = arith.constant 0 : i32
      %dma_wait3A_223 = arith.constant 0 : i32
      %dma_wait3A_224 = tpu.memref_slice %arg4[%add3A_166, %dma_wait3A_222, %dma_wait3A_223] : memref<3200x1x100xi32, #tpu.memory_space<hbm>> -> memref<25x1x100xi32, #tpu.memory_space<hbm>>
      tpu.wait_dma2 semaphore(%run_scoped3A : memref<!tpu.dma_semaphore, #tpu.memory_space<semaphore_mem>>) src(%dma_wait3A_224 : memref<25x1x100xi32, #tpu.memory_space<hbm>>) dst(%arg8 : memref<25x1x100xi32, #tpu.memory_space<vmem>>)
      tpu.yield
    }) : () -> ()
    %dma_start3A_167 = arith.constant 0 : i32
    %dma_start3A_168 = arith.constant 0 : i32
    %dma_start3A_169 = arith.constant 0 : i32
    %dma_start3A_170 = arith.constant 0 : i32
    %dma_start3A_171 = arith.constant 0 : i32
    %dma_start3A_172 = tpu.memref_slice %arg9[%dma_start3A_169, %dma_start3A_170, %dma_start3A_171] : memref<3x100x128xf32, #tpu.memory_space<vmem>> -> memref<1x100x128xf32, #tpu.memory_space<vmem>>
    %dma_start3A_173 = tpu.memref_squeeze %dma_start3A_172 : memref<1x100x128xf32, #tpu.memory_space<vmem>> -> memref<100x128xf32, #tpu.memory_space<vmem>>
    %dma_start3A_174 = arith.constant 0 : i32
    %dma_start3A_175 = tpu.memref_slice %arg7[%dma_start3A_167, %dma_start3A_168, %dma_start3A_174] : memref<25x1x100xi32, #tpu.memory_space<vmem>> -> memref<1x1x100xi32, #tpu.memory_space<vmem>>
    %dma_start3A_176 = tpu.memref_squeeze %dma_start3A_175 : memref<1x1x100xi32, #tpu.memory_space<vmem>> -> memref<100xi32, #tpu.memory_space<vmem>>
    %dma_start3A_177 = arith.constant 0 : i32
    %dma_start3A_178 = arith.constant 0 : i32
    %dma_start3A_179 = tpu.memref_slice %arg2[%dma_start3A_177, %dma_start3A_178] : memref<10240x128xf32, #tpu.memory_space<hbm>> -> memref<10240x128xf32, #tpu.memory_space<hbm>>
    tpu.enqueue_indirect_dma source(%dma_start3A_179 : memref<10240x128xf32, #tpu.memory_space<hbm>>) target(%dma_start3A_173 : memref<100x128xf32, #tpu.memory_space<vmem>>) offsets(%dma_start3A_176 : memref<100xi32, #tpu.memory_space<vmem>>) semaphore(%arg10 : memref<!tpu.dma_semaphore, #tpu.memory_space<semaphore_mem>>)
    %dma_start3A_180 = arith.constant 1 : i32
    %dma_start3A_181 = arith.constant 0 : i32
    %dma_start3A_182 = arith.constant 1 : i32
    %dma_start3A_183 = arith.constant 0 : i32
    %dma_start3A_184 = arith.constant 0 : i32
    %dma_start3A_185 = tpu.memref_slice %arg9[%dma_start3A_182, %dma_start3A_183, %dma_start3A_184] : memref<3x100x128xf32, #tpu.memory_space<vmem>> -> memref<1x100x128xf32, #tpu.memory_space<vmem>>
    %dma_start3A_186 = tpu.memref_squeeze %dma_start3A_185 : memref<1x100x128xf32, #tpu.memory_space<vmem>> -> memref<100x128xf32, #tpu.memory_space<vmem>>
    %dma_start3A_187 = arith.constant 0 : i32
    %dma_start3A_188 = tpu.memref_slice %arg7[%dma_start3A_180, %dma_start3A_181, %dma_start3A_187] : memref<25x1x100xi32, #tpu.memory_space<vmem>> -> memref<1x1x100xi32, #tpu.memory_space<vmem>>
    %dma_start3A_189 = tpu.memref_squeeze %dma_start3A_188 : memref<1x1x100xi32, #tpu.memory_space<vmem>> -> memref<100xi32, #tpu.memory_space<vmem>>
    %dma_start3A_190 = arith.constant 0 : i32
    %dma_start3A_191 = arith.constant 0 : i32
    %dma_start3A_192 = tpu.memref_slice %arg2[%dma_start3A_190, %dma_start3A_191] : memref<10240x128xf32, #tpu.memory_space<hbm>> -> memref<10240x128xf32, #tpu.memory_space<hbm>>
    tpu.enqueue_indirect_dma source(%dma_start3A_192 : memref<10240x128xf32, #tpu.memory_space<hbm>>) target(%dma_start3A_186 : memref<100x128xf32, #tpu.memory_space<vmem>>) offsets(%dma_start3A_189 : memref<100xi32, #tpu.memory_space<vmem>>) semaphore(%arg10 : memref<!tpu.dma_semaphore, #tpu.memory_space<semaphore_mem>>)
    %scan3A_193 = arith.constant 0 : i32
    %scan3A_194 = arith.constant 0 : i32
    %scan3A_195 = arith.constant 25 : i32
    %scan3A_196 = arith.addi %scan3A_194, %scan3A_195 : i32
    %scan3A_197 = arith.constant 1 : i32
    scf.for %scan3A_213 = %scan3A_194 to %scan3A_196 step %scan3A_197  : i32 {
      %rem3A = arith.constant 3 : i32
      %rem3A_214 = arith.remsi %scan3A_213, %rem3A : i32
      %dma_wait3A_215 = arith.constant 0 : i32
      %dma_wait3A_216 = arith.constant 0 : i32
      %dma_wait3A_217 = arith.constant 0 : i32
      %dma_wait3A_218 = tpu.memref_slice %arg9[%rem3A_214, %dma_wait3A_216, %dma_wait3A_217] : memref<3x100x128xf32, #tpu.memory_space<vmem>> -> memref<1x100x128xf32, #tpu.memory_space<vmem>>
      %dma_wait3A_219 = tpu.memref_squeeze %dma_wait3A_218 : memref<1x100x128xf32, #tpu.memory_space<vmem>> -> memref<100x128xf32, #tpu.memory_space<vmem>>
      %dma_wait3A_220 = arith.constant 0 : i32
      %dma_wait3A_221 = tpu.memref_slice %arg7[%scan3A_213, %dma_wait3A_215, %dma_wait3A_220] : memref<25x1x100xi32, #tpu.memory_space<vmem>> -> memref<1x1x100xi32, #tpu.memory_space<vmem>>
      %dma_wait3A_222 = tpu.memref_squeeze %dma_wait3A_221 : memref<1x1x100xi32, #tpu.memory_space<vmem>> -> memref<100xi32, #tpu.memory_space<vmem>>
      %dma_wait3A_223 = arith.constant 0 : i32
      %dma_wait3A_224 = arith.constant 0 : i32
      %dma_wait3A_225 = tpu.memref_slice %arg2[%dma_wait3A_223, %dma_wait3A_224] : memref<10240x128xf32, #tpu.memory_space<hbm>> -> memref<10240x128xf32, #tpu.memory_space<hbm>>
      tpu.wait_indirect_dma semaphore(%arg10 : memref<!tpu.dma_semaphore, #tpu.memory_space<semaphore_mem>>) src(%dma_wait3A_225 : memref<10240x128xf32, #tpu.memory_space<hbm>>) dst(%dma_wait3A_219 : memref<100x128xf32, #tpu.memory_space<vmem>>)
      %dma_start3A_226 = arith.constant 0 : i32
      %dma_start3A_227 = arith.constant 0 : i32
      %dma_start3A_228 = arith.constant 0 : i32
      %dma_start3A_229 = tpu.memref_slice %arg9[%rem3A_214, %dma_start3A_227, %dma_start3A_228] : memref<3x100x128xf32, #tpu.memory_space<vmem>> -> memref<1x100x128xf32, #tpu.memory_space<vmem>>
      %dma_start3A_230 = tpu.memref_squeeze %dma_start3A_229 : memref<1x100x128xf32, #tpu.memory_space<vmem>> -> memref<100x128xf32, #tpu.memory_space<vmem>>
      %dma_start3A_231 = arith.constant 0 : i32
      %dma_start3A_232 = tpu.memref_slice %arg8[%scan3A_213, %dma_start3A_226, %dma_start3A_231] : memref<25x1x100xi32, #tpu.memory_space<vmem>> -> memref<1x1x100xi32, #tpu.memory_space<vmem>>
      %dma_start3A_233 = tpu.memref_squeeze %dma_start3A_232 : memref<1x1x100xi32, #tpu.memory_space<vmem>> -> memref<100xi32, #tpu.memory_space<vmem>>
      %dma_start3A_234 = arith.constant 0 : i32
      %dma_start3A_235 = arith.constant 0 : i32
      %dma_start3A_236 = tpu.memref_slice %arg6[%dma_start3A_234, %dma_start3A_235] : memref<10240x128xf32, #tpu.memory_space<vmem_shared>> -> memref<10240x128xf32, #tpu.memory_space<vmem_shared>>
      tpu.enqueue_indirect_dma source(%dma_start3A_230 : memref<100x128xf32, #tpu.memory_space<vmem>>) target(%dma_start3A_236 : memref<10240x128xf32, #tpu.memory_space<vmem_shared>>) offsets(%dma_start3A_233 : memref<100xi32, #tpu.memory_space<vmem>>) semaphore(%arg11 : memref<!tpu.dma_semaphore, #tpu.memory_space<semaphore_mem>>) {add = true}
      %ge3A = arith.constant 1 : i32
      %ge3A_237 = arith.cmpi sge, %scan3A_213, %ge3A : i32
      %convert_element_type3A = arith.extui %ge3A_237 : i1 to i32
      %cond3A = arith.constant 0 : i32
      %cond3A_238 = arith.cmpi ne, %convert_element_type3A, %cond3A : i32
      scf.if %cond3A_238 {
        %dma_wait3A_243 = arith.constant 0 : i32
        %dma_wait3A_244 = arith.constant 0 : i32
        %dma_wait3A_245 = arith.constant 0 : i32
        %dma_wait3A_246 = arith.constant 0 : i32
        %dma_wait3A_247 = arith.constant 0 : i32
        %dma_wait3A_248 = tpu.memref_slice %arg9[%dma_wait3A_243, %dma_wait3A_246, %dma_wait3A_247] : memref<3x100x128xf32, #tpu.memory_space<vmem>> -> memref<1x100x128xf32, #tpu.memory_space<vmem>>
        %dma_wait3A_249 = tpu.memref_squeeze %dma_wait3A_248 : memref<1x100x128xf32, #tpu.memory_space<vmem>> -> memref<100x128xf32, #tpu.memory_space<vmem>>
        %dma_wait3A_250 = arith.constant 0 : i32
        %dma_wait3A_251 = tpu.memref_slice %arg8[%dma_wait3A_244, %dma_wait3A_245, %dma_wait3A_250] : memref<25x1x100xi32, #tpu.memory_space<vmem>> -> memref<1x1x100xi32, #tpu.memory_space<vmem>>
        %dma_wait3A_252 = tpu.memref_squeeze %dma_wait3A_251 : memref<1x1x100xi32, #tpu.memory_space<vmem>> -> memref<100xi32, #tpu.memory_space<vmem>>
        %dma_wait3A_253 = arith.constant 0 : i32
        %dma_wait3A_254 = arith.constant 0 : i32
        %dma_wait3A_255 = tpu.memref_slice %arg6[%dma_wait3A_253, %dma_wait3A_254] : memref<10240x128xf32, #tpu.memory_space<vmem_shared>> -> memref<10240x128xf32, #tpu.memory_space<vmem_shared>>
        tpu.wait_indirect_dma semaphore(%arg11 : memref<!tpu.dma_semaphore, #tpu.memory_space<semaphore_mem>>) src(%dma_wait3A_249 : memref<100x128xf32, #tpu.memory_space<vmem>>) dst(%dma_wait3A_255 : memref<10240x128xf32, #tpu.memory_space<vmem_shared>>)
      } else {
      }
      %lt3A = arith.constant 23 : i32
      %lt3A_239 = arith.cmpi slt, %scan3A_213, %lt3A : i32
      %convert_element_type3A_240 = arith.extui %lt3A_239 : i1 to i32
      %cond3A_241 = arith.constant 0 : i32
      %cond3A_242 = arith.cmpi ne, %convert_element_type3A_240, %cond3A_241 : i32
      scf.if %cond3A_242 {
        %add3A_243 = arith.constant 2 : i32
        %add3A_244 = arith.addi %scan3A_213, %add3A_243 : i32
        %add3A_245 = arith.constant 2 : i32
        %add3A_246 = arith.addi %scan3A_213, %add3A_245 : i32
        %rem3A_247 = arith.constant 3 : i32
        %rem3A_248 = arith.remsi %add3A_246, %rem3A_247 : i32
        %dma_start3A_249 = arith.constant 0 : i32
        %dma_start3A_250 = arith.constant 0 : i32
        %dma_start3A_251 = arith.constant 0 : i32
        %dma_start3A_252 = tpu.memref_slice %arg9[%rem3A_248, %dma_start3A_250, %dma_start3A_251] : memref<3x100x128xf32, #tpu.memory_space<vmem>> -> memref<1x100x128xf32, #tpu.memory_space<vmem>>
        %dma_start3A_253 = tpu.memref_squeeze %dma_start3A_252 : memref<1x100x128xf32, #tpu.memory_space<vmem>> -> memref<100x128xf32, #tpu.memory_space<vmem>>
        %dma_start3A_254 = arith.constant 0 : i32
        %dma_start3A_255 = tpu.memref_slice %arg7[%add3A_244, %dma_start3A_249, %dma_start3A_254] : memref<25x1x100xi32, #tpu.memory_space<vmem>> -> memref<1x1x100xi32, #tpu.memory_space<vmem>>
        %dma_start3A_256 = tpu.memref_squeeze %dma_start3A_255 : memref<1x1x100xi32, #tpu.memory_space<vmem>> -> memref<100xi32, #tpu.memory_space<vmem>>
        %dma_start3A_257 = arith.constant 0 : i32
        %dma_start3A_258 = arith.constant 0 : i32
        %dma_start3A_259 = tpu.memref_slice %arg2[%dma_start3A_257, %dma_start3A_258] : memref<10240x128xf32, #tpu.memory_space<hbm>> -> memref<10240x128xf32, #tpu.memory_space<hbm>>
        tpu.enqueue_indirect_dma source(%dma_start3A_259 : memref<10240x128xf32, #tpu.memory_space<hbm>>) target(%dma_start3A_253 : memref<100x128xf32, #tpu.memory_space<vmem>>) offsets(%dma_start3A_256 : memref<100xi32, #tpu.memory_space<vmem>>) semaphore(%arg10 : memref<!tpu.dma_semaphore, #tpu.memory_space<semaphore_mem>>)
      } else {
      }
    }
    %scan3A_198 = arith.constant 25 : i32
    %dma_wait3A_199 = arith.constant 0 : i32
    %dma_wait3A_200 = arith.constant 0 : i32
    %dma_wait3A_201 = arith.constant 0 : i32
    %dma_wait3A_202 = arith.constant 0 : i32
    %dma_wait3A_203 = arith.constant 0 : i32
    %dma_wait3A_204 = tpu.memref_slice %arg9[%dma_wait3A_199, %dma_wait3A_202, %dma_wait3A_203] : memref<3x100x128xf32, #tpu.memory_space<vmem>> -> memref<1x100x128xf32, #tpu.memory_space<vmem>>
    %dma_wait3A_205 = tpu.memref_squeeze %dma_wait3A_204 : memref<1x100x128xf32, #tpu.memory_space<vmem>> -> memref<100x128xf32, #tpu.memory_space<vmem>>
    %dma_wait3A_206 = arith.constant 0 : i32
    %dma_wait3A_207 = tpu.memref_slice %arg8[%dma_wait3A_200, %dma_wait3A_201, %dma_wait3A_206] : memref<25x1x100xi32, #tpu.memory_space<vmem>> -> memref<1x1x100xi32, #tpu.memory_space<vmem>>
    %dma_wait3A_208 = tpu.memref_squeeze %dma_wait3A_207 : memref<1x1x100xi32, #tpu.memory_space<vmem>> -> memref<100xi32, #tpu.memory_space<vmem>>
    %dma_wait3A_209 = arith.constant 0 : i32
    %dma_wait3A_210 = arith.constant 0 : i32
    %dma_wait3A_211 = tpu.memref_slice %arg6[%dma_wait3A_209, %dma_wait3A_210] : memref<10240x128xf32, #tpu.memory_space<vmem_shared>> -> memref<10240x128xf32, #tpu.memory_space<vmem_shared>>
    tpu.wait_indirect_dma semaphore(%arg11 : memref<!tpu.dma_semaphore, #tpu.memory_space<semaphore_mem>>) src(%dma_wait3A_205 : memref<100x128xf32, #tpu.memory_space<vmem>>) dst(%dma_wait3A_211 : memref<10240x128xf32, #tpu.memory_space<vmem_shared>>)
    %barrier3A_212 = arith.constant 0 : index
    tpu.barrier barrier_id(%barrier3A_212)
    "tpu.region"() ({
      %run_scoped3A = tpu.sem_alloc : memref<!tpu.dma_semaphore, #tpu.memory_space<semaphore_mem>>
      %dma_start3A_213 = arith.constant 0 : i32
      %dma_start3A_214 = arith.constant 0 : i32
      %dma_start3A_215 = tpu.memref_slice %arg5[%arg0, %dma_start3A_213, %dma_start3A_214] : memref<2x10240x128xf32, #tpu.memory_space<hbm>> -> memref<1x10240x128xf32, #tpu.memory_space<hbm>>
      %dma_start3A_216 = tpu.memref_squeeze %dma_start3A_215 : memref<1x10240x128xf32, #tpu.memory_space<hbm>> -> memref<10240x128xf32, #tpu.memory_space<hbm>>
      %dma_start3A_217 = arith.constant 0 : i32
      %dma_start3A_218 = tpu.memref_slice %dma_start3A_216[%mul3A_2, %dma_start3A_217] : memref<10240x128xf32, #tpu.memory_space<hbm>> -> memref<640x128xf32, #tpu.memory_space<hbm>>
      %dma_start3A_219 = arith.constant 0 : i32
      %dma_start3A_220 = tpu.memref_slice %arg6[%mul3A_2, %dma_start3A_219] : memref<10240x128xf32, #tpu.memory_space<vmem_shared>> -> memref<640x128xf32, #tpu.memory_space<vmem_shared>>
      tpu.enqueue_dma source(%dma_start3A_220 : memref<640x128xf32, #tpu.memory_space<vmem_shared>>) target(%dma_start3A_218 : memref<640x128xf32, #tpu.memory_space<hbm>>) target_semaphore(%run_scoped3A : memref<!tpu.dma_semaphore, #tpu.memory_space<semaphore_mem>>)
      %dma_wait3A_221 = arith.constant 0 : i32
      %dma_wait3A_222 = arith.constant 0 : i32
      %dma_wait3A_223 = tpu.memref_slice %arg5[%arg0, %dma_wait3A_221, %dma_wait3A_222] : memref<2x10240x128xf32, #tpu.memory_space<hbm>> -> memref<1x10240x128xf32, #tpu.memory_space<hbm>>
      %dma_wait3A_224 = tpu.memref_squeeze %dma_wait3A_223 : memref<1x10240x128xf32, #tpu.memory_space<hbm>> -> memref<10240x128xf32, #tpu.memory_space<hbm>>
      %dma_wait3A_225 = arith.constant 0 : i32
      %dma_wait3A_226 = tpu.memref_slice %dma_wait3A_224[%mul3A_2, %dma_wait3A_225] : memref<10240x128xf32, #tpu.memory_space<hbm>> -> memref<640x128xf32, #tpu.memory_space<hbm>>
      %dma_wait3A_227 = arith.constant 0 : i32
      %dma_wait3A_228 = tpu.memref_slice %arg6[%mul3A_2, %dma_wait3A_227] : memref<10240x128xf32, #tpu.memory_space<vmem_shared>> -> memref<640x128xf32, #tpu.memory_space<vmem_shared>>
      tpu.wait_dma2 semaphore(%run_scoped3A : memref<!tpu.dma_semaphore, #tpu.memory_space<semaphore_mem>>) src(%dma_wait3A_228 : memref<640x128xf32, #tpu.memory_space<vmem_shared>>) dst(%dma_wait3A_226 : memref<640x128xf32, #tpu.memory_space<hbm>>)
      tpu.yield
    }) : () -> ()
    return
  }
}

#map = affine_map<(d0, d1) -> (0)>
#map1 = affine_map<(d0, d1) -> (0, 0, 0)>
module attributes {stable_mosaic.version = 14 : i64} {
  func.func @k(%arg0: i32, %arg1: i32, %arg2: memref<10240xf32, #tpu.memory_space<hbm>>, %arg3: memref<10240xf32, #tpu.memory_space<hbm>>, %arg4: memref<3200x1x100xi32, #tpu.memory_space<hbm>>, %arg5: memref<3200x1x100xi32, #tpu.memory_space<hbm>>, %arg6: memref<320000xf32, #tpu.memory_space<hbm>>, %arg7: memref<320000xf32, #tpu.memory_space<hbm>>, %arg8: memref<10240xf32, #tpu.memory_space<vmem>>, %arg9: memref<10240xf32, #tpu.memory_space<vmem>>, %arg10: memref<100x1x100xi32, #tpu.memory_space<vmem>>, %arg11: memref<100x1x100xi32, #tpu.memory_space<vmem>>, %arg12: memref<10000xf32, #tpu.memory_space<vmem>>, %arg13: memref<10000xf32, #tpu.memory_space<vmem>>) attributes {dimension_semantics = [#tpu.dimension_semantics<core_parallel>, #tpu.dimension_semantics<subcore_parallel>], iteration_bounds = array<i64: 2, 16>, scalar_prefetch = 0 : i64, scratch_operands = 6 : i64, tpu.core_type = #tpu.core_type<sc_vector_subcore>, window_params = [{transform_indices = #map}, {transform_indices = #map}, {transform_indices = #map1}, {transform_indices = #map1}, {transform_indices = #map}, {transform_indices = #map}]} {
    %mul3A = arith.constant 2 : i32
    %mul3A_0 = arith.muli %arg1, %mul3A : i32
    %add3A = arith.addi %mul3A_0, %arg0 : i32
    %mul3A_1 = arith.constant 100 : i32
    %mul3A_2 = arith.muli %add3A, %mul3A_1 : i32
    %mul3A_3 = arith.constant 10000 : i32
    %mul3A_4 = arith.muli %add3A, %mul3A_3 : i32
    "tpu.region"() ({
      %run_scoped3A = tpu.sem_alloc : memref<!tpu.dma_semaphore, #tpu.memory_space<semaphore_mem>>
      tpu.enqueue_dma source(%arg2 : memref<10240xf32, #tpu.memory_space<hbm>>) target(%arg8 : memref<10240xf32, #tpu.memory_space<vmem>>) target_semaphore(%run_scoped3A : memref<!tpu.dma_semaphore, #tpu.memory_space<semaphore_mem>>)
      tpu.wait_dma2 semaphore(%run_scoped3A : memref<!tpu.dma_semaphore, #tpu.memory_space<semaphore_mem>>) src(%arg2 : memref<10240xf32, #tpu.memory_space<hbm>>) dst(%arg8 : memref<10240xf32, #tpu.memory_space<vmem>>)
      tpu.yield
    }) : () -> ()
    "tpu.region"() ({
      %run_scoped3A = tpu.sem_alloc : memref<!tpu.dma_semaphore, #tpu.memory_space<semaphore_mem>>
      tpu.enqueue_dma source(%arg3 : memref<10240xf32, #tpu.memory_space<hbm>>) target(%arg9 : memref<10240xf32, #tpu.memory_space<vmem>>) target_semaphore(%run_scoped3A : memref<!tpu.dma_semaphore, #tpu.memory_space<semaphore_mem>>)
      tpu.wait_dma2 semaphore(%run_scoped3A : memref<!tpu.dma_semaphore, #tpu.memory_space<semaphore_mem>>) src(%arg3 : memref<10240xf32, #tpu.memory_space<hbm>>) dst(%arg9 : memref<10240xf32, #tpu.memory_space<vmem>>)
      tpu.yield
    }) : () -> ()
    "tpu.region"() ({
      %run_scoped3A = tpu.sem_alloc : memref<!tpu.dma_semaphore, #tpu.memory_space<semaphore_mem>>
      %dma_start3A = arith.constant 0 : i32
      %dma_start3A_10 = arith.constant 0 : i32
      %dma_start3A_11 = tpu.memref_slice %arg4[%mul3A_2, %dma_start3A, %dma_start3A_10] : memref<3200x1x100xi32, #tpu.memory_space<hbm>> -> memref<100x1x100xi32, #tpu.memory_space<hbm>>
      %dma_start3A_12 = arith.constant 0 : i32
      %dma_start3A_13 = arith.constant 0 : i32
      %dma_start3A_14 = tpu.memref_slice %arg4[%mul3A_2, %dma_start3A_12, %dma_start3A_13] : memref<3200x1x100xi32, #tpu.memory_space<hbm>> -> memref<100x1x100xi32, #tpu.memory_space<hbm>>
      tpu.enqueue_dma source(%dma_start3A_14 : memref<100x1x100xi32, #tpu.memory_space<hbm>>) target(%arg10 : memref<100x1x100xi32, #tpu.memory_space<vmem>>) target_semaphore(%run_scoped3A : memref<!tpu.dma_semaphore, #tpu.memory_space<semaphore_mem>>)
      %dma_wait3A = arith.constant 0 : i32
      %dma_wait3A_15 = arith.constant 0 : i32
      %dma_wait3A_16 = tpu.memref_slice %arg4[%mul3A_2, %dma_wait3A, %dma_wait3A_15] : memref<3200x1x100xi32, #tpu.memory_space<hbm>> -> memref<100x1x100xi32, #tpu.memory_space<hbm>>
      %dma_wait3A_17 = arith.constant 0 : i32
      %dma_wait3A_18 = arith.constant 0 : i32
      %dma_wait3A_19 = tpu.memref_slice %arg4[%mul3A_2, %dma_wait3A_17, %dma_wait3A_18] : memref<3200x1x100xi32, #tpu.memory_space<hbm>> -> memref<100x1x100xi32, #tpu.memory_space<hbm>>
      tpu.wait_dma2 semaphore(%run_scoped3A : memref<!tpu.dma_semaphore, #tpu.memory_space<semaphore_mem>>) src(%dma_wait3A_19 : memref<100x1x100xi32, #tpu.memory_space<hbm>>) dst(%arg10 : memref<100x1x100xi32, #tpu.memory_space<vmem>>)
      tpu.yield
    }) : () -> ()
    "tpu.region"() ({
      %run_scoped3A = tpu.sem_alloc : memref<!tpu.dma_semaphore, #tpu.memory_space<semaphore_mem>>
      %dma_start3A = arith.constant 0 : i32
      %dma_start3A_10 = arith.constant 0 : i32
      %dma_start3A_11 = tpu.memref_slice %arg5[%mul3A_2, %dma_start3A, %dma_start3A_10] : memref<3200x1x100xi32, #tpu.memory_space<hbm>> -> memref<100x1x100xi32, #tpu.memory_space<hbm>>
      %dma_start3A_12 = arith.constant 0 : i32
      %dma_start3A_13 = arith.constant 0 : i32
      %dma_start3A_14 = tpu.memref_slice %arg5[%mul3A_2, %dma_start3A_12, %dma_start3A_13] : memref<3200x1x100xi32, #tpu.memory_space<hbm>> -> memref<100x1x100xi32, #tpu.memory_space<hbm>>
      tpu.enqueue_dma source(%dma_start3A_14 : memref<100x1x100xi32, #tpu.memory_space<hbm>>) target(%arg11 : memref<100x1x100xi32, #tpu.memory_space<vmem>>) target_semaphore(%run_scoped3A : memref<!tpu.dma_semaphore, #tpu.memory_space<semaphore_mem>>)
      %dma_wait3A = arith.constant 0 : i32
      %dma_wait3A_15 = arith.constant 0 : i32
      %dma_wait3A_16 = tpu.memref_slice %arg5[%mul3A_2, %dma_wait3A, %dma_wait3A_15] : memref<3200x1x100xi32, #tpu.memory_space<hbm>> -> memref<100x1x100xi32, #tpu.memory_space<hbm>>
      %dma_wait3A_17 = arith.constant 0 : i32
      %dma_wait3A_18 = arith.constant 0 : i32
      %dma_wait3A_19 = tpu.memref_slice %arg5[%mul3A_2, %dma_wait3A_17, %dma_wait3A_18] : memref<3200x1x100xi32, #tpu.memory_space<hbm>> -> memref<100x1x100xi32, #tpu.memory_space<hbm>>
      tpu.wait_dma2 semaphore(%run_scoped3A : memref<!tpu.dma_semaphore, #tpu.memory_space<semaphore_mem>>) src(%dma_wait3A_19 : memref<100x1x100xi32, #tpu.memory_space<hbm>>) dst(%arg11 : memref<100x1x100xi32, #tpu.memory_space<vmem>>)
      tpu.yield
    }) : () -> ()
    "tpu.region"() ({
      %run_scoped3A = tpu.sem_alloc : memref<!tpu.dma_semaphore, #tpu.memory_space<semaphore_mem>>
      %dma_start3A = tpu.memref_slice %arg6[%mul3A_4] : memref<320000xf32, #tpu.memory_space<hbm>> -> memref<10000xf32, #tpu.memory_space<hbm>>
      %dma_start3A_10 = tpu.memref_slice %arg6[%mul3A_4] : memref<320000xf32, #tpu.memory_space<hbm>> -> memref<10000xf32, #tpu.memory_space<hbm>>
      tpu.enqueue_dma source(%dma_start3A_10 : memref<10000xf32, #tpu.memory_space<hbm>>) target(%arg12 : memref<10000xf32, #tpu.memory_space<vmem>>) target_semaphore(%run_scoped3A : memref<!tpu.dma_semaphore, #tpu.memory_space<semaphore_mem>>)
      %dma_wait3A = tpu.memref_slice %arg6[%mul3A_4] : memref<320000xf32, #tpu.memory_space<hbm>> -> memref<10000xf32, #tpu.memory_space<hbm>>
      %dma_wait3A_11 = tpu.memref_slice %arg6[%mul3A_4] : memref<320000xf32, #tpu.memory_space<hbm>> -> memref<10000xf32, #tpu.memory_space<hbm>>
      tpu.wait_dma2 semaphore(%run_scoped3A : memref<!tpu.dma_semaphore, #tpu.memory_space<semaphore_mem>>) src(%dma_wait3A_11 : memref<10000xf32, #tpu.memory_space<hbm>>) dst(%arg12 : memref<10000xf32, #tpu.memory_space<vmem>>)
      tpu.yield
    }) : () -> ()
    %scan3A = arith.constant 0 : i32
    %scan3A_5 = arith.constant 0 : i32
    %scan3A_6 = arith.constant 100 : i32
    %scan3A_7 = arith.addi %scan3A_5, %scan3A_6 : i32
    %scan3A_8 = arith.constant 1 : i32
    scf.for %scan3A_10 = %scan3A_5 to %scan3A_7 step %scan3A_8  : i32 {
      %mul3A_11 = arith.constant 100 : i32
      %mul3A_12 = arith.muli %scan3A_10, %mul3A_11 : i32
      %add3A_13 = arith.constant 0 : i32
      %add3A_14 = arith.addi %mul3A_12, %add3A_13 : i32
      %get3A = arith.constant 0 : i32
      %get3A_15 = arith.index_cast %scan3A_10 : i32 to index
      %get3A_16 = arith.index_cast %get3A : i32 to index
      %get3A_17 = arith.constant 0 : index
      %get3A_18 = tpu.vector_load %arg10[%get3A_15, %get3A_16, %get3A_17] {strides = array<i32>} : memref<100x1x100xi32, #tpu.memory_space<vmem>>, vector<16xi32>,
      %gather3A = tpu.vector_load_idx %arg8[%get3A_18] : memref<10240xf32, #tpu.memory_space<vmem>>[vector<16xi32>], vector<16xf32>,
      %get3A_19 = arith.constant 0 : i32
      %get3A_20 = arith.index_cast %scan3A_10 : i32 to index
      %get3A_21 = arith.index_cast %get3A_19 : i32 to index
      %get3A_22 = arith.constant 0 : index
      %get3A_23 = tpu.vector_load %arg11[%get3A_20, %get3A_21, %get3A_22] {strides = array<i32>} : memref<100x1x100xi32, #tpu.memory_space<vmem>>, vector<16xi32>,
      %gather3A_24 = tpu.vector_load_idx %arg9[%get3A_23] : memref<10240xf32, #tpu.memory_space<vmem>>[vector<16xi32>], vector<16xf32>,
      %add3A_25 = arith.addf %gather3A, %gather3A_24 : vector<16xf32>
      %get3A_26 = arith.index_cast %add3A_14 : i32 to index
      %get3A_27 = tpu.vector_load %arg12[%get3A_26] {strides = array<i32>} : memref<10000xf32, #tpu.memory_space<vmem>>, vector<16xf32>,
      %add3A_28 = arith.addf %add3A_25, %get3A_27 : vector<16xf32>
      %swap3A = arith.index_cast %add3A_14 : i32 to index
      %swap3A_29 = tpu.vector_load %arg13[%swap3A] {strides = array<i32>} : memref<10000xf32, #tpu.memory_space<vmem>>, vector<16xf32>,
      tpu.vector_store %arg13[%swap3A], %add3A_28 {strides = array<i32>} : memref<10000xf32, #tpu.memory_space<vmem>>, vector<16xf32>,
      %mul3A_30 = arith.constant 100 : i32
      %mul3A_31 = arith.muli %scan3A_10, %mul3A_30 : i32
      %add3A_32 = arith.constant 16 : i32
      %add3A_33 = arith.addi %mul3A_31, %add3A_32 : i32
      %get3A_34 = arith.constant 0 : i32
      %get3A_35 = arith.index_cast %scan3A_10 : i32 to index
      %get3A_36 = arith.index_cast %get3A_34 : i32 to index
      %get3A_37 = arith.constant 16 : index
      %get3A_38 = tpu.vector_load %arg10[%get3A_35, %get3A_36, %get3A_37] {strides = array<i32>} : memref<100x1x100xi32, #tpu.memory_space<vmem>>, vector<16xi32>,
      %gather3A_39 = tpu.vector_load_idx %arg8[%get3A_38] : memref<10240xf32, #tpu.memory_space<vmem>>[vector<16xi32>], vector<16xf32>,
      %get3A_40 = arith.constant 0 : i32
      %get3A_41 = arith.index_cast %scan3A_10 : i32 to index
      %get3A_42 = arith.index_cast %get3A_40 : i32 to index
      %get3A_43 = arith.constant 16 : index
      %get3A_44 = tpu.vector_load %arg11[%get3A_41, %get3A_42, %get3A_43] {strides = array<i32>} : memref<100x1x100xi32, #tpu.memory_space<vmem>>, vector<16xi32>,
      %gather3A_45 = tpu.vector_load_idx %arg9[%get3A_44] : memref<10240xf32, #tpu.memory_space<vmem>>[vector<16xi32>], vector<16xf32>,
      %add3A_46 = arith.addf %gather3A_39, %gather3A_45 : vector<16xf32>
      %get3A_47 = arith.index_cast %add3A_33 : i32 to index
      %get3A_48 = tpu.vector_load %arg12[%get3A_47] {strides = array<i32>} : memref<10000xf32, #tpu.memory_space<vmem>>, vector<16xf32>,
      %add3A_49 = arith.addf %add3A_46, %get3A_48 : vector<16xf32>
      %swap3A_50 = arith.index_cast %add3A_33 : i32 to index
      %swap3A_51 = tpu.vector_load %arg13[%swap3A_50] {strides = array<i32>} : memref<10000xf32, #tpu.memory_space<vmem>>, vector<16xf32>,
      tpu.vector_store %arg13[%swap3A_50], %add3A_49 {strides = array<i32>} : memref<10000xf32, #tpu.memory_space<vmem>>, vector<16xf32>,
      %mul3A_52 = arith.constant 100 : i32
      %mul3A_53 = arith.muli %scan3A_10, %mul3A_52 : i32
      %add3A_54 = arith.constant 32 : i32
      %add3A_55 = arith.addi %mul3A_53, %add3A_54 : i32
      %get3A_56 = arith.constant 0 : i32
      %get3A_57 = arith.index_cast %scan3A_10 : i32 to index
      %get3A_58 = arith.index_cast %get3A_56 : i32 to index
      %get3A_59 = arith.constant 32 : index
      %get3A_60 = tpu.vector_load %arg10[%get3A_57, %get3A_58, %get3A_59] {strides = array<i32>} : memref<100x1x100xi32, #tpu.memory_space<vmem>>, vector<16xi32>,
      %gather3A_61 = tpu.vector_load_idx %arg8[%get3A_60] : memref<10240xf32, #tpu.memory_space<vmem>>[vector<16xi32>], vector<16xf32>,
      %get3A_62 = arith.constant 0 : i32
      %get3A_63 = arith.index_cast %scan3A_10 : i32 to index
      %get3A_64 = arith.index_cast %get3A_62 : i32 to index
      %get3A_65 = arith.constant 32 : index
      %get3A_66 = tpu.vector_load %arg11[%get3A_63, %get3A_64, %get3A_65] {strides = array<i32>} : memref<100x1x100xi32, #tpu.memory_space<vmem>>, vector<16xi32>,
      %gather3A_67 = tpu.vector_load_idx %arg9[%get3A_66] : memref<10240xf32, #tpu.memory_space<vmem>>[vector<16xi32>], vector<16xf32>,
      %add3A_68 = arith.addf %gather3A_61, %gather3A_67 : vector<16xf32>
      %get3A_69 = arith.index_cast %add3A_55 : i32 to index
      %get3A_70 = tpu.vector_load %arg12[%get3A_69] {strides = array<i32>} : memref<10000xf32, #tpu.memory_space<vmem>>, vector<16xf32>,
      %add3A_71 = arith.addf %add3A_68, %get3A_70 : vector<16xf32>
      %swap3A_72 = arith.index_cast %add3A_55 : i32 to index
      %swap3A_73 = tpu.vector_load %arg13[%swap3A_72] {strides = array<i32>} : memref<10000xf32, #tpu.memory_space<vmem>>, vector<16xf32>,
      tpu.vector_store %arg13[%swap3A_72], %add3A_71 {strides = array<i32>} : memref<10000xf32, #tpu.memory_space<vmem>>, vector<16xf32>,
      %mul3A_74 = arith.constant 100 : i32
      %mul3A_75 = arith.muli %scan3A_10, %mul3A_74 : i32
      %add3A_76 = arith.constant 48 : i32
      %add3A_77 = arith.addi %mul3A_75, %add3A_76 : i32
      %get3A_78 = arith.constant 0 : i32
      %get3A_79 = arith.index_cast %scan3A_10 : i32 to index
      %get3A_80 = arith.index_cast %get3A_78 : i32 to index
      %get3A_81 = arith.constant 48 : index
      %get3A_82 = tpu.vector_load %arg10[%get3A_79, %get3A_80, %get3A_81] {strides = array<i32>} : memref<100x1x100xi32, #tpu.memory_space<vmem>>, vector<16xi32>,
      %gather3A_83 = tpu.vector_load_idx %arg8[%get3A_82] : memref<10240xf32, #tpu.memory_space<vmem>>[vector<16xi32>], vector<16xf32>,
      %get3A_84 = arith.constant 0 : i32
      %get3A_85 = arith.index_cast %scan3A_10 : i32 to index
      %get3A_86 = arith.index_cast %get3A_84 : i32 to index
      %get3A_87 = arith.constant 48 : index
      %get3A_88 = tpu.vector_load %arg11[%get3A_85, %get3A_86, %get3A_87] {strides = array<i32>} : memref<100x1x100xi32, #tpu.memory_space<vmem>>, vector<16xi32>,
      %gather3A_89 = tpu.vector_load_idx %arg9[%get3A_88] : memref<10240xf32, #tpu.memory_space<vmem>>[vector<16xi32>], vector<16xf32>,
      %add3A_90 = arith.addf %gather3A_83, %gather3A_89 : vector<16xf32>
      %get3A_91 = arith.index_cast %add3A_77 : i32 to index
      %get3A_92 = tpu.vector_load %arg12[%get3A_91] {strides = array<i32>} : memref<10000xf32, #tpu.memory_space<vmem>>, vector<16xf32>,
      %add3A_93 = arith.addf %add3A_90, %get3A_92 : vector<16xf32>
      %swap3A_94 = arith.index_cast %add3A_77 : i32 to index
      %swap3A_95 = tpu.vector_load %arg13[%swap3A_94] {strides = array<i32>} : memref<10000xf32, #tpu.memory_space<vmem>>, vector<16xf32>,
      tpu.vector_store %arg13[%swap3A_94], %add3A_93 {strides = array<i32>} : memref<10000xf32, #tpu.memory_space<vmem>>, vector<16xf32>,
      %mul3A_96 = arith.constant 100 : i32
      %mul3A_97 = arith.muli %scan3A_10, %mul3A_96 : i32
      %add3A_98 = arith.constant 64 : i32
      %add3A_99 = arith.addi %mul3A_97, %add3A_98 : i32
      %get3A_100 = arith.constant 0 : i32
      %get3A_101 = arith.index_cast %scan3A_10 : i32 to index
      %get3A_102 = arith.index_cast %get3A_100 : i32 to index
      %get3A_103 = arith.constant 64 : index
      %get3A_104 = tpu.vector_load %arg10[%get3A_101, %get3A_102, %get3A_103] {strides = array<i32>} : memref<100x1x100xi32, #tpu.memory_space<vmem>>, vector<16xi32>,
      %gather3A_105 = tpu.vector_load_idx %arg8[%get3A_104] : memref<10240xf32, #tpu.memory_space<vmem>>[vector<16xi32>], vector<16xf32>,
      %get3A_106 = arith.constant 0 : i32
      %get3A_107 = arith.index_cast %scan3A_10 : i32 to index
      %get3A_108 = arith.index_cast %get3A_106 : i32 to index
      %get3A_109 = arith.constant 64 : index
      %get3A_110 = tpu.vector_load %arg11[%get3A_107, %get3A_108, %get3A_109] {strides = array<i32>} : memref<100x1x100xi32, #tpu.memory_space<vmem>>, vector<16xi32>,
      %gather3A_111 = tpu.vector_load_idx %arg9[%get3A_110] : memref<10240xf32, #tpu.memory_space<vmem>>[vector<16xi32>], vector<16xf32>,
      %add3A_112 = arith.addf %gather3A_105, %gather3A_111 : vector<16xf32>
      %get3A_113 = arith.index_cast %add3A_99 : i32 to index
      %get3A_114 = tpu.vector_load %arg12[%get3A_113] {strides = array<i32>} : memref<10000xf32, #tpu.memory_space<vmem>>, vector<16xf32>,
      %add3A_115 = arith.addf %add3A_112, %get3A_114 : vector<16xf32>
      %swap3A_116 = arith.index_cast %add3A_99 : i32 to index
      %swap3A_117 = tpu.vector_load %arg13[%swap3A_116] {strides = array<i32>} : memref<10000xf32, #tpu.memory_space<vmem>>, vector<16xf32>,
      tpu.vector_store %arg13[%swap3A_116], %add3A_115 {strides = array<i32>} : memref<10000xf32, #tpu.memory_space<vmem>>, vector<16xf32>,
      %mul3A_118 = arith.constant 100 : i32
      %mul3A_119 = arith.muli %scan3A_10, %mul3A_118 : i32
      %add3A_120 = arith.constant 80 : i32
      %add3A_121 = arith.addi %mul3A_119, %add3A_120 : i32
      %get3A_122 = arith.constant 0 : i32
      %get3A_123 = arith.index_cast %scan3A_10 : i32 to index
      %get3A_124 = arith.index_cast %get3A_122 : i32 to index
      %get3A_125 = arith.constant 80 : index
      %get3A_126 = tpu.vector_load %arg10[%get3A_123, %get3A_124, %get3A_125] {strides = array<i32>} : memref<100x1x100xi32, #tpu.memory_space<vmem>>, vector<16xi32>,
      %gather3A_127 = tpu.vector_load_idx %arg8[%get3A_126] : memref<10240xf32, #tpu.memory_space<vmem>>[vector<16xi32>], vector<16xf32>,
      %get3A_128 = arith.constant 0 : i32
      %get3A_129 = arith.index_cast %scan3A_10 : i32 to index
      %get3A_130 = arith.index_cast %get3A_128 : i32 to index
      %get3A_131 = arith.constant 80 : index
      %get3A_132 = tpu.vector_load %arg11[%get3A_129, %get3A_130, %get3A_131] {strides = array<i32>} : memref<100x1x100xi32, #tpu.memory_space<vmem>>, vector<16xi32>,
      %gather3A_133 = tpu.vector_load_idx %arg9[%get3A_132] : memref<10240xf32, #tpu.memory_space<vmem>>[vector<16xi32>], vector<16xf32>,
      %add3A_134 = arith.addf %gather3A_127, %gather3A_133 : vector<16xf32>
      %get3A_135 = arith.index_cast %add3A_121 : i32 to index
      %get3A_136 = tpu.vector_load %arg12[%get3A_135] {strides = array<i32>} : memref<10000xf32, #tpu.memory_space<vmem>>, vector<16xf32>,
      %add3A_137 = arith.addf %add3A_134, %get3A_136 : vector<16xf32>
      %swap3A_138 = arith.index_cast %add3A_121 : i32 to index
      %swap3A_139 = tpu.vector_load %arg13[%swap3A_138] {strides = array<i32>} : memref<10000xf32, #tpu.memory_space<vmem>>, vector<16xf32>,
      tpu.vector_store %arg13[%swap3A_138], %add3A_137 {strides = array<i32>} : memref<10000xf32, #tpu.memory_space<vmem>>, vector<16xf32>,
      %mul3A_140 = arith.constant 100 : i32
      %mul3A_141 = arith.muli %scan3A_10, %mul3A_140 : i32
      %add3A_142 = arith.constant 84 : i32
      %add3A_143 = arith.addi %mul3A_141, %add3A_142 : i32
      %get3A_144 = arith.constant 0 : i32
      %get3A_145 = arith.index_cast %scan3A_10 : i32 to index
      %get3A_146 = arith.index_cast %get3A_144 : i32 to index
      %get3A_147 = arith.constant 84 : index
      %get3A_148 = tpu.vector_load %arg10[%get3A_145, %get3A_146, %get3A_147] {strides = array<i32>} : memref<100x1x100xi32, #tpu.memory_space<vmem>>, vector<16xi32>,
      %gather3A_149 = tpu.vector_load_idx %arg8[%get3A_148] : memref<10240xf32, #tpu.memory_space<vmem>>[vector<16xi32>], vector<16xf32>,
      %get3A_150 = arith.constant 0 : i32
      %get3A_151 = arith.index_cast %scan3A_10 : i32 to index
      %get3A_152 = arith.index_cast %get3A_150 : i32 to index
      %get3A_153 = arith.constant 84 : index
      %get3A_154 = tpu.vector_load %arg11[%get3A_151, %get3A_152, %get3A_153] {strides = array<i32>} : memref<100x1x100xi32, #tpu.memory_space<vmem>>, vector<16xi32>,
      %gather3A_155 = tpu.vector_load_idx %arg9[%get3A_154] : memref<10240xf32, #tpu.memory_space<vmem>>[vector<16xi32>], vector<16xf32>,
      %add3A_156 = arith.addf %gather3A_149, %gather3A_155 : vector<16xf32>
      %get3A_157 = arith.index_cast %add3A_143 : i32 to index
      %get3A_158 = tpu.vector_load %arg12[%get3A_157] {strides = array<i32>} : memref<10000xf32, #tpu.memory_space<vmem>>, vector<16xf32>,
      %add3A_159 = arith.addf %add3A_156, %get3A_158 : vector<16xf32>
      %swap3A_160 = arith.index_cast %add3A_143 : i32 to index
      %swap3A_161 = tpu.vector_load %arg13[%swap3A_160] {strides = array<i32>} : memref<10000xf32, #tpu.memory_space<vmem>>, vector<16xf32>,
      tpu.vector_store %arg13[%swap3A_160], %add3A_159 {strides = array<i32>} : memref<10000xf32, #tpu.memory_space<vmem>>, vector<16xf32>,
    }
    %scan3A_9 = arith.constant 100 : i32
    "tpu.region"() ({
      %run_scoped3A = tpu.sem_alloc : memref<!tpu.dma_semaphore, #tpu.memory_space<semaphore_mem>>
      %dma_start3A = tpu.memref_slice %arg7[%mul3A_4] : memref<320000xf32, #tpu.memory_space<hbm>> -> memref<10000xf32, #tpu.memory_space<hbm>>
      %dma_start3A_10 = tpu.memref_slice %arg7[%mul3A_4] : memref<320000xf32, #tpu.memory_space<hbm>> -> memref<10000xf32, #tpu.memory_space<hbm>>
      tpu.enqueue_dma source(%arg13 : memref<10000xf32, #tpu.memory_space<vmem>>) target(%dma_start3A_10 : memref<10000xf32, #tpu.memory_space<hbm>>) target_semaphore(%run_scoped3A : memref<!tpu.dma_semaphore, #tpu.memory_space<semaphore_mem>>)
      %dma_wait3A = tpu.memref_slice %arg7[%mul3A_4] : memref<320000xf32, #tpu.memory_space<hbm>> -> memref<10000xf32, #tpu.memory_space<hbm>>
      %dma_wait3A_11 = tpu.memref_slice %arg7[%mul3A_4] : memref<320000xf32, #tpu.memory_space<hbm>> -> memref<10000xf32, #tpu.memory_space<hbm>>
      tpu.wait_dma2 semaphore(%run_scoped3A : memref<!tpu.dma_semaphore, #tpu.memory_space<semaphore_mem>>) src(%arg13 : memref<10000xf32, #tpu.memory_space<vmem>>) dst(%dma_wait3A_11 : memref<10000xf32, #tpu.memory_space<hbm>>)
      tpu.yield
    }) : () -> ()
    return
  }
}

#map = affine_map<(d0, d1) -> (0, 0)>
#map1 = affine_map<(d0, d1) -> (0, 0, 0)>
module attributes {stable_mosaic.version = 14 : i64} {
  func.func @k(%arg0: i32, %arg1: i32, %arg2: memref<10240x128xf32, #tpu.memory_space<hbm>>, %arg3: memref<3200x1x100xi32, #tpu.memory_space<hbm>>, %arg4: memref<3200x1x100xi32, #tpu.memory_space<hbm>>, %arg5: memref<2x10240x128xf32, #tpu.memory_space<hbm>>, %arg6: memref<10240x128xf32, #tpu.memory_space<vmem_shared>>, %arg7: memref<25x1x100xi32, #tpu.memory_space<vmem>>, %arg8: memref<25x1x100xi32, #tpu.memory_space<vmem>>, %arg9: memref<3x100x128xf32, #tpu.memory_space<vmem>>, %arg10: memref<!tpu.dma_semaphore, #tpu.memory_space<semaphore_mem>>, %arg11: memref<!tpu.dma_semaphore, #tpu.memory_space<semaphore_mem>>) attributes {dimension_semantics = [#tpu.dimension_semantics<core_parallel>, #tpu.dimension_semantics<subcore_parallel>], iteration_bounds = array<i64: 2, 16>, scalar_prefetch = 0 : i64, scratch_operands = 6 : i64, tpu.core_type = #tpu.core_type<sc_vector_subcore>, window_params = [{transform_indices = #map}, {transform_indices = #map1}, {transform_indices = #map1}, {transform_indices = #map1}]} {
    %mul3A = arith.constant 2 : i32
    %mul3A_0 = arith.muli %arg1, %mul3A : i32
    %add3A = arith.addi %mul3A_0, %arg0 : i32
    %mul3A_1 = arith.constant 640 : i32
    %mul3A_2 = arith.muli %arg1, %mul3A_1 : i32
    "tpu.region"() ({
      %run_scoped3A = tpu.sem_alloc : memref<!tpu.dma_semaphore, #tpu.memory_space<semaphore_mem>>
      %dma_start3A_213 = arith.constant 0 : i32
      %dma_start3A_214 = tpu.memref_slice %arg6[%mul3A_2, %dma_start3A_213] : memref<10240x128xf32, #tpu.memory_space<vmem_shared>> -> memref<640x128xf32, #tpu.memory_space<vmem_shared>>
      %dma_start3A_215 = arith.constant 0 : i32
      %dma_start3A_216 = tpu.memref_slice %arg2[%mul3A_2, %dma_start3A_215] : memref<10240x128xf32, #tpu.memory_space<hbm>> -> memref<640x128xf32, #tpu.memory_space<hbm>>
      tpu.enqueue_dma source(%dma_start3A_216 : memref<640x128xf32, #tpu.memory_space<hbm>>) target(%dma_start3A_214 : memref<640x128xf32, #tpu.memory_space<vmem_shared>>) target_semaphore(%run_scoped3A : memref<!tpu.dma_semaphore, #tpu.memory_space<semaphore_mem>>)
      %dma_wait3A_217 = arith.constant 0 : i32
      %dma_wait3A_218 = tpu.memref_slice %arg6[%mul3A_2, %dma_wait3A_217] : memref<10240x128xf32, #tpu.memory_space<vmem_shared>> -> memref<640x128xf32, #tpu.memory_space<vmem_shared>>
      %dma_wait3A_219 = arith.constant 0 : i32
      %dma_wait3A_220 = tpu.memref_slice %arg2[%mul3A_2, %dma_wait3A_219] : memref<10240x128xf32, #tpu.memory_space<hbm>> -> memref<640x128xf32, #tpu.memory_space<hbm>>
      tpu.wait_dma2 semaphore(%run_scoped3A : memref<!tpu.dma_semaphore, #tpu.memory_space<semaphore_mem>>) src(%dma_wait3A_220 : memref<640x128xf32, #tpu.memory_space<hbm>>) dst(%dma_wait3A_218 : memref<640x128xf32, #tpu.memory_space<vmem_shared>>)
      tpu.yield
    }) : () -> ()
    %barrier3A = arith.constant 0 : index
    tpu.barrier barrier_id(%barrier3A)
    %mul3A_3 = arith.constant 100 : i32
    %mul3A_4 = arith.muli %add3A, %mul3A_3 : i32
    %add3A_5 = arith.constant 0 : i32
    %add3A_6 = arith.addi %mul3A_4, %add3A_5 : i32
    "tpu.region"() ({
      %run_scoped3A = tpu.sem_alloc : memref<!tpu.dma_semaphore, #tpu.memory_space<semaphore_mem>>
      %dma_start3A_213 = arith.constant 0 : i32
      %dma_start3A_214 = arith.constant 0 : i32
      %dma_start3A_215 = tpu.memref_slice %arg3[%add3A_6, %dma_start3A_213, %dma_start3A_214] : memref<3200x1x100xi32, #tpu.memory_space<hbm>> -> memref<25x1x100xi32, #tpu.memory_space<hbm>>
      %dma_start3A_216 = arith.constant 0 : i32
      %dma_start3A_217 = arith.constant 0 : i32
      %dma_start3A_218 = tpu.memref_slice %arg3[%add3A_6, %dma_start3A_216, %dma_start3A_217] : memref<3200x1x100xi32, #tpu.memory_space<hbm>> -> memref<25x1x100xi32, #tpu.memory_space<hbm>>
      tpu.enqueue_dma source(%dma_start3A_218 : memref<25x1x100xi32, #tpu.memory_space<hbm>>) target(%arg7 : memref<25x1x100xi32, #tpu.memory_space<vmem>>) target_semaphore(%run_scoped3A : memref<!tpu.dma_semaphore, #tpu.memory_space<semaphore_mem>>)
      %dma_wait3A_219 = arith.constant 0 : i32
      %dma_wait3A_220 = arith.constant 0 : i32
      %dma_wait3A_221 = tpu.memref_slice %arg3[%add3A_6, %dma_wait3A_219, %dma_wait3A_220] : memref<3200x1x100xi32, #tpu.memory_space<hbm>> -> memref<25x1x100xi32, #tpu.memory_space<hbm>>
      %dma_wait3A_222 = arith.constant 0 : i32
      %dma_wait3A_223 = arith.constant 0 : i32
      %dma_wait3A_224 = tpu.memref_slice %arg3[%add3A_6, %dma_wait3A_222, %dma_wait3A_223] : memref<3200x1x100xi32, #tpu.memory_space<hbm>> -> memref<25x1x100xi32, #tpu.memory_space<hbm>>
      tpu.wait_dma2 semaphore(%run_scoped3A : memref<!tpu.dma_semaphore, #tpu.memory_space<semaphore_mem>>) src(%dma_wait3A_224 : memref<25x1x100xi32, #tpu.memory_space<hbm>>) dst(%arg7 : memref<25x1x100xi32, #tpu.memory_space<vmem>>)
      tpu.yield
    }) : () -> ()
    %mul3A_7 = arith.constant 100 : i32
    %mul3A_8 = arith.muli %add3A, %mul3A_7 : i32
    %add3A_9 = arith.constant 0 : i32
    %add3A_10 = arith.addi %mul3A_8, %add3A_9 : i32
    "tpu.region"() ({
      %run_scoped3A = tpu.sem_alloc : memref<!tpu.dma_semaphore, #tpu.memory_space<semaphore_mem>>
      %dma_start3A_213 = arith.constant 0 : i32
      %dma_start3A_214 = arith.constant 0 : i32
      %dma_start3A_215 = tpu.memref_slice %arg4[%add3A_10, %dma_start3A_213, %dma_start3A_214] : memref<3200x1x100xi32, #tpu.memory_space<hbm>> -> memref<25x1x100xi32, #tpu.memory_space<hbm>>
      %dma_start3A_216 = arith.constant 0 : i32
      %dma_start3A_217 = arith.constant 0 : i32
      %dma_start3A_218 = tpu.memref_slice %arg4[%add3A_10, %dma_start3A_216, %dma_start3A_217] : memref<3200x1x100xi32, #tpu.memory_space<hbm>> -> memref<25x1x100xi32, #tpu.memory_space<hbm>>
      tpu.enqueue_dma source(%dma_start3A_218 : memref<25x1x100xi32, #tpu.memory_space<hbm>>) target(%arg8 : memref<25x1x100xi32, #tpu.memory_space<vmem>>) target_semaphore(%run_scoped3A : memref<!tpu.dma_semaphore, #tpu.memory_space<semaphore_mem>>)
      %dma_wait3A_219 = arith.constant 0 : i32
      %dma_wait3A_220 = arith.constant 0 : i32
      %dma_wait3A_221 = tpu.memref_slice %arg4[%add3A_10, %dma_wait3A_219, %dma_wait3A_220] : memref<3200x1x100xi32, #tpu.memory_space<hbm>> -> memref<25x1x100xi32, #tpu.memory_space<hbm>>
      %dma_wait3A_222 = arith.constant 0 : i32
      %dma_wait3A_223 = arith.constant 0 : i32
      %dma_wait3A_224 = tpu.memref_slice %arg4[%add3A_10, %dma_wait3A_222, %dma_wait3A_223] : memref<3200x1x100xi32, #tpu.memory_space<hbm>> -> memref<25x1x100xi32, #tpu.memory_space<hbm>>
      tpu.wait_dma2 semaphore(%run_scoped3A : memref<!tpu.dma_semaphore, #tpu.memory_space<semaphore_mem>>) src(%dma_wait3A_224 : memref<25x1x100xi32, #tpu.memory_space<hbm>>) dst(%arg8 : memref<25x1x100xi32, #tpu.memory_space<vmem>>)
      tpu.yield
    }) : () -> ()
    %dma_start3A = arith.constant 0 : i32
    %dma_start3A_11 = arith.constant 0 : i32
    %dma_start3A_12 = arith.constant 0 : i32
    %dma_start3A_13 = arith.constant 0 : i32
    %dma_start3A_14 = arith.constant 0 : i32
    %dma_start3A_15 = tpu.memref_slice %arg9[%dma_start3A_12, %dma_start3A_13, %dma_start3A_14] : memref<3x100x128xf32, #tpu.memory_space<vmem>> -> memref<1x100x128xf32, #tpu.memory_space<vmem>>
    %dma_start3A_16 = tpu.memref_squeeze %dma_start3A_15 : memref<1x100x128xf32, #tpu.memory_space<vmem>> -> memref<100x128xf32, #tpu.memory_space<vmem>>
    %dma_start3A_17 = arith.constant 0 : i32
    %dma_start3A_18 = tpu.memref_slice %arg7[%dma_start3A, %dma_start3A_11, %dma_start3A_17] : memref<25x1x100xi32, #tpu.memory_space<vmem>> -> memref<1x1x100xi32, #tpu.memory_space<vmem>>
    %dma_start3A_19 = tpu.memref_squeeze %dma_start3A_18 : memref<1x1x100xi32, #tpu.memory_space<vmem>> -> memref<100xi32, #tpu.memory_space<vmem>>
    %dma_start3A_20 = arith.constant 0 : i32
    %dma_start3A_21 = arith.constant 0 : i32
    %dma_start3A_22 = tpu.memref_slice %arg2[%dma_start3A_20, %dma_start3A_21] : memref<10240x128xf32, #tpu.memory_space<hbm>> -> memref<10240x128xf32, #tpu.memory_space<hbm>>
    tpu.enqueue_indirect_dma source(%dma_start3A_22 : memref<10240x128xf32, #tpu.memory_space<hbm>>) target(%dma_start3A_16 : memref<100x128xf32, #tpu.memory_space<vmem>>) offsets(%dma_start3A_19 : memref<100xi32, #tpu.memory_space<vmem>>) semaphore(%arg10 : memref<!tpu.dma_semaphore, #tpu.memory_space<semaphore_mem>>)
    %dma_start3A_23 = arith.constant 1 : i32
    %dma_start3A_24 = arith.constant 0 : i32
    %dma_start3A_25 = arith.constant 1 : i32
    %dma_start3A_26 = arith.constant 0 : i32
    %dma_start3A_27 = arith.constant 0 : i32
    %dma_start3A_28 = tpu.memref_slice %arg9[%dma_start3A_25, %dma_start3A_26, %dma_start3A_27] : memref<3x100x128xf32, #tpu.memory_space<vmem>> -> memref<1x100x128xf32, #tpu.memory_space<vmem>>
    %dma_start3A_29 = tpu.memref_squeeze %dma_start3A_28 : memref<1x100x128xf32, #tpu.memory_space<vmem>> -> memref<100x128xf32, #tpu.memory_space<vmem>>
    %dma_start3A_30 = arith.constant 0 : i32
    %dma_start3A_31 = tpu.memref_slice %arg7[%dma_start3A_23, %dma_start3A_24, %dma_start3A_30] : memref<25x1x100xi32, #tpu.memory_space<vmem>> -> memref<1x1x100xi32, #tpu.memory_space<vmem>>
    %dma_start3A_32 = tpu.memref_squeeze %dma_start3A_31 : memref<1x1x100xi32, #tpu.memory_space<vmem>> -> memref<100xi32, #tpu.memory_space<vmem>>
    %dma_start3A_33 = arith.constant 0 : i32
    %dma_start3A_34 = arith.constant 0 : i32
    %dma_start3A_35 = tpu.memref_slice %arg2[%dma_start3A_33, %dma_start3A_34] : memref<10240x128xf32, #tpu.memory_space<hbm>> -> memref<10240x128xf32, #tpu.memory_space<hbm>>
    tpu.enqueue_indirect_dma source(%dma_start3A_35 : memref<10240x128xf32, #tpu.memory_space<hbm>>) target(%dma_start3A_29 : memref<100x128xf32, #tpu.memory_space<vmem>>) offsets(%dma_start3A_32 : memref<100xi32, #tpu.memory_space<vmem>>) semaphore(%arg10 : memref<!tpu.dma_semaphore, #tpu.memory_space<semaphore_mem>>)
    %scan3A = arith.constant 0 : i32
    %scan3A_36 = arith.constant 0 : i32
    %scan3A_37 = arith.constant 25 : i32
    %scan3A_38 = arith.addi %scan3A_36, %scan3A_37 : i32
    %scan3A_39 = arith.constant 1 : i32
    scf.for %scan3A_213 = %scan3A_36 to %scan3A_38 step %scan3A_39  : i32 {
      %rem3A = arith.constant 3 : i32
      %rem3A_214 = arith.remsi %scan3A_213, %rem3A : i32
      %dma_wait3A_215 = arith.constant 0 : i32
      %dma_wait3A_216 = arith.constant 0 : i32
      %dma_wait3A_217 = arith.constant 0 : i32
      %dma_wait3A_218 = tpu.memref_slice %arg9[%rem3A_214, %dma_wait3A_216, %dma_wait3A_217] : memref<3x100x128xf32, #tpu.memory_space<vmem>> -> memref<1x100x128xf32, #tpu.memory_space<vmem>>
      %dma_wait3A_219 = tpu.memref_squeeze %dma_wait3A_218 : memref<1x100x128xf32, #tpu.memory_space<vmem>> -> memref<100x128xf32, #tpu.memory_space<vmem>>
      %dma_wait3A_220 = arith.constant 0 : i32
      %dma_wait3A_221 = tpu.memref_slice %arg7[%scan3A_213, %dma_wait3A_215, %dma_wait3A_220] : memref<25x1x100xi32, #tpu.memory_space<vmem>> -> memref<1x1x100xi32, #tpu.memory_space<vmem>>
      %dma_wait3A_222 = tpu.memref_squeeze %dma_wait3A_221 : memref<1x1x100xi32, #tpu.memory_space<vmem>> -> memref<100xi32, #tpu.memory_space<vmem>>
      %dma_wait3A_223 = arith.constant 0 : i32
      %dma_wait3A_224 = arith.constant 0 : i32
      %dma_wait3A_225 = tpu.memref_slice %arg2[%dma_wait3A_223, %dma_wait3A_224] : memref<10240x128xf32, #tpu.memory_space<hbm>> -> memref<10240x128xf32, #tpu.memory_space<hbm>>
      tpu.wait_indirect_dma semaphore(%arg10 : memref<!tpu.dma_semaphore, #tpu.memory_space<semaphore_mem>>) src(%dma_wait3A_225 : memref<10240x128xf32, #tpu.memory_space<hbm>>) dst(%dma_wait3A_219 : memref<100x128xf32, #tpu.memory_space<vmem>>)
      %dma_start3A_226 = arith.constant 0 : i32
      %dma_start3A_227 = arith.constant 0 : i32
      %dma_start3A_228 = arith.constant 0 : i32
      %dma_start3A_229 = tpu.memref_slice %arg9[%rem3A_214, %dma_start3A_227, %dma_start3A_228] : memref<3x100x128xf32, #tpu.memory_space<vmem>> -> memref<1x100x128xf32, #tpu.memory_space<vmem>>
      %dma_start3A_230 = tpu.memref_squeeze %dma_start3A_229 : memref<1x100x128xf32, #tpu.memory_space<vmem>> -> memref<100x128xf32, #tpu.memory_space<vmem>>
      %dma_start3A_231 = arith.constant 0 : i32
      %dma_start3A_232 = tpu.memref_slice %arg8[%scan3A_213, %dma_start3A_226, %dma_start3A_231] : memref<25x1x100xi32, #tpu.memory_space<vmem>> -> memref<1x1x100xi32, #tpu.memory_space<vmem>>
      %dma_start3A_233 = tpu.memref_squeeze %dma_start3A_232 : memref<1x1x100xi32, #tpu.memory_space<vmem>> -> memref<100xi32, #tpu.memory_space<vmem>>
      %dma_start3A_234 = arith.constant 0 : i32
      %dma_start3A_235 = arith.constant 0 : i32
      %dma_start3A_236 = tpu.memref_slice %arg6[%dma_start3A_234, %dma_start3A_235] : memref<10240x128xf32, #tpu.memory_space<vmem_shared>> -> memref<10240x128xf32, #tpu.memory_space<vmem_shared>>
      tpu.enqueue_indirect_dma source(%dma_start3A_230 : memref<100x128xf32, #tpu.memory_space<vmem>>) target(%dma_start3A_236 : memref<10240x128xf32, #tpu.memory_space<vmem_shared>>) offsets(%dma_start3A_233 : memref<100xi32, #tpu.memory_space<vmem>>) semaphore(%arg11 : memref<!tpu.dma_semaphore, #tpu.memory_space<semaphore_mem>>) {add = true}
      %ge3A = arith.constant 1 : i32
      %ge3A_237 = arith.cmpi sge, %scan3A_213, %ge3A : i32
      %convert_element_type3A = arith.extui %ge3A_237 : i1 to i32
      %cond3A = arith.constant 0 : i32
      %cond3A_238 = arith.cmpi ne, %convert_element_type3A, %cond3A : i32
      scf.if %cond3A_238 {
        %dma_wait3A_243 = arith.constant 0 : i32
        %dma_wait3A_244 = arith.constant 0 : i32
        %dma_wait3A_245 = arith.constant 0 : i32
        %dma_wait3A_246 = arith.constant 0 : i32
        %dma_wait3A_247 = arith.constant 0 : i32
        %dma_wait3A_248 = tpu.memref_slice %arg9[%dma_wait3A_243, %dma_wait3A_246, %dma_wait3A_247] : memref<3x100x128xf32, #tpu.memory_space<vmem>> -> memref<1x100x128xf32, #tpu.memory_space<vmem>>
        %dma_wait3A_249 = tpu.memref_squeeze %dma_wait3A_248 : memref<1x100x128xf32, #tpu.memory_space<vmem>> -> memref<100x128xf32, #tpu.memory_space<vmem>>
        %dma_wait3A_250 = arith.constant 0 : i32
        %dma_wait3A_251 = tpu.memref_slice %arg8[%dma_wait3A_244, %dma_wait3A_245, %dma_wait3A_250] : memref<25x1x100xi32, #tpu.memory_space<vmem>> -> memref<1x1x100xi32, #tpu.memory_space<vmem>>
        %dma_wait3A_252 = tpu.memref_squeeze %dma_wait3A_251 : memref<1x1x100xi32, #tpu.memory_space<vmem>> -> memref<100xi32, #tpu.memory_space<vmem>>
        %dma_wait3A_253 = arith.constant 0 : i32
        %dma_wait3A_254 = arith.constant 0 : i32
        %dma_wait3A_255 = tpu.memref_slice %arg6[%dma_wait3A_253, %dma_wait3A_254] : memref<10240x128xf32, #tpu.memory_space<vmem_shared>> -> memref<10240x128xf32, #tpu.memory_space<vmem_shared>>
        tpu.wait_indirect_dma semaphore(%arg11 : memref<!tpu.dma_semaphore, #tpu.memory_space<semaphore_mem>>) src(%dma_wait3A_249 : memref<100x128xf32, #tpu.memory_space<vmem>>) dst(%dma_wait3A_255 : memref<10240x128xf32, #tpu.memory_space<vmem_shared>>)
      } else {
      }
      %lt3A = arith.constant 23 : i32
      %lt3A_239 = arith.cmpi slt, %scan3A_213, %lt3A : i32
      %convert_element_type3A_240 = arith.extui %lt3A_239 : i1 to i32
      %cond3A_241 = arith.constant 0 : i32
      %cond3A_242 = arith.cmpi ne, %convert_element_type3A_240, %cond3A_241 : i32
      scf.if %cond3A_242 {
        %add3A_243 = arith.constant 2 : i32
        %add3A_244 = arith.addi %scan3A_213, %add3A_243 : i32
        %add3A_245 = arith.constant 2 : i32
        %add3A_246 = arith.addi %scan3A_213, %add3A_245 : i32
        %rem3A_247 = arith.constant 3 : i32
        %rem3A_248 = arith.remsi %add3A_246, %rem3A_247 : i32
        %dma_start3A_249 = arith.constant 0 : i32
        %dma_start3A_250 = arith.constant 0 : i32
        %dma_start3A_251 = arith.constant 0 : i32
        %dma_start3A_252 = tpu.memref_slice %arg9[%rem3A_248, %dma_start3A_250, %dma_start3A_251] : memref<3x100x128xf32, #tpu.memory_space<vmem>> -> memref<1x100x128xf32, #tpu.memory_space<vmem>>
        %dma_start3A_253 = tpu.memref_squeeze %dma_start3A_252 : memref<1x100x128xf32, #tpu.memory_space<vmem>> -> memref<100x128xf32, #tpu.memory_space<vmem>>
        %dma_start3A_254 = arith.constant 0 : i32
        %dma_start3A_255 = tpu.memref_slice %arg7[%add3A_244, %dma_start3A_249, %dma_start3A_254] : memref<25x1x100xi32, #tpu.memory_space<vmem>> -> memref<1x1x100xi32, #tpu.memory_space<vmem>>
        %dma_start3A_256 = tpu.memref_squeeze %dma_start3A_255 : memref<1x1x100xi32, #tpu.memory_space<vmem>> -> memref<100xi32, #tpu.memory_space<vmem>>
        %dma_start3A_257 = arith.constant 0 : i32
        %dma_start3A_258 = arith.constant 0 : i32
        %dma_start3A_259 = tpu.memref_slice %arg2[%dma_start3A_257, %dma_start3A_258] : memref<10240x128xf32, #tpu.memory_space<hbm>> -> memref<10240x128xf32, #tpu.memory_space<hbm>>
        tpu.enqueue_indirect_dma source(%dma_start3A_259 : memref<10240x128xf32, #tpu.memory_space<hbm>>) target(%dma_start3A_253 : memref<100x128xf32, #tpu.memory_space<vmem>>) offsets(%dma_start3A_256 : memref<100xi32, #tpu.memory_space<vmem>>) semaphore(%arg10 : memref<!tpu.dma_semaphore, #tpu.memory_space<semaphore_mem>>)
      } else {
      }
    }
    %scan3A_40 = arith.constant 25 : i32
    %dma_wait3A = arith.constant 0 : i32
    %dma_wait3A_41 = arith.constant 0 : i32
    %dma_wait3A_42 = arith.constant 0 : i32
    %dma_wait3A_43 = arith.constant 0 : i32
    %dma_wait3A_44 = arith.constant 0 : i32
    %dma_wait3A_45 = tpu.memref_slice %arg9[%dma_wait3A, %dma_wait3A_43, %dma_wait3A_44] : memref<3x100x128xf32, #tpu.memory_space<vmem>> -> memref<1x100x128xf32, #tpu.memory_space<vmem>>
    %dma_wait3A_46 = tpu.memref_squeeze %dma_wait3A_45 : memref<1x100x128xf32, #tpu.memory_space<vmem>> -> memref<100x128xf32, #tpu.memory_space<vmem>>
    %dma_wait3A_47 = arith.constant 0 : i32
    %dma_wait3A_48 = tpu.memref_slice %arg8[%dma_wait3A_41, %dma_wait3A_42, %dma_wait3A_47] : memref<25x1x100xi32, #tpu.memory_space<vmem>> -> memref<1x1x100xi32, #tpu.memory_space<vmem>>
    %dma_wait3A_49 = tpu.memref_squeeze %dma_wait3A_48 : memref<1x1x100xi32, #tpu.memory_space<vmem>> -> memref<100xi32, #tpu.memory_space<vmem>>
    %dma_wait3A_50 = arith.constant 0 : i32
    %dma_wait3A_51 = arith.constant 0 : i32
    %dma_wait3A_52 = tpu.memref_slice %arg6[%dma_wait3A_50, %dma_wait3A_51] : memref<10240x128xf32, #tpu.memory_space<vmem_shared>> -> memref<10240x128xf32, #tpu.memory_space<vmem_shared>>
    tpu.wait_indirect_dma semaphore(%arg11 : memref<!tpu.dma_semaphore, #tpu.memory_space<semaphore_mem>>) src(%dma_wait3A_46 : memref<100x128xf32, #tpu.memory_space<vmem>>) dst(%dma_wait3A_52 : memref<10240x128xf32, #tpu.memory_space<vmem_shared>>)
    %mul3A_53 = arith.constant 100 : i32
    %mul3A_54 = arith.muli %add3A, %mul3A_53 : i32
    %add3A_55 = arith.constant 25 : i32
    %add3A_56 = arith.addi %mul3A_54, %add3A_55 : i32
    "tpu.region"() ({
      %run_scoped3A = tpu.sem_alloc : memref<!tpu.dma_semaphore, #tpu.memory_space<semaphore_mem>>
      %dma_start3A_213 = arith.constant 0 : i32
      %dma_start3A_214 = arith.constant 0 : i32
      %dma_start3A_215 = tpu.memref_slice %arg3[%add3A_56, %dma_start3A_213, %dma_start3A_214] : memref<3200x1x100xi32, #tpu.memory_space<hbm>> -> memref<25x1x100xi32, #tpu.memory_space<hbm>>
      %dma_start3A_216 = arith.constant 0 : i32
      %dma_start3A_217 = arith.constant 0 : i32
      %dma_start3A_218 = tpu.memref_slice %arg3[%add3A_56, %dma_start3A_216, %dma_start3A_217] : memref<3200x1x100xi32, #tpu.memory_space<hbm>> -> memref<25x1x100xi32, #tpu.memory_space<hbm>>
      tpu.enqueue_dma source(%dma_start3A_218 : memref<25x1x100xi32, #tpu.memory_space<hbm>>) target(%arg7 : memref<25x1x100xi32, #tpu.memory_space<vmem>>) target_semaphore(%run_scoped3A : memref<!tpu.dma_semaphore, #tpu.memory_space<semaphore_mem>>)
      %dma_wait3A_219 = arith.constant 0 : i32
      %dma_wait3A_220 = arith.constant 0 : i32
      %dma_wait3A_221 = tpu.memref_slice %arg3[%add3A_56, %dma_wait3A_219, %dma_wait3A_220] : memref<3200x1x100xi32, #tpu.memory_space<hbm>> -> memref<25x1x100xi32, #tpu.memory_space<hbm>>
      %dma_wait3A_222 = arith.constant 0 : i32
      %dma_wait3A_223 = arith.constant 0 : i32
      %dma_wait3A_224 = tpu.memref_slice %arg3[%add3A_56, %dma_wait3A_222, %dma_wait3A_223] : memref<3200x1x100xi32, #tpu.memory_space<hbm>> -> memref<25x1x100xi32, #tpu.memory_space<hbm>>
      tpu.wait_dma2 semaphore(%run_scoped3A : memref<!tpu.dma_semaphore, #tpu.memory_space<semaphore_mem>>) src(%dma_wait3A_224 : memref<25x1x100xi32, #tpu.memory_space<hbm>>) dst(%arg7 : memref<25x1x100xi32, #tpu.memory_space<vmem>>)
      tpu.yield
    }) : () -> ()
    %mul3A_57 = arith.constant 100 : i32
    %mul3A_58 = arith.muli %add3A, %mul3A_57 : i32
    %add3A_59 = arith.constant 25 : i32
    %add3A_60 = arith.addi %mul3A_58, %add3A_59 : i32
    "tpu.region"() ({
      %run_scoped3A = tpu.sem_alloc : memref<!tpu.dma_semaphore, #tpu.memory_space<semaphore_mem>>
      %dma_start3A_213 = arith.constant 0 : i32
      %dma_start3A_214 = arith.constant 0 : i32
      %dma_start3A_215 = tpu.memref_slice %arg4[%add3A_60, %dma_start3A_213, %dma_start3A_214] : memref<3200x1x100xi32, #tpu.memory_space<hbm>> -> memref<25x1x100xi32, #tpu.memory_space<hbm>>
      %dma_start3A_216 = arith.constant 0 : i32
      %dma_start3A_217 = arith.constant 0 : i32
      %dma_start3A_218 = tpu.memref_slice %arg4[%add3A_60, %dma_start3A_216, %dma_start3A_217] : memref<3200x1x100xi32, #tpu.memory_space<hbm>> -> memref<25x1x100xi32, #tpu.memory_space<hbm>>
      tpu.enqueue_dma source(%dma_start3A_218 : memref<25x1x100xi32, #tpu.memory_space<hbm>>) target(%arg8 : memref<25x1x100xi32, #tpu.memory_space<vmem>>) target_semaphore(%run_scoped3A : memref<!tpu.dma_semaphore, #tpu.memory_space<semaphore_mem>>)
      %dma_wait3A_219 = arith.constant 0 : i32
      %dma_wait3A_220 = arith.constant 0 : i32
      %dma_wait3A_221 = tpu.memref_slice %arg4[%add3A_60, %dma_wait3A_219, %dma_wait3A_220] : memref<3200x1x100xi32, #tpu.memory_space<hbm>> -> memref<25x1x100xi32, #tpu.memory_space<hbm>>
      %dma_wait3A_222 = arith.constant 0 : i32
      %dma_wait3A_223 = arith.constant 0 : i32
      %dma_wait3A_224 = tpu.memref_slice %arg4[%add3A_60, %dma_wait3A_222, %dma_wait3A_223] : memref<3200x1x100xi32, #tpu.memory_space<hbm>> -> memref<25x1x100xi32, #tpu.memory_space<hbm>>
      tpu.wait_dma2 semaphore(%run_scoped3A : memref<!tpu.dma_semaphore, #tpu.memory_space<semaphore_mem>>) src(%dma_wait3A_224 : memref<25x1x100xi32, #tpu.memory_space<hbm>>) dst(%arg8 : memref<25x1x100xi32, #tpu.memory_space<vmem>>)
      tpu.yield
    }) : () -> ()
    %dma_start3A_61 = arith.constant 0 : i32
    %dma_start3A_62 = arith.constant 0 : i32
    %dma_start3A_63 = arith.constant 0 : i32
    %dma_start3A_64 = arith.constant 0 : i32
    %dma_start3A_65 = arith.constant 0 : i32
    %dma_start3A_66 = tpu.memref_slice %arg9[%dma_start3A_63, %dma_start3A_64, %dma_start3A_65] : memref<3x100x128xf32, #tpu.memory_space<vmem>> -> memref<1x100x128xf32, #tpu.memory_space<vmem>>
    %dma_start3A_67 = tpu.memref_squeeze %dma_start3A_66 : memref<1x100x128xf32, #tpu.memory_space<vmem>> -> memref<100x128xf32, #tpu.memory_space<vmem>>
    %dma_start3A_68 = arith.constant 0 : i32
    %dma_start3A_69 = tpu.memref_slice %arg7[%dma_start3A_61, %dma_start3A_62, %dma_start3A_68] : memref<25x1x100xi32, #tpu.memory_space<vmem>> -> memref<1x1x100xi32, #tpu.memory_space<vmem>>
    %dma_start3A_70 = tpu.memref_squeeze %dma_start3A_69 : memref<1x1x100xi32, #tpu.memory_space<vmem>> -> memref<100xi32, #tpu.memory_space<vmem>>
    %dma_start3A_71 = arith.constant 0 : i32
    %dma_start3A_72 = arith.constant 0 : i32
    %dma_start3A_73 = tpu.memref_slice %arg2[%dma_start3A_71, %dma_start3A_72] : memref<10240x128xf32, #tpu.memory_space<hbm>> -> memref<10240x128xf32, #tpu.memory_space<hbm>>
    tpu.enqueue_indirect_dma source(%dma_start3A_73 : memref<10240x128xf32, #tpu.memory_space<hbm>>) target(%dma_start3A_67 : memref<100x128xf32, #tpu.memory_space<vmem>>) offsets(%dma_start3A_70 : memref<100xi32, #tpu.memory_space<vmem>>) semaphore(%arg10 : memref<!tpu.dma_semaphore, #tpu.memory_space<semaphore_mem>>)
    %dma_start3A_74 = arith.constant 1 : i32
    %dma_start3A_75 = arith.constant 0 : i32
    %dma_start3A_76 = arith.constant 1 : i32
    %dma_start3A_77 = arith.constant 0 : i32
    %dma_start3A_78 = arith.constant 0 : i32
    %dma_start3A_79 = tpu.memref_slice %arg9[%dma_start3A_76, %dma_start3A_77, %dma_start3A_78] : memref<3x100x128xf32, #tpu.memory_space<vmem>> -> memref<1x100x128xf32, #tpu.memory_space<vmem>>
    %dma_start3A_80 = tpu.memref_squeeze %dma_start3A_79 : memref<1x100x128xf32, #tpu.memory_space<vmem>> -> memref<100x128xf32, #tpu.memory_space<vmem>>
    %dma_start3A_81 = arith.constant 0 : i32
    %dma_start3A_82 = tpu.memref_slice %arg7[%dma_start3A_74, %dma_start3A_75, %dma_start3A_81] : memref<25x1x100xi32, #tpu.memory_space<vmem>> -> memref<1x1x100xi32, #tpu.memory_space<vmem>>
    %dma_start3A_83 = tpu.memref_squeeze %dma_start3A_82 : memref<1x1x100xi32, #tpu.memory_space<vmem>> -> memref<100xi32, #tpu.memory_space<vmem>>
    %dma_start3A_84 = arith.constant 0 : i32
    %dma_start3A_85 = arith.constant 0 : i32
    %dma_start3A_86 = tpu.memref_slice %arg2[%dma_start3A_84, %dma_start3A_85] : memref<10240x128xf32, #tpu.memory_space<hbm>> -> memref<10240x128xf32, #tpu.memory_space<hbm>>
    tpu.enqueue_indirect_dma source(%dma_start3A_86 : memref<10240x128xf32, #tpu.memory_space<hbm>>) target(%dma_start3A_80 : memref<100x128xf32, #tpu.memory_space<vmem>>) offsets(%dma_start3A_83 : memref<100xi32, #tpu.memory_space<vmem>>) semaphore(%arg10 : memref<!tpu.dma_semaphore, #tpu.memory_space<semaphore_mem>>)
    %scan3A_87 = arith.constant 0 : i32
    %scan3A_88 = arith.constant 0 : i32
    %scan3A_89 = arith.constant 25 : i32
    %scan3A_90 = arith.addi %scan3A_88, %scan3A_89 : i32
    %scan3A_91 = arith.constant 1 : i32
    scf.for %scan3A_213 = %scan3A_88 to %scan3A_90 step %scan3A_91  : i32 {
      %rem3A = arith.constant 3 : i32
      %rem3A_214 = arith.remsi %scan3A_213, %rem3A : i32
      %dma_wait3A_215 = arith.constant 0 : i32
      %dma_wait3A_216 = arith.constant 0 : i32
      %dma_wait3A_217 = arith.constant 0 : i32
      %dma_wait3A_218 = tpu.memref_slice %arg9[%rem3A_214, %dma_wait3A_216, %dma_wait3A_217] : memref<3x100x128xf32, #tpu.memory_space<vmem>> -> memref<1x100x128xf32, #tpu.memory_space<vmem>>
      %dma_wait3A_219 = tpu.memref_squeeze %dma_wait3A_218 : memref<1x100x128xf32, #tpu.memory_space<vmem>> -> memref<100x128xf32, #tpu.memory_space<vmem>>
      %dma_wait3A_220 = arith.constant 0 : i32
      %dma_wait3A_221 = tpu.memref_slice %arg7[%scan3A_213, %dma_wait3A_215, %dma_wait3A_220] : memref<25x1x100xi32, #tpu.memory_space<vmem>> -> memref<1x1x100xi32, #tpu.memory_space<vmem>>
      %dma_wait3A_222 = tpu.memref_squeeze %dma_wait3A_221 : memref<1x1x100xi32, #tpu.memory_space<vmem>> -> memref<100xi32, #tpu.memory_space<vmem>>
      %dma_wait3A_223 = arith.constant 0 : i32
      %dma_wait3A_224 = arith.constant 0 : i32
      %dma_wait3A_225 = tpu.memref_slice %arg2[%dma_wait3A_223, %dma_wait3A_224] : memref<10240x128xf32, #tpu.memory_space<hbm>> -> memref<10240x128xf32, #tpu.memory_space<hbm>>
      tpu.wait_indirect_dma semaphore(%arg10 : memref<!tpu.dma_semaphore, #tpu.memory_space<semaphore_mem>>) src(%dma_wait3A_225 : memref<10240x128xf32, #tpu.memory_space<hbm>>) dst(%dma_wait3A_219 : memref<100x128xf32, #tpu.memory_space<vmem>>)
      %dma_start3A_226 = arith.constant 0 : i32
      %dma_start3A_227 = arith.constant 0 : i32
      %dma_start3A_228 = arith.constant 0 : i32
      %dma_start3A_229 = tpu.memref_slice %arg9[%rem3A_214, %dma_start3A_227, %dma_start3A_228] : memref<3x100x128xf32, #tpu.memory_space<vmem>> -> memref<1x100x128xf32, #tpu.memory_space<vmem>>
      %dma_start3A_230 = tpu.memref_squeeze %dma_start3A_229 : memref<1x100x128xf32, #tpu.memory_space<vmem>> -> memref<100x128xf32, #tpu.memory_space<vmem>>
      %dma_start3A_231 = arith.constant 0 : i32
      %dma_start3A_232 = tpu.memref_slice %arg8[%scan3A_213, %dma_start3A_226, %dma_start3A_231] : memref<25x1x100xi32, #tpu.memory_space<vmem>> -> memref<1x1x100xi32, #tpu.memory_space<vmem>>
      %dma_start3A_233 = tpu.memref_squeeze %dma_start3A_232 : memref<1x1x100xi32, #tpu.memory_space<vmem>> -> memref<100xi32, #tpu.memory_space<vmem>>
      %dma_start3A_234 = arith.constant 0 : i32
      %dma_start3A_235 = arith.constant 0 : i32
      %dma_start3A_236 = tpu.memref_slice %arg6[%dma_start3A_234, %dma_start3A_235] : memref<10240x128xf32, #tpu.memory_space<vmem_shared>> -> memref<10240x128xf32, #tpu.memory_space<vmem_shared>>
      tpu.enqueue_indirect_dma source(%dma_start3A_230 : memref<100x128xf32, #tpu.memory_space<vmem>>) target(%dma_start3A_236 : memref<10240x128xf32, #tpu.memory_space<vmem_shared>>) offsets(%dma_start3A_233 : memref<100xi32, #tpu.memory_space<vmem>>) semaphore(%arg11 : memref<!tpu.dma_semaphore, #tpu.memory_space<semaphore_mem>>) {add = true}
      %ge3A = arith.constant 1 : i32
      %ge3A_237 = arith.cmpi sge, %scan3A_213, %ge3A : i32
      %convert_element_type3A = arith.extui %ge3A_237 : i1 to i32
      %cond3A = arith.constant 0 : i32
      %cond3A_238 = arith.cmpi ne, %convert_element_type3A, %cond3A : i32
      scf.if %cond3A_238 {
        %dma_wait3A_243 = arith.constant 0 : i32
        %dma_wait3A_244 = arith.constant 0 : i32
        %dma_wait3A_245 = arith.constant 0 : i32
        %dma_wait3A_246 = arith.constant 0 : i32
        %dma_wait3A_247 = arith.constant 0 : i32
        %dma_wait3A_248 = tpu.memref_slice %arg9[%dma_wait3A_243, %dma_wait3A_246, %dma_wait3A_247] : memref<3x100x128xf32, #tpu.memory_space<vmem>> -> memref<1x100x128xf32, #tpu.memory_space<vmem>>
        %dma_wait3A_249 = tpu.memref_squeeze %dma_wait3A_248 : memref<1x100x128xf32, #tpu.memory_space<vmem>> -> memref<100x128xf32, #tpu.memory_space<vmem>>
        %dma_wait3A_250 = arith.constant 0 : i32
        %dma_wait3A_251 = tpu.memref_slice %arg8[%dma_wait3A_244, %dma_wait3A_245, %dma_wait3A_250] : memref<25x1x100xi32, #tpu.memory_space<vmem>> -> memref<1x1x100xi32, #tpu.memory_space<vmem>>
        %dma_wait3A_252 = tpu.memref_squeeze %dma_wait3A_251 : memref<1x1x100xi32, #tpu.memory_space<vmem>> -> memref<100xi32, #tpu.memory_space<vmem>>
        %dma_wait3A_253 = arith.constant 0 : i32
        %dma_wait3A_254 = arith.constant 0 : i32
        %dma_wait3A_255 = tpu.memref_slice %arg6[%dma_wait3A_253, %dma_wait3A_254] : memref<10240x128xf32, #tpu.memory_space<vmem_shared>> -> memref<10240x128xf32, #tpu.memory_space<vmem_shared>>
        tpu.wait_indirect_dma semaphore(%arg11 : memref<!tpu.dma_semaphore, #tpu.memory_space<semaphore_mem>>) src(%dma_wait3A_249 : memref<100x128xf32, #tpu.memory_space<vmem>>) dst(%dma_wait3A_255 : memref<10240x128xf32, #tpu.memory_space<vmem_shared>>)
      } else {
      }
      %lt3A = arith.constant 23 : i32
      %lt3A_239 = arith.cmpi slt, %scan3A_213, %lt3A : i32
      %convert_element_type3A_240 = arith.extui %lt3A_239 : i1 to i32
      %cond3A_241 = arith.constant 0 : i32
      %cond3A_242 = arith.cmpi ne, %convert_element_type3A_240, %cond3A_241 : i32
      scf.if %cond3A_242 {
        %add3A_243 = arith.constant 2 : i32
        %add3A_244 = arith.addi %scan3A_213, %add3A_243 : i32
        %add3A_245 = arith.constant 2 : i32
        %add3A_246 = arith.addi %scan3A_213, %add3A_245 : i32
        %rem3A_247 = arith.constant 3 : i32
        %rem3A_248 = arith.remsi %add3A_246, %rem3A_247 : i32
        %dma_start3A_249 = arith.constant 0 : i32
        %dma_start3A_250 = arith.constant 0 : i32
        %dma_start3A_251 = arith.constant 0 : i32
        %dma_start3A_252 = tpu.memref_slice %arg9[%rem3A_248, %dma_start3A_250, %dma_start3A_251] : memref<3x100x128xf32, #tpu.memory_space<vmem>> -> memref<1x100x128xf32, #tpu.memory_space<vmem>>
        %dma_start3A_253 = tpu.memref_squeeze %dma_start3A_252 : memref<1x100x128xf32, #tpu.memory_space<vmem>> -> memref<100x128xf32, #tpu.memory_space<vmem>>
        %dma_start3A_254 = arith.constant 0 : i32
        %dma_start3A_255 = tpu.memref_slice %arg7[%add3A_244, %dma_start3A_249, %dma_start3A_254] : memref<25x1x100xi32, #tpu.memory_space<vmem>> -> memref<1x1x100xi32, #tpu.memory_space<vmem>>
        %dma_start3A_256 = tpu.memref_squeeze %dma_start3A_255 : memref<1x1x100xi32, #tpu.memory_space<vmem>> -> memref<100xi32, #tpu.memory_space<vmem>>
        %dma_start3A_257 = arith.constant 0 : i32
        %dma_start3A_258 = arith.constant 0 : i32
        %dma_start3A_259 = tpu.memref_slice %arg2[%dma_start3A_257, %dma_start3A_258] : memref<10240x128xf32, #tpu.memory_space<hbm>> -> memref<10240x128xf32, #tpu.memory_space<hbm>>
        tpu.enqueue_indirect_dma source(%dma_start3A_259 : memref<10240x128xf32, #tpu.memory_space<hbm>>) target(%dma_start3A_253 : memref<100x128xf32, #tpu.memory_space<vmem>>) offsets(%dma_start3A_256 : memref<100xi32, #tpu.memory_space<vmem>>) semaphore(%arg10 : memref<!tpu.dma_semaphore, #tpu.memory_space<semaphore_mem>>)
      } else {
      }
    }
    %scan3A_92 = arith.constant 25 : i32
    %dma_wait3A_93 = arith.constant 0 : i32
    %dma_wait3A_94 = arith.constant 0 : i32
    %dma_wait3A_95 = arith.constant 0 : i32
    %dma_wait3A_96 = arith.constant 0 : i32
    %dma_wait3A_97 = arith.constant 0 : i32
    %dma_wait3A_98 = tpu.memref_slice %arg9[%dma_wait3A_93, %dma_wait3A_96, %dma_wait3A_97] : memref<3x100x128xf32, #tpu.memory_space<vmem>> -> memref<1x100x128xf32, #tpu.memory_space<vmem>>
    %dma_wait3A_99 = tpu.memref_squeeze %dma_wait3A_98 : memref<1x100x128xf32, #tpu.memory_space<vmem>> -> memref<100x128xf32, #tpu.memory_space<vmem>>
    %dma_wait3A_100 = arith.constant 0 : i32
    %dma_wait3A_101 = tpu.memref_slice %arg8[%dma_wait3A_94, %dma_wait3A_95, %dma_wait3A_100] : memref<25x1x100xi32, #tpu.memory_space<vmem>> -> memref<1x1x100xi32, #tpu.memory_space<vmem>>
    %dma_wait3A_102 = tpu.memref_squeeze %dma_wait3A_101 : memref<1x1x100xi32, #tpu.memory_space<vmem>> -> memref<100xi32, #tpu.memory_space<vmem>>
    %dma_wait3A_103 = arith.constant 0 : i32
    %dma_wait3A_104 = arith.constant 0 : i32
    %dma_wait3A_105 = tpu.memref_slice %arg6[%dma_wait3A_103, %dma_wait3A_104] : memref<10240x128xf32, #tpu.memory_space<vmem_shared>> -> memref<10240x128xf32, #tpu.memory_space<vmem_shared>>
    tpu.wait_indirect_dma semaphore(%arg11 : memref<!tpu.dma_semaphore, #tpu.memory_space<semaphore_mem>>) src(%dma_wait3A_99 : memref<100x128xf32, #tpu.memory_space<vmem>>) dst(%dma_wait3A_105 : memref<10240x128xf32, #tpu.memory_space<vmem_shared>>)
    %mul3A_106 = arith.constant 100 : i32
    %mul3A_107 = arith.muli %add3A, %mul3A_106 : i32
    %add3A_108 = arith.constant 50 : i32
    %add3A_109 = arith.addi %mul3A_107, %add3A_108 : i32
    "tpu.region"() ({
      %run_scoped3A = tpu.sem_alloc : memref<!tpu.dma_semaphore, #tpu.memory_space<semaphore_mem>>
      %dma_start3A_213 = arith.constant 0 : i32
      %dma_start3A_214 = arith.constant 0 : i32
      %dma_start3A_215 = tpu.memref_slice %arg3[%add3A_109, %dma_start3A_213, %dma_start3A_214] : memref<3200x1x100xi32, #tpu.memory_space<hbm>> -> memref<25x1x100xi32, #tpu.memory_space<hbm>>
      %dma_start3A_216 = arith.constant 0 : i32
      %dma_start3A_217 = arith.constant 0 : i32
      %dma_start3A_218 = tpu.memref_slice %arg3[%add3A_109, %dma_start3A_216, %dma_start3A_217] : memref<3200x1x100xi32, #tpu.memory_space<hbm>> -> memref<25x1x100xi32, #tpu.memory_space<hbm>>
      tpu.enqueue_dma source(%dma_start3A_218 : memref<25x1x100xi32, #tpu.memory_space<hbm>>) target(%arg7 : memref<25x1x100xi32, #tpu.memory_space<vmem>>) target_semaphore(%run_scoped3A : memref<!tpu.dma_semaphore, #tpu.memory_space<semaphore_mem>>)
      %dma_wait3A_219 = arith.constant 0 : i32
      %dma_wait3A_220 = arith.constant 0 : i32
      %dma_wait3A_221 = tpu.memref_slice %arg3[%add3A_109, %dma_wait3A_219, %dma_wait3A_220] : memref<3200x1x100xi32, #tpu.memory_space<hbm>> -> memref<25x1x100xi32, #tpu.memory_space<hbm>>
      %dma_wait3A_222 = arith.constant 0 : i32
      %dma_wait3A_223 = arith.constant 0 : i32
      %dma_wait3A_224 = tpu.memref_slice %arg3[%add3A_109, %dma_wait3A_222, %dma_wait3A_223] : memref<3200x1x100xi32, #tpu.memory_space<hbm>> -> memref<25x1x100xi32, #tpu.memory_space<hbm>>
      tpu.wait_dma2 semaphore(%run_scoped3A : memref<!tpu.dma_semaphore, #tpu.memory_space<semaphore_mem>>) src(%dma_wait3A_224 : memref<25x1x100xi32, #tpu.memory_space<hbm>>) dst(%arg7 : memref<25x1x100xi32, #tpu.memory_space<vmem>>)
      tpu.yield
    }) : () -> ()
    %mul3A_110 = arith.constant 100 : i32
    %mul3A_111 = arith.muli %add3A, %mul3A_110 : i32
    %add3A_112 = arith.constant 50 : i32
    %add3A_113 = arith.addi %mul3A_111, %add3A_112 : i32
    "tpu.region"() ({
      %run_scoped3A = tpu.sem_alloc : memref<!tpu.dma_semaphore, #tpu.memory_space<semaphore_mem>>
      %dma_start3A_213 = arith.constant 0 : i32
      %dma_start3A_214 = arith.constant 0 : i32
      %dma_start3A_215 = tpu.memref_slice %arg4[%add3A_113, %dma_start3A_213, %dma_start3A_214] : memref<3200x1x100xi32, #tpu.memory_space<hbm>> -> memref<25x1x100xi32, #tpu.memory_space<hbm>>
      %dma_start3A_216 = arith.constant 0 : i32
      %dma_start3A_217 = arith.constant 0 : i32
      %dma_start3A_218 = tpu.memref_slice %arg4[%add3A_113, %dma_start3A_216, %dma_start3A_217] : memref<3200x1x100xi32, #tpu.memory_space<hbm>> -> memref<25x1x100xi32, #tpu.memory_space<hbm>>
      tpu.enqueue_dma source(%dma_start3A_218 : memref<25x1x100xi32, #tpu.memory_space<hbm>>) target(%arg8 : memref<25x1x100xi32, #tpu.memory_space<vmem>>) target_semaphore(%run_scoped3A : memref<!tpu.dma_semaphore, #tpu.memory_space<semaphore_mem>>)
      %dma_wait3A_219 = arith.constant 0 : i32
      %dma_wait3A_220 = arith.constant 0 : i32
      %dma_wait3A_221 = tpu.memref_slice %arg4[%add3A_113, %dma_wait3A_219, %dma_wait3A_220] : memref<3200x1x100xi32, #tpu.memory_space<hbm>> -> memref<25x1x100xi32, #tpu.memory_space<hbm>>
      %dma_wait3A_222 = arith.constant 0 : i32
      %dma_wait3A_223 = arith.constant 0 : i32
      %dma_wait3A_224 = tpu.memref_slice %arg4[%add3A_113, %dma_wait3A_222, %dma_wait3A_223] : memref<3200x1x100xi32, #tpu.memory_space<hbm>> -> memref<25x1x100xi32, #tpu.memory_space<hbm>>
      tpu.wait_dma2 semaphore(%run_scoped3A : memref<!tpu.dma_semaphore, #tpu.memory_space<semaphore_mem>>) src(%dma_wait3A_224 : memref<25x1x100xi32, #tpu.memory_space<hbm>>) dst(%arg8 : memref<25x1x100xi32, #tpu.memory_space<vmem>>)
      tpu.yield
    }) : () -> ()
    %dma_start3A_114 = arith.constant 0 : i32
    %dma_start3A_115 = arith.constant 0 : i32
    %dma_start3A_116 = arith.constant 0 : i32
    %dma_start3A_117 = arith.constant 0 : i32
    %dma_start3A_118 = arith.constant 0 : i32
    %dma_start3A_119 = tpu.memref_slice %arg9[%dma_start3A_116, %dma_start3A_117, %dma_start3A_118] : memref<3x100x128xf32, #tpu.memory_space<vmem>> -> memref<1x100x128xf32, #tpu.memory_space<vmem>>
    %dma_start3A_120 = tpu.memref_squeeze %dma_start3A_119 : memref<1x100x128xf32, #tpu.memory_space<vmem>> -> memref<100x128xf32, #tpu.memory_space<vmem>>
    %dma_start3A_121 = arith.constant 0 : i32
    %dma_start3A_122 = tpu.memref_slice %arg7[%dma_start3A_114, %dma_start3A_115, %dma_start3A_121] : memref<25x1x100xi32, #tpu.memory_space<vmem>> -> memref<1x1x100xi32, #tpu.memory_space<vmem>>
    %dma_start3A_123 = tpu.memref_squeeze %dma_start3A_122 : memref<1x1x100xi32, #tpu.memory_space<vmem>> -> memref<100xi32, #tpu.memory_space<vmem>>
    %dma_start3A_124 = arith.constant 0 : i32
    %dma_start3A_125 = arith.constant 0 : i32
    %dma_start3A_126 = tpu.memref_slice %arg2[%dma_start3A_124, %dma_start3A_125] : memref<10240x128xf32, #tpu.memory_space<hbm>> -> memref<10240x128xf32, #tpu.memory_space<hbm>>
    tpu.enqueue_indirect_dma source(%dma_start3A_126 : memref<10240x128xf32, #tpu.memory_space<hbm>>) target(%dma_start3A_120 : memref<100x128xf32, #tpu.memory_space<vmem>>) offsets(%dma_start3A_123 : memref<100xi32, #tpu.memory_space<vmem>>) semaphore(%arg10 : memref<!tpu.dma_semaphore, #tpu.memory_space<semaphore_mem>>)
    %dma_start3A_127 = arith.constant 1 : i32
    %dma_start3A_128 = arith.constant 0 : i32
    %dma_start3A_129 = arith.constant 1 : i32
    %dma_start3A_130 = arith.constant 0 : i32
    %dma_start3A_131 = arith.constant 0 : i32
    %dma_start3A_132 = tpu.memref_slice %arg9[%dma_start3A_129, %dma_start3A_130, %dma_start3A_131] : memref<3x100x128xf32, #tpu.memory_space<vmem>> -> memref<1x100x128xf32, #tpu.memory_space<vmem>>
    %dma_start3A_133 = tpu.memref_squeeze %dma_start3A_132 : memref<1x100x128xf32, #tpu.memory_space<vmem>> -> memref<100x128xf32, #tpu.memory_space<vmem>>
    %dma_start3A_134 = arith.constant 0 : i32
    %dma_start3A_135 = tpu.memref_slice %arg7[%dma_start3A_127, %dma_start3A_128, %dma_start3A_134] : memref<25x1x100xi32, #tpu.memory_space<vmem>> -> memref<1x1x100xi32, #tpu.memory_space<vmem>>
    %dma_start3A_136 = tpu.memref_squeeze %dma_start3A_135 : memref<1x1x100xi32, #tpu.memory_space<vmem>> -> memref<100xi32, #tpu.memory_space<vmem>>
    %dma_start3A_137 = arith.constant 0 : i32
    %dma_start3A_138 = arith.constant 0 : i32
    %dma_start3A_139 = tpu.memref_slice %arg2[%dma_start3A_137, %dma_start3A_138] : memref<10240x128xf32, #tpu.memory_space<hbm>> -> memref<10240x128xf32, #tpu.memory_space<hbm>>
    tpu.enqueue_indirect_dma source(%dma_start3A_139 : memref<10240x128xf32, #tpu.memory_space<hbm>>) target(%dma_start3A_133 : memref<100x128xf32, #tpu.memory_space<vmem>>) offsets(%dma_start3A_136 : memref<100xi32, #tpu.memory_space<vmem>>) semaphore(%arg10 : memref<!tpu.dma_semaphore, #tpu.memory_space<semaphore_mem>>)
    %scan3A_140 = arith.constant 0 : i32
    %scan3A_141 = arith.constant 0 : i32
    %scan3A_142 = arith.constant 25 : i32
    %scan3A_143 = arith.addi %scan3A_141, %scan3A_142 : i32
    %scan3A_144 = arith.constant 1 : i32
    scf.for %scan3A_213 = %scan3A_141 to %scan3A_143 step %scan3A_144  : i32 {
      %rem3A = arith.constant 3 : i32
      %rem3A_214 = arith.remsi %scan3A_213, %rem3A : i32
      %dma_wait3A_215 = arith.constant 0 : i32
      %dma_wait3A_216 = arith.constant 0 : i32
      %dma_wait3A_217 = arith.constant 0 : i32
      %dma_wait3A_218 = tpu.memref_slice %arg9[%rem3A_214, %dma_wait3A_216, %dma_wait3A_217] : memref<3x100x128xf32, #tpu.memory_space<vmem>> -> memref<1x100x128xf32, #tpu.memory_space<vmem>>
      %dma_wait3A_219 = tpu.memref_squeeze %dma_wait3A_218 : memref<1x100x128xf32, #tpu.memory_space<vmem>> -> memref<100x128xf32, #tpu.memory_space<vmem>>
      %dma_wait3A_220 = arith.constant 0 : i32
      %dma_wait3A_221 = tpu.memref_slice %arg7[%scan3A_213, %dma_wait3A_215, %dma_wait3A_220] : memref<25x1x100xi32, #tpu.memory_space<vmem>> -> memref<1x1x100xi32, #tpu.memory_space<vmem>>
      %dma_wait3A_222 = tpu.memref_squeeze %dma_wait3A_221 : memref<1x1x100xi32, #tpu.memory_space<vmem>> -> memref<100xi32, #tpu.memory_space<vmem>>
      %dma_wait3A_223 = arith.constant 0 : i32
      %dma_wait3A_224 = arith.constant 0 : i32
      %dma_wait3A_225 = tpu.memref_slice %arg2[%dma_wait3A_223, %dma_wait3A_224] : memref<10240x128xf32, #tpu.memory_space<hbm>> -> memref<10240x128xf32, #tpu.memory_space<hbm>>
      tpu.wait_indirect_dma semaphore(%arg10 : memref<!tpu.dma_semaphore, #tpu.memory_space<semaphore_mem>>) src(%dma_wait3A_225 : memref<10240x128xf32, #tpu.memory_space<hbm>>) dst(%dma_wait3A_219 : memref<100x128xf32, #tpu.memory_space<vmem>>)
      %dma_start3A_226 = arith.constant 0 : i32
      %dma_start3A_227 = arith.constant 0 : i32
      %dma_start3A_228 = arith.constant 0 : i32
      %dma_start3A_229 = tpu.memref_slice %arg9[%rem3A_214, %dma_start3A_227, %dma_start3A_228] : memref<3x100x128xf32, #tpu.memory_space<vmem>> -> memref<1x100x128xf32, #tpu.memory_space<vmem>>
      %dma_start3A_230 = tpu.memref_squeeze %dma_start3A_229 : memref<1x100x128xf32, #tpu.memory_space<vmem>> -> memref<100x128xf32, #tpu.memory_space<vmem>>
      %dma_start3A_231 = arith.constant 0 : i32
      %dma_start3A_232 = tpu.memref_slice %arg8[%scan3A_213, %dma_start3A_226, %dma_start3A_231] : memref<25x1x100xi32, #tpu.memory_space<vmem>> -> memref<1x1x100xi32, #tpu.memory_space<vmem>>
      %dma_start3A_233 = tpu.memref_squeeze %dma_start3A_232 : memref<1x1x100xi32, #tpu.memory_space<vmem>> -> memref<100xi32, #tpu.memory_space<vmem>>
      %dma_start3A_234 = arith.constant 0 : i32
      %dma_start3A_235 = arith.constant 0 : i32
      %dma_start3A_236 = tpu.memref_slice %arg6[%dma_start3A_234, %dma_start3A_235] : memref<10240x128xf32, #tpu.memory_space<vmem_shared>> -> memref<10240x128xf32, #tpu.memory_space<vmem_shared>>
      tpu.enqueue_indirect_dma source(%dma_start3A_230 : memref<100x128xf32, #tpu.memory_space<vmem>>) target(%dma_start3A_236 : memref<10240x128xf32, #tpu.memory_space<vmem_shared>>) offsets(%dma_start3A_233 : memref<100xi32, #tpu.memory_space<vmem>>) semaphore(%arg11 : memref<!tpu.dma_semaphore, #tpu.memory_space<semaphore_mem>>) {add = true}
      %ge3A = arith.constant 1 : i32
      %ge3A_237 = arith.cmpi sge, %scan3A_213, %ge3A : i32
      %convert_element_type3A = arith.extui %ge3A_237 : i1 to i32
      %cond3A = arith.constant 0 : i32
      %cond3A_238 = arith.cmpi ne, %convert_element_type3A, %cond3A : i32
      scf.if %cond3A_238 {
        %dma_wait3A_243 = arith.constant 0 : i32
        %dma_wait3A_244 = arith.constant 0 : i32
        %dma_wait3A_245 = arith.constant 0 : i32
        %dma_wait3A_246 = arith.constant 0 : i32
        %dma_wait3A_247 = arith.constant 0 : i32
        %dma_wait3A_248 = tpu.memref_slice %arg9[%dma_wait3A_243, %dma_wait3A_246, %dma_wait3A_247] : memref<3x100x128xf32, #tpu.memory_space<vmem>> -> memref<1x100x128xf32, #tpu.memory_space<vmem>>
        %dma_wait3A_249 = tpu.memref_squeeze %dma_wait3A_248 : memref<1x100x128xf32, #tpu.memory_space<vmem>> -> memref<100x128xf32, #tpu.memory_space<vmem>>
        %dma_wait3A_250 = arith.constant 0 : i32
        %dma_wait3A_251 = tpu.memref_slice %arg8[%dma_wait3A_244, %dma_wait3A_245, %dma_wait3A_250] : memref<25x1x100xi32, #tpu.memory_space<vmem>> -> memref<1x1x100xi32, #tpu.memory_space<vmem>>
        %dma_wait3A_252 = tpu.memref_squeeze %dma_wait3A_251 : memref<1x1x100xi32, #tpu.memory_space<vmem>> -> memref<100xi32, #tpu.memory_space<vmem>>
        %dma_wait3A_253 = arith.constant 0 : i32
        %dma_wait3A_254 = arith.constant 0 : i32
        %dma_wait3A_255 = tpu.memref_slice %arg6[%dma_wait3A_253, %dma_wait3A_254] : memref<10240x128xf32, #tpu.memory_space<vmem_shared>> -> memref<10240x128xf32, #tpu.memory_space<vmem_shared>>
        tpu.wait_indirect_dma semaphore(%arg11 : memref<!tpu.dma_semaphore, #tpu.memory_space<semaphore_mem>>) src(%dma_wait3A_249 : memref<100x128xf32, #tpu.memory_space<vmem>>) dst(%dma_wait3A_255 : memref<10240x128xf32, #tpu.memory_space<vmem_shared>>)
      } else {
      }
      %lt3A = arith.constant 23 : i32
      %lt3A_239 = arith.cmpi slt, %scan3A_213, %lt3A : i32
      %convert_element_type3A_240 = arith.extui %lt3A_239 : i1 to i32
      %cond3A_241 = arith.constant 0 : i32
      %cond3A_242 = arith.cmpi ne, %convert_element_type3A_240, %cond3A_241 : i32
      scf.if %cond3A_242 {
        %add3A_243 = arith.constant 2 : i32
        %add3A_244 = arith.addi %scan3A_213, %add3A_243 : i32
        %add3A_245 = arith.constant 2 : i32
        %add3A_246 = arith.addi %scan3A_213, %add3A_245 : i32
        %rem3A_247 = arith.constant 3 : i32
        %rem3A_248 = arith.remsi %add3A_246, %rem3A_247 : i32
        %dma_start3A_249 = arith.constant 0 : i32
        %dma_start3A_250 = arith.constant 0 : i32
        %dma_start3A_251 = arith.constant 0 : i32
        %dma_start3A_252 = tpu.memref_slice %arg9[%rem3A_248, %dma_start3A_250, %dma_start3A_251] : memref<3x100x128xf32, #tpu.memory_space<vmem>> -> memref<1x100x128xf32, #tpu.memory_space<vmem>>
        %dma_start3A_253 = tpu.memref_squeeze %dma_start3A_252 : memref<1x100x128xf32, #tpu.memory_space<vmem>> -> memref<100x128xf32, #tpu.memory_space<vmem>>
        %dma_start3A_254 = arith.constant 0 : i32
        %dma_start3A_255 = tpu.memref_slice %arg7[%add3A_244, %dma_start3A_249, %dma_start3A_254] : memref<25x1x100xi32, #tpu.memory_space<vmem>> -> memref<1x1x100xi32, #tpu.memory_space<vmem>>
        %dma_start3A_256 = tpu.memref_squeeze %dma_start3A_255 : memref<1x1x100xi32, #tpu.memory_space<vmem>> -> memref<100xi32, #tpu.memory_space<vmem>>
        %dma_start3A_257 = arith.constant 0 : i32
        %dma_start3A_258 = arith.constant 0 : i32
        %dma_start3A_259 = tpu.memref_slice %arg2[%dma_start3A_257, %dma_start3A_258] : memref<10240x128xf32, #tpu.memory_space<hbm>> -> memref<10240x128xf32, #tpu.memory_space<hbm>>
        tpu.enqueue_indirect_dma source(%dma_start3A_259 : memref<10240x128xf32, #tpu.memory_space<hbm>>) target(%dma_start3A_253 : memref<100x128xf32, #tpu.memory_space<vmem>>) offsets(%dma_start3A_256 : memref<100xi32, #tpu.memory_space<vmem>>) semaphore(%arg10 : memref<!tpu.dma_semaphore, #tpu.memory_space<semaphore_mem>>)
      } else {
      }
    }
    %scan3A_145 = arith.constant 25 : i32
    %dma_wait3A_146 = arith.constant 0 : i32
    %dma_wait3A_147 = arith.constant 0 : i32
    %dma_wait3A_148 = arith.constant 0 : i32
    %dma_wait3A_149 = arith.constant 0 : i32
    %dma_wait3A_150 = arith.constant 0 : i32
    %dma_wait3A_151 = tpu.memref_slice %arg9[%dma_wait3A_146, %dma_wait3A_149, %dma_wait3A_150] : memref<3x100x128xf32, #tpu.memory_space<vmem>> -> memref<1x100x128xf32, #tpu.memory_space<vmem>>
    %dma_wait3A_152 = tpu.memref_squeeze %dma_wait3A_151 : memref<1x100x128xf32, #tpu.memory_space<vmem>> -> memref<100x128xf32, #tpu.memory_space<vmem>>
    %dma_wait3A_153 = arith.constant 0 : i32
    %dma_wait3A_154 = tpu.memref_slice %arg8[%dma_wait3A_147, %dma_wait3A_148, %dma_wait3A_153] : memref<25x1x100xi32, #tpu.memory_space<vmem>> -> memref<1x1x100xi32, #tpu.memory_space<vmem>>
    %dma_wait3A_155 = tpu.memref_squeeze %dma_wait3A_154 : memref<1x1x100xi32, #tpu.memory_space<vmem>> -> memref<100xi32, #tpu.memory_space<vmem>>
    %dma_wait3A_156 = arith.constant 0 : i32
    %dma_wait3A_157 = arith.constant 0 : i32
    %dma_wait3A_158 = tpu.memref_slice %arg6[%dma_wait3A_156, %dma_wait3A_157] : memref<10240x128xf32, #tpu.memory_space<vmem_shared>> -> memref<10240x128xf32, #tpu.memory_space<vmem_shared>>
    tpu.wait_indirect_dma semaphore(%arg11 : memref<!tpu.dma_semaphore, #tpu.memory_space<semaphore_mem>>) src(%dma_wait3A_152 : memref<100x128xf32, #tpu.memory_space<vmem>>) dst(%dma_wait3A_158 : memref<10240x128xf32, #tpu.memory_space<vmem_shared>>)
    %mul3A_159 = arith.constant 100 : i32
    %mul3A_160 = arith.muli %add3A, %mul3A_159 : i32
    %add3A_161 = arith.constant 75 : i32
    %add3A_162 = arith.addi %mul3A_160, %add3A_161 : i32
    "tpu.region"() ({
      %run_scoped3A = tpu.sem_alloc : memref<!tpu.dma_semaphore, #tpu.memory_space<semaphore_mem>>
      %dma_start3A_213 = arith.constant 0 : i32
      %dma_start3A_214 = arith.constant 0 : i32
      %dma_start3A_215 = tpu.memref_slice %arg3[%add3A_162, %dma_start3A_213, %dma_start3A_214] : memref<3200x1x100xi32, #tpu.memory_space<hbm>> -> memref<25x1x100xi32, #tpu.memory_space<hbm>>
      %dma_start3A_216 = arith.constant 0 : i32
      %dma_start3A_217 = arith.constant 0 : i32
      %dma_start3A_218 = tpu.memref_slice %arg3[%add3A_162, %dma_start3A_216, %dma_start3A_217] : memref<3200x1x100xi32, #tpu.memory_space<hbm>> -> memref<25x1x100xi32, #tpu.memory_space<hbm>>
      tpu.enqueue_dma source(%dma_start3A_218 : memref<25x1x100xi32, #tpu.memory_space<hbm>>) target(%arg7 : memref<25x1x100xi32, #tpu.memory_space<vmem>>) target_semaphore(%run_scoped3A : memref<!tpu.dma_semaphore, #tpu.memory_space<semaphore_mem>>)
      %dma_wait3A_219 = arith.constant 0 : i32
      %dma_wait3A_220 = arith.constant 0 : i32
      %dma_wait3A_221 = tpu.memref_slice %arg3[%add3A_162, %dma_wait3A_219, %dma_wait3A_220] : memref<3200x1x100xi32, #tpu.memory_space<hbm>> -> memref<25x1x100xi32, #tpu.memory_space<hbm>>
      %dma_wait3A_222 = arith.constant 0 : i32
      %dma_wait3A_223 = arith.constant 0 : i32
      %dma_wait3A_224 = tpu.memref_slice %arg3[%add3A_162, %dma_wait3A_222, %dma_wait3A_223] : memref<3200x1x100xi32, #tpu.memory_space<hbm>> -> memref<25x1x100xi32, #tpu.memory_space<hbm>>
      tpu.wait_dma2 semaphore(%run_scoped3A : memref<!tpu.dma_semaphore, #tpu.memory_space<semaphore_mem>>) src(%dma_wait3A_224 : memref<25x1x100xi32, #tpu.memory_space<hbm>>) dst(%arg7 : memref<25x1x100xi32, #tpu.memory_space<vmem>>)
      tpu.yield
    }) : () -> ()
    %mul3A_163 = arith.constant 100 : i32
    %mul3A_164 = arith.muli %add3A, %mul3A_163 : i32
    %add3A_165 = arith.constant 75 : i32
    %add3A_166 = arith.addi %mul3A_164, %add3A_165 : i32
    "tpu.region"() ({
      %run_scoped3A = tpu.sem_alloc : memref<!tpu.dma_semaphore, #tpu.memory_space<semaphore_mem>>
      %dma_start3A_213 = arith.constant 0 : i32
      %dma_start3A_214 = arith.constant 0 : i32
      %dma_start3A_215 = tpu.memref_slice %arg4[%add3A_166, %dma_start3A_213, %dma_start3A_214] : memref<3200x1x100xi32, #tpu.memory_space<hbm>> -> memref<25x1x100xi32, #tpu.memory_space<hbm>>
      %dma_start3A_216 = arith.constant 0 : i32
      %dma_start3A_217 = arith.constant 0 : i32
      %dma_start3A_218 = tpu.memref_slice %arg4[%add3A_166, %dma_start3A_216, %dma_start3A_217] : memref<3200x1x100xi32, #tpu.memory_space<hbm>> -> memref<25x1x100xi32, #tpu.memory_space<hbm>>
      tpu.enqueue_dma source(%dma_start3A_218 : memref<25x1x100xi32, #tpu.memory_space<hbm>>) target(%arg8 : memref<25x1x100xi32, #tpu.memory_space<vmem>>) target_semaphore(%run_scoped3A : memref<!tpu.dma_semaphore, #tpu.memory_space<semaphore_mem>>)
      %dma_wait3A_219 = arith.constant 0 : i32
      %dma_wait3A_220 = arith.constant 0 : i32
      %dma_wait3A_221 = tpu.memref_slice %arg4[%add3A_166, %dma_wait3A_219, %dma_wait3A_220] : memref<3200x1x100xi32, #tpu.memory_space<hbm>> -> memref<25x1x100xi32, #tpu.memory_space<hbm>>
      %dma_wait3A_222 = arith.constant 0 : i32
      %dma_wait3A_223 = arith.constant 0 : i32
      %dma_wait3A_224 = tpu.memref_slice %arg4[%add3A_166, %dma_wait3A_222, %dma_wait3A_223] : memref<3200x1x100xi32, #tpu.memory_space<hbm>> -> memref<25x1x100xi32, #tpu.memory_space<hbm>>
      tpu.wait_dma2 semaphore(%run_scoped3A : memref<!tpu.dma_semaphore, #tpu.memory_space<semaphore_mem>>) src(%dma_wait3A_224 : memref<25x1x100xi32, #tpu.memory_space<hbm>>) dst(%arg8 : memref<25x1x100xi32, #tpu.memory_space<vmem>>)
      tpu.yield
    }) : () -> ()
    %dma_start3A_167 = arith.constant 0 : i32
    %dma_start3A_168 = arith.constant 0 : i32
    %dma_start3A_169 = arith.constant 0 : i32
    %dma_start3A_170 = arith.constant 0 : i32
    %dma_start3A_171 = arith.constant 0 : i32
    %dma_start3A_172 = tpu.memref_slice %arg9[%dma_start3A_169, %dma_start3A_170, %dma_start3A_171] : memref<3x100x128xf32, #tpu.memory_space<vmem>> -> memref<1x100x128xf32, #tpu.memory_space<vmem>>
    %dma_start3A_173 = tpu.memref_squeeze %dma_start3A_172 : memref<1x100x128xf32, #tpu.memory_space<vmem>> -> memref<100x128xf32, #tpu.memory_space<vmem>>
    %dma_start3A_174 = arith.constant 0 : i32
    %dma_start3A_175 = tpu.memref_slice %arg7[%dma_start3A_167, %dma_start3A_168, %dma_start3A_174] : memref<25x1x100xi32, #tpu.memory_space<vmem>> -> memref<1x1x100xi32, #tpu.memory_space<vmem>>
    %dma_start3A_176 = tpu.memref_squeeze %dma_start3A_175 : memref<1x1x100xi32, #tpu.memory_space<vmem>> -> memref<100xi32, #tpu.memory_space<vmem>>
    %dma_start3A_177 = arith.constant 0 : i32
    %dma_start3A_178 = arith.constant 0 : i32
    %dma_start3A_179 = tpu.memref_slice %arg2[%dma_start3A_177, %dma_start3A_178] : memref<10240x128xf32, #tpu.memory_space<hbm>> -> memref<10240x128xf32, #tpu.memory_space<hbm>>
    tpu.enqueue_indirect_dma source(%dma_start3A_179 : memref<10240x128xf32, #tpu.memory_space<hbm>>) target(%dma_start3A_173 : memref<100x128xf32, #tpu.memory_space<vmem>>) offsets(%dma_start3A_176 : memref<100xi32, #tpu.memory_space<vmem>>) semaphore(%arg10 : memref<!tpu.dma_semaphore, #tpu.memory_space<semaphore_mem>>)
    %dma_start3A_180 = arith.constant 1 : i32
    %dma_start3A_181 = arith.constant 0 : i32
    %dma_start3A_182 = arith.constant 1 : i32
    %dma_start3A_183 = arith.constant 0 : i32
    %dma_start3A_184 = arith.constant 0 : i32
    %dma_start3A_185 = tpu.memref_slice %arg9[%dma_start3A_182, %dma_start3A_183, %dma_start3A_184] : memref<3x100x128xf32, #tpu.memory_space<vmem>> -> memref<1x100x128xf32, #tpu.memory_space<vmem>>
    %dma_start3A_186 = tpu.memref_squeeze %dma_start3A_185 : memref<1x100x128xf32, #tpu.memory_space<vmem>> -> memref<100x128xf32, #tpu.memory_space<vmem>>
    %dma_start3A_187 = arith.constant 0 : i32
    %dma_start3A_188 = tpu.memref_slice %arg7[%dma_start3A_180, %dma_start3A_181, %dma_start3A_187] : memref<25x1x100xi32, #tpu.memory_space<vmem>> -> memref<1x1x100xi32, #tpu.memory_space<vmem>>
    %dma_start3A_189 = tpu.memref_squeeze %dma_start3A_188 : memref<1x1x100xi32, #tpu.memory_space<vmem>> -> memref<100xi32, #tpu.memory_space<vmem>>
    %dma_start3A_190 = arith.constant 0 : i32
    %dma_start3A_191 = arith.constant 0 : i32
    %dma_start3A_192 = tpu.memref_slice %arg2[%dma_start3A_190, %dma_start3A_191] : memref<10240x128xf32, #tpu.memory_space<hbm>> -> memref<10240x128xf32, #tpu.memory_space<hbm>>
    tpu.enqueue_indirect_dma source(%dma_start3A_192 : memref<10240x128xf32, #tpu.memory_space<hbm>>) target(%dma_start3A_186 : memref<100x128xf32, #tpu.memory_space<vmem>>) offsets(%dma_start3A_189 : memref<100xi32, #tpu.memory_space<vmem>>) semaphore(%arg10 : memref<!tpu.dma_semaphore, #tpu.memory_space<semaphore_mem>>)
    %scan3A_193 = arith.constant 0 : i32
    %scan3A_194 = arith.constant 0 : i32
    %scan3A_195 = arith.constant 25 : i32
    %scan3A_196 = arith.addi %scan3A_194, %scan3A_195 : i32
    %scan3A_197 = arith.constant 1 : i32
    scf.for %scan3A_213 = %scan3A_194 to %scan3A_196 step %scan3A_197  : i32 {
      %rem3A = arith.constant 3 : i32
      %rem3A_214 = arith.remsi %scan3A_213, %rem3A : i32
      %dma_wait3A_215 = arith.constant 0 : i32
      %dma_wait3A_216 = arith.constant 0 : i32
      %dma_wait3A_217 = arith.constant 0 : i32
      %dma_wait3A_218 = tpu.memref_slice %arg9[%rem3A_214, %dma_wait3A_216, %dma_wait3A_217] : memref<3x100x128xf32, #tpu.memory_space<vmem>> -> memref<1x100x128xf32, #tpu.memory_space<vmem>>
      %dma_wait3A_219 = tpu.memref_squeeze %dma_wait3A_218 : memref<1x100x128xf32, #tpu.memory_space<vmem>> -> memref<100x128xf32, #tpu.memory_space<vmem>>
      %dma_wait3A_220 = arith.constant 0 : i32
      %dma_wait3A_221 = tpu.memref_slice %arg7[%scan3A_213, %dma_wait3A_215, %dma_wait3A_220] : memref<25x1x100xi32, #tpu.memory_space<vmem>> -> memref<1x1x100xi32, #tpu.memory_space<vmem>>
      %dma_wait3A_222 = tpu.memref_squeeze %dma_wait3A_221 : memref<1x1x100xi32, #tpu.memory_space<vmem>> -> memref<100xi32, #tpu.memory_space<vmem>>
      %dma_wait3A_223 = arith.constant 0 : i32
      %dma_wait3A_224 = arith.constant 0 : i32
      %dma_wait3A_225 = tpu.memref_slice %arg2[%dma_wait3A_223, %dma_wait3A_224] : memref<10240x128xf32, #tpu.memory_space<hbm>> -> memref<10240x128xf32, #tpu.memory_space<hbm>>
      tpu.wait_indirect_dma semaphore(%arg10 : memref<!tpu.dma_semaphore, #tpu.memory_space<semaphore_mem>>) src(%dma_wait3A_225 : memref<10240x128xf32, #tpu.memory_space<hbm>>) dst(%dma_wait3A_219 : memref<100x128xf32, #tpu.memory_space<vmem>>)
      %dma_start3A_226 = arith.constant 0 : i32
      %dma_start3A_227 = arith.constant 0 : i32
      %dma_start3A_228 = arith.constant 0 : i32
      %dma_start3A_229 = tpu.memref_slice %arg9[%rem3A_214, %dma_start3A_227, %dma_start3A_228] : memref<3x100x128xf32, #tpu.memory_space<vmem>> -> memref<1x100x128xf32, #tpu.memory_space<vmem>>
      %dma_start3A_230 = tpu.memref_squeeze %dma_start3A_229 : memref<1x100x128xf32, #tpu.memory_space<vmem>> -> memref<100x128xf32, #tpu.memory_space<vmem>>
      %dma_start3A_231 = arith.constant 0 : i32
      %dma_start3A_232 = tpu.memref_slice %arg8[%scan3A_213, %dma_start3A_226, %dma_start3A_231] : memref<25x1x100xi32, #tpu.memory_space<vmem>> -> memref<1x1x100xi32, #tpu.memory_space<vmem>>
      %dma_start3A_233 = tpu.memref_squeeze %dma_start3A_232 : memref<1x1x100xi32, #tpu.memory_space<vmem>> -> memref<100xi32, #tpu.memory_space<vmem>>
      %dma_start3A_234 = arith.constant 0 : i32
      %dma_start3A_235 = arith.constant 0 : i32
      %dma_start3A_236 = tpu.memref_slice %arg6[%dma_start3A_234, %dma_start3A_235] : memref<10240x128xf32, #tpu.memory_space<vmem_shared>> -> memref<10240x128xf32, #tpu.memory_space<vmem_shared>>
      tpu.enqueue_indirect_dma source(%dma_start3A_230 : memref<100x128xf32, #tpu.memory_space<vmem>>) target(%dma_start3A_236 : memref<10240x128xf32, #tpu.memory_space<vmem_shared>>) offsets(%dma_start3A_233 : memref<100xi32, #tpu.memory_space<vmem>>) semaphore(%arg11 : memref<!tpu.dma_semaphore, #tpu.memory_space<semaphore_mem>>) {add = true}
      %ge3A = arith.constant 1 : i32
      %ge3A_237 = arith.cmpi sge, %scan3A_213, %ge3A : i32
      %convert_element_type3A = arith.extui %ge3A_237 : i1 to i32
      %cond3A = arith.constant 0 : i32
      %cond3A_238 = arith.cmpi ne, %convert_element_type3A, %cond3A : i32
      scf.if %cond3A_238 {
        %dma_wait3A_243 = arith.constant 0 : i32
        %dma_wait3A_244 = arith.constant 0 : i32
        %dma_wait3A_245 = arith.constant 0 : i32
        %dma_wait3A_246 = arith.constant 0 : i32
        %dma_wait3A_247 = arith.constant 0 : i32
        %dma_wait3A_248 = tpu.memref_slice %arg9[%dma_wait3A_243, %dma_wait3A_246, %dma_wait3A_247] : memref<3x100x128xf32, #tpu.memory_space<vmem>> -> memref<1x100x128xf32, #tpu.memory_space<vmem>>
        %dma_wait3A_249 = tpu.memref_squeeze %dma_wait3A_248 : memref<1x100x128xf32, #tpu.memory_space<vmem>> -> memref<100x128xf32, #tpu.memory_space<vmem>>
        %dma_wait3A_250 = arith.constant 0 : i32
        %dma_wait3A_251 = tpu.memref_slice %arg8[%dma_wait3A_244, %dma_wait3A_245, %dma_wait3A_250] : memref<25x1x100xi32, #tpu.memory_space<vmem>> -> memref<1x1x100xi32, #tpu.memory_space<vmem>>
        %dma_wait3A_252 = tpu.memref_squeeze %dma_wait3A_251 : memref<1x1x100xi32, #tpu.memory_space<vmem>> -> memref<100xi32, #tpu.memory_space<vmem>>
        %dma_wait3A_253 = arith.constant 0 : i32
        %dma_wait3A_254 = arith.constant 0 : i32
        %dma_wait3A_255 = tpu.memref_slice %arg6[%dma_wait3A_253, %dma_wait3A_254] : memref<10240x128xf32, #tpu.memory_space<vmem_shared>> -> memref<10240x128xf32, #tpu.memory_space<vmem_shared>>
        tpu.wait_indirect_dma semaphore(%arg11 : memref<!tpu.dma_semaphore, #tpu.memory_space<semaphore_mem>>) src(%dma_wait3A_249 : memref<100x128xf32, #tpu.memory_space<vmem>>) dst(%dma_wait3A_255 : memref<10240x128xf32, #tpu.memory_space<vmem_shared>>)
      } else {
      }
      %lt3A = arith.constant 23 : i32
      %lt3A_239 = arith.cmpi slt, %scan3A_213, %lt3A : i32
      %convert_element_type3A_240 = arith.extui %lt3A_239 : i1 to i32
      %cond3A_241 = arith.constant 0 : i32
      %cond3A_242 = arith.cmpi ne, %convert_element_type3A_240, %cond3A_241 : i32
      scf.if %cond3A_242 {
        %add3A_243 = arith.constant 2 : i32
        %add3A_244 = arith.addi %scan3A_213, %add3A_243 : i32
        %add3A_245 = arith.constant 2 : i32
        %add3A_246 = arith.addi %scan3A_213, %add3A_245 : i32
        %rem3A_247 = arith.constant 3 : i32
        %rem3A_248 = arith.remsi %add3A_246, %rem3A_247 : i32
        %dma_start3A_249 = arith.constant 0 : i32
        %dma_start3A_250 = arith.constant 0 : i32
        %dma_start3A_251 = arith.constant 0 : i32
        %dma_start3A_252 = tpu.memref_slice %arg9[%rem3A_248, %dma_start3A_250, %dma_start3A_251] : memref<3x100x128xf32, #tpu.memory_space<vmem>> -> memref<1x100x128xf32, #tpu.memory_space<vmem>>
        %dma_start3A_253 = tpu.memref_squeeze %dma_start3A_252 : memref<1x100x128xf32, #tpu.memory_space<vmem>> -> memref<100x128xf32, #tpu.memory_space<vmem>>
        %dma_start3A_254 = arith.constant 0 : i32
        %dma_start3A_255 = tpu.memref_slice %arg7[%add3A_244, %dma_start3A_249, %dma_start3A_254] : memref<25x1x100xi32, #tpu.memory_space<vmem>> -> memref<1x1x100xi32, #tpu.memory_space<vmem>>
        %dma_start3A_256 = tpu.memref_squeeze %dma_start3A_255 : memref<1x1x100xi32, #tpu.memory_space<vmem>> -> memref<100xi32, #tpu.memory_space<vmem>>
        %dma_start3A_257 = arith.constant 0 : i32
        %dma_start3A_258 = arith.constant 0 : i32
        %dma_start3A_259 = tpu.memref_slice %arg2[%dma_start3A_257, %dma_start3A_258] : memref<10240x128xf32, #tpu.memory_space<hbm>> -> memref<10240x128xf32, #tpu.memory_space<hbm>>
        tpu.enqueue_indirect_dma source(%dma_start3A_259 : memref<10240x128xf32, #tpu.memory_space<hbm>>) target(%dma_start3A_253 : memref<100x128xf32, #tpu.memory_space<vmem>>) offsets(%dma_start3A_256 : memref<100xi32, #tpu.memory_space<vmem>>) semaphore(%arg10 : memref<!tpu.dma_semaphore, #tpu.memory_space<semaphore_mem>>)
      } else {
      }
    }
    %scan3A_198 = arith.constant 25 : i32
    %dma_wait3A_199 = arith.constant 0 : i32
    %dma_wait3A_200 = arith.constant 0 : i32
    %dma_wait3A_201 = arith.constant 0 : i32
    %dma_wait3A_202 = arith.constant 0 : i32
    %dma_wait3A_203 = arith.constant 0 : i32
    %dma_wait3A_204 = tpu.memref_slice %arg9[%dma_wait3A_199, %dma_wait3A_202, %dma_wait3A_203] : memref<3x100x128xf32, #tpu.memory_space<vmem>> -> memref<1x100x128xf32, #tpu.memory_space<vmem>>
    %dma_wait3A_205 = tpu.memref_squeeze %dma_wait3A_204 : memref<1x100x128xf32, #tpu.memory_space<vmem>> -> memref<100x128xf32, #tpu.memory_space<vmem>>
    %dma_wait3A_206 = arith.constant 0 : i32
    %dma_wait3A_207 = tpu.memref_slice %arg8[%dma_wait3A_200, %dma_wait3A_201, %dma_wait3A_206] : memref<25x1x100xi32, #tpu.memory_space<vmem>> -> memref<1x1x100xi32, #tpu.memory_space<vmem>>
    %dma_wait3A_208 = tpu.memref_squeeze %dma_wait3A_207 : memref<1x1x100xi32, #tpu.memory_space<vmem>> -> memref<100xi32, #tpu.memory_space<vmem>>
    %dma_wait3A_209 = arith.constant 0 : i32
    %dma_wait3A_210 = arith.constant 0 : i32
    %dma_wait3A_211 = tpu.memref_slice %arg6[%dma_wait3A_209, %dma_wait3A_210] : memref<10240x128xf32, #tpu.memory_space<vmem_shared>> -> memref<10240x128xf32, #tpu.memory_space<vmem_shared>>
    tpu.wait_indirect_dma semaphore(%arg11 : memref<!tpu.dma_semaphore, #tpu.memory_space<semaphore_mem>>) src(%dma_wait3A_205 : memref<100x128xf32, #tpu.memory_space<vmem>>) dst(%dma_wait3A_211 : memref<10240x128xf32, #tpu.memory_space<vmem_shared>>)
    %barrier3A_212 = arith.constant 0 : index
    tpu.barrier barrier_id(%barrier3A_212)
    "tpu.region"() ({
      %run_scoped3A = tpu.sem_alloc : memref<!tpu.dma_semaphore, #tpu.memory_space<semaphore_mem>>
      %dma_start3A_213 = arith.constant 0 : i32
      %dma_start3A_214 = arith.constant 0 : i32
      %dma_start3A_215 = tpu.memref_slice %arg5[%arg0, %dma_start3A_213, %dma_start3A_214] : memref<2x10240x128xf32, #tpu.memory_space<hbm>> -> memref<1x10240x128xf32, #tpu.memory_space<hbm>>
      %dma_start3A_216 = tpu.memref_squeeze %dma_start3A_215 : memref<1x10240x128xf32, #tpu.memory_space<hbm>> -> memref<10240x128xf32, #tpu.memory_space<hbm>>
      %dma_start3A_217 = arith.constant 0 : i32
      %dma_start3A_218 = tpu.memref_slice %dma_start3A_216[%mul3A_2, %dma_start3A_217] : memref<10240x128xf32, #tpu.memory_space<hbm>> -> memref<640x128xf32, #tpu.memory_space<hbm>>
      %dma_start3A_219 = arith.constant 0 : i32
      %dma_start3A_220 = tpu.memref_slice %arg6[%mul3A_2, %dma_start3A_219] : memref<10240x128xf32, #tpu.memory_space<vmem_shared>> -> memref<640x128xf32, #tpu.memory_space<vmem_shared>>
      tpu.enqueue_dma source(%dma_start3A_220 : memref<640x128xf32, #tpu.memory_space<vmem_shared>>) target(%dma_start3A_218 : memref<640x128xf32, #tpu.memory_space<hbm>>) target_semaphore(%run_scoped3A : memref<!tpu.dma_semaphore, #tpu.memory_space<semaphore_mem>>)
      %dma_wait3A_221 = arith.constant 0 : i32
      %dma_wait3A_222 = arith.constant 0 : i32
      %dma_wait3A_223 = tpu.memref_slice %arg5[%arg0, %dma_wait3A_221, %dma_wait3A_222] : memref<2x10240x128xf32, #tpu.memory_space<hbm>> -> memref<1x10240x128xf32, #tpu.memory_space<hbm>>
      %dma_wait3A_224 = tpu.memref_squeeze %dma_wait3A_223 : memref<1x10240x128xf32, #tpu.memory_space<hbm>> -> memref<10240x128xf32, #tpu.memory_space<hbm>>
      %dma_wait3A_225 = arith.constant 0 : i32
      %dma_wait3A_226 = tpu.memref_slice %dma_wait3A_224[%mul3A_2, %dma_wait3A_225] : memref<10240x128xf32, #tpu.memory_space<hbm>> -> memref<640x128xf32, #tpu.memory_space<hbm>>
      %dma_wait3A_227 = arith.constant 0 : i32
      %dma_wait3A_228 = tpu.memref_slice %arg6[%mul3A_2, %dma_wait3A_227] : memref<10240x128xf32, #tpu.memory_space<vmem_shared>> -> memref<640x128xf32, #tpu.memory_space<vmem_shared>>
      tpu.wait_dma2 semaphore(%run_scoped3A : memref<!tpu.dma_semaphore, #tpu.memory_space<semaphore_mem>>) src(%dma_wait3A_228 : memref<640x128xf32, #tpu.memory_space<vmem_shared>>) dst(%dma_wait3A_226 : memref<640x128xf32, #tpu.memory_space<hbm>>)
      tpu.yield
    }) : () -> ()
    return
  }
}

module attributes {stable_mosaic.version = 14 : i64} {
  func.func @_k_mm_scale_body(%arg0: i32, %arg1: memref<1024x128xf32, #tpu.memory_space<vmem>>, %arg2: memref<128x128xf32, #tpu.memory_space<vmem>>, %arg3: memref<1024x128xf32, #tpu.memory_space<vmem>>, %arg4: memref<1024x128xf32, #tpu.memory_space<vmem>>) attributes {dimension_semantics = [#tpu.dimension_semantics<arbitrary>], iteration_bounds = array<i64: 10>, scalar_prefetch = 0 : i64, scratch_operands = 0 : i64, tpu.core_type = #tpu.core_type<tc>, window_params = [{transform_indices = @transform_0, window_bounds = array<i64: 1024, 128>}, {pipeline_mode = #tpu.pipeline_mode<synchronous>, transform_indices = @transform_1, window_bounds = array<i64: 128, 128>}, {transform_indices = @transform_2, window_bounds = array<i64: 1024, 128>}, {transform_indices = @transform_3, window_bounds = array<i64: 1024, 128>}]} {
    %get3A = arith.constant 0 : index
    %get3A_0 = arith.constant 0 : index
    %get3A_1 = vector.load %arg1[%get3A, %get3A_0] : memref<1024x128xf32, #tpu.memory_space<vmem>>, vector<1024x128xf32>
    %get3A_2 = arith.constant 0 : index
    %get3A_3 = arith.constant 0 : index
    %get3A_4 = vector.load %arg2[%get3A_2, %get3A_3] : memref<128x128xf32, #tpu.memory_space<vmem>>, vector<128x128xf32>
    %dot_general3A = arith.constant dense<0.000000e+00> : vector<1024x128xf32>
    %dot_general3A_5 = tpu.matmul %get3A_1, %get3A_4, %dot_general3A {dimension_numbers = #tpu.dot_dimension_numbers<[1], [0], [0], [1], [0, 0, 1, 1], [], []>, transpose_lhs_hint = false} : vector<1024x128xf32>, vector<128x128xf32>, vector<1024x128xf32> -> vector<1024x128xf32>
    %get3A_6 = arith.constant 0 : index
    %get3A_7 = arith.constant 0 : index
    %get3A_8 = vector.load %arg3[%get3A_6, %get3A_7] : memref<1024x128xf32, #tpu.memory_space<vmem>>, vector<1024x128xf32>
    %mul3A = arith.mulf %dot_general3A_5, %get3A_8 : vector<1024x128xf32>
    %swap3A = arith.constant 0 : index
    %swap3A_9 = arith.constant 0 : index
    %swap3A_10 = vector.load %arg4[%swap3A, %swap3A_9] : memref<1024x128xf32, #tpu.memory_space<vmem>>, vector<1024x128xf32>
    tpu.vector_store %arg4[%swap3A, %swap3A_9], %mul3A {strides = array<i32>} : memref<1024x128xf32, #tpu.memory_space<vmem>>, vector<1024x128xf32>,
    return
  }
  func.func @transform_0(%arg0: i32) -> (i32, i32) {
    %c0_i32 = arith.constant 0 : i32
    %c0_i32_0 = arith.constant 0 : i32
    return %arg0, %c0_i32 : i32, i32
  }
  func.func @transform_1(%arg0: i32) -> (i32, i32) {
    %c0_i32 = arith.constant 0 : i32
    %c0_i32_0 = arith.constant 0 : i32
    %c0_i32_1 = arith.constant 0 : i32
    return %c0_i32, %c0_i32_0 : i32, i32
  }
  func.func @transform_2(%arg0: i32) -> (i32, i32) {
    %c0_i32 = arith.constant 0 : i32
    %c0_i32_0 = arith.constant 0 : i32
    return %arg0, %c0_i32 : i32, i32
  }
  func.func @transform_3(%arg0: i32) -> (i32, i32) {
    %c0_i32 = arith.constant 0 : i32
    %c0_i32_0 = arith.constant 0 : i32
    return %arg0, %c0_i32 : i32, i32
  }
}

module attributes {stable_mosaic.version = 14 : i64} {
  func.func @_k_combine_stats_body(%arg0: i32, %arg1: memref<1x1024x128xf32, #tpu.memory_space<vmem>>, %arg2: memref<1x1024x128xf32, #tpu.memory_space<vmem>>, %arg3: memref<1024x128xf32, #tpu.memory_space<vmem>>, %arg4: memref<1024x128xf32, #tpu.memory_space<vmem>>, %arg5: memref<1x128xf32, #tpu.memory_space<vmem>>, %arg6: memref<1024x128xf32, #tpu.memory_space<vmem>>, %arg7: memref<8x128xf32, #tpu.memory_space<vmem>>) attributes {dimension_semantics = [#tpu.dimension_semantics<arbitrary>], iteration_bounds = array<i64: 10>, scalar_prefetch = 0 : i64, scratch_operands = 0 : i64, tpu.core_type = #tpu.core_type<tc>, window_params = [{transform_indices = @transform_0, window_bounds = array<i64: 1, 1024, 128>}, {transform_indices = @transform_1, window_bounds = array<i64: 1, 1024, 128>}, {transform_indices = @transform_2, window_bounds = array<i64: 1024, 128>}, {transform_indices = @transform_3, window_bounds = array<i64: 1024, 128>}, {pipeline_mode = #tpu.pipeline_mode<synchronous>, transform_indices = @transform_4, window_bounds = array<i64: 1, 128>}, {transform_indices = @transform_5, window_bounds = array<i64: 1024, 128>}, {pipeline_mode = #tpu.pipeline_mode<synchronous>, transform_indices = @transform_6, window_bounds = array<i64: 8, 128>}]} {
    %get3A = arith.constant 0 : index
    %get3A_0 = arith.constant 0 : index
    %get3A_1 = vector.load %arg4[%get3A, %get3A_0] : memref<1024x128xf32, #tpu.memory_space<vmem>>, vector<1024x128xf32>
    %get3A_2 = arith.constant 0 : index
    %get3A_3 = arith.constant 0 : index
    %get3A_4 = arith.constant 0 : index
    %get3A_5 = vector.load %arg1[%get3A_2, %get3A_3, %get3A_4] : memref<1x1024x128xf32, #tpu.memory_space<vmem>>, vector<1x1024x128xf32>
    %get3A_6 = vector.shape_cast %get3A_5 : vector<1x1024x128xf32> to vector<1024x128xf32>
    %get3A_7 = arith.constant 0 : index
    %get3A_8 = arith.constant 0 : index
    %get3A_9 = arith.constant 0 : index
    %get3A_10 = vector.load %arg2[%get3A_7, %get3A_8, %get3A_9] : memref<1x1024x128xf32, #tpu.memory_space<vmem>>, vector<1x1024x128xf32>
    %get3A_11 = vector.shape_cast %get3A_10 : vector<1x1024x128xf32> to vector<1024x128xf32>
    %add3A = arith.addf %get3A_6, %get3A_11 : vector<1024x128xf32>
    %get3A_12 = arith.constant 0 : index
    %get3A_13 = arith.constant 0 : index
    %get3A_14 = vector.load %arg3[%get3A_12, %get3A_13] : memref<1024x128xf32, #tpu.memory_space<vmem>>, vector<1024x128xf32>
    %sub3A = arith.subf %add3A, %get3A_14 : vector<1024x128xf32>
    %mul3A = arith.mulf %get3A_1, %sub3A : vector<1024x128xf32>
    %get3A_15 = arith.constant 0 : index
    %get3A_16 = arith.constant 0 : index
    %get3A_17 = vector.load %arg5[%get3A_15, %get3A_16] : memref<1x128xf32, #tpu.memory_space<vmem>>, vector<1x128xf32>
    %add3A_18 = vector.broadcast %get3A_17 : vector<1x128xf32> to vector<1024x128xf32>
    %add3A_19 = arith.addf %mul3A, %add3A_18 : vector<1024x128xf32>
    %swap3A = arith.constant 0 : index
    %swap3A_20 = arith.constant 0 : index
    %swap3A_21 = vector.load %arg6[%swap3A, %swap3A_20] : memref<1024x128xf32, #tpu.memory_space<vmem>>, vector<1024x128xf32>
    tpu.vector_store %arg6[%swap3A, %swap3A_20], %add3A_19 {strides = array<i32>} : memref<1024x128xf32, #tpu.memory_space<vmem>>, vector<1024x128xf32>,
    %eq3A = arith.constant 0 : i32
    %eq3A_22 = arith.cmpi eq, %arg0, %eq3A : i32
    %convert_element_type3A = arith.extui %eq3A_22 : i1 to i32
    %cond3A = arith.constant 0 : i32
    %cond3A_23 = arith.cmpi ne, %convert_element_type3A, %cond3A : i32
    scf.if %cond3A_23 {
      %broadcast_in_dim3A_52 = arith.constant 0.000000e+00 : f32
      %broadcast_in_dim3A_53 = vector.broadcast %broadcast_in_dim3A_52 : f32 to vector<8x128xf32>
      %swap3A_54 = arith.constant 0 : index
      %swap3A_55 = arith.constant 0 : index
      %swap3A_56 = vector.load %arg7[%swap3A_54, %swap3A_55] : memref<8x128xf32, #tpu.memory_space<vmem>>, vector<8x128xf32>
      tpu.vector_store %arg7[%swap3A_54, %swap3A_55], %broadcast_in_dim3A_53 {strides = array<i32>} : memref<8x128xf32, #tpu.memory_space<vmem>>, vector<8x128xf32>,
    } else {
    }
    %mul3A_24 = arith.constant 1024 : i32
    %mul3A_25 = arith.muli %arg0, %mul3A_24 : i32
    %iota3A = tpu.iota {dimensions = array<i32: 0>} : vector<1024x1xi32>
    %add3A_26 = vector.broadcast %mul3A_25 : i32 to vector<1024x1xi32>
    %add3A_27 = arith.addi %add3A_26, %iota3A : vector<1024x1xi32>
    %lt3A = arith.constant 10000 : i32
    %lt3A_28 = vector.broadcast %lt3A : i32 to vector<1024x1xi32>
    %lt3A_29 = arith.cmpi slt, %add3A_27, %lt3A_28 : vector<1024x1xi32>
    %jit3A = arith.constant 0.000000e+00 : f32
    %broadcast_in_dim3A = vector.shape_cast %lt3A_29 : vector<1024x1xi1> to vector<1024x1xi1>
    %broadcast_in_dim3A_30 = vector.broadcast %broadcast_in_dim3A : vector<1024x1xi1> to vector<1024x128xi1>
    %broadcast_in_dim3A_31 = vector.broadcast %jit3A : f32 to vector<1024x128xf32>
    %select_n3A = arith.select %broadcast_in_dim3A_30, %add3A_19, %broadcast_in_dim3A_31 : vector<1024x128xi1>, vector<1024x128xf32>
    %get3A_32 = arith.constant 0 : index
    %get3A_33 = arith.constant 0 : index
    %get3A_34 = vector.load %arg7[%get3A_32, %get3A_33] : memref<8x128xf32, #tpu.memory_space<vmem>>, vector<1x128xf32>
    %reduce_sum3A = arith.constant dense<0.000000e+00> : vector<128xf32>
    %reduce_sum3A_35 = vector.multi_reduction <add>, %select_n3A, %reduce_sum3A [0] : vector<1024x128xf32> to vector<128xf32>
    %broadcast_in_dim3A_36 = vector.shape_cast %reduce_sum3A_35 : vector<128xf32> to vector<1x128xf32>
    %add3A_37 = arith.addf %get3A_34, %broadcast_in_dim3A_36 : vector<1x128xf32>
    %swap3A_38 = arith.constant 0 : index
    %swap3A_39 = arith.constant 0 : index
    %swap3A_40 = vector.load %arg7[%swap3A_38, %swap3A_39] : memref<8x128xf32, #tpu.memory_space<vmem>>, vector<1x128xf32>
    tpu.vector_store %arg7[%swap3A_38, %swap3A_39], %add3A_37 {strides = array<i32>} : memref<8x128xf32, #tpu.memory_space<vmem>>, vector<1x128xf32>,
    %get3A_41 = arith.constant 1 : index
    %get3A_42 = arith.constant 0 : index
    %get3A_43 = vector.load %arg7[%get3A_41, %get3A_42] : memref<8x128xf32, #tpu.memory_space<vmem>>, vector<1x128xf32>
    %mul3A_44 = arith.mulf %select_n3A, %select_n3A : vector<1024x128xf32>
    %reduce_sum3A_45 = arith.constant dense<0.000000e+00> : vector<128xf32>
    %reduce_sum3A_46 = vector.multi_reduction <add>, %mul3A_44, %reduce_sum3A_45 [0] : vector<1024x128xf32> to vector<128xf32>
    %broadcast_in_dim3A_47 = vector.shape_cast %reduce_sum3A_46 : vector<128xf32> to vector<1x128xf32>
    %add3A_48 = arith.addf %get3A_43, %broadcast_in_dim3A_47 : vector<1x128xf32>
    %swap3A_49 = arith.constant 1 : index
    %swap3A_50 = arith.constant 0 : index
    %swap3A_51 = vector.load %arg7[%swap3A_49, %swap3A_50] : memref<8x128xf32, #tpu.memory_space<vmem>>, vector<1x128xf32>
    tpu.vector_store %arg7[%swap3A_49, %swap3A_50], %add3A_48 {strides = array<i32>} : memref<8x128xf32, #tpu.memory_space<vmem>>, vector<1x128xf32>,
    return
  }
  func.func @transform_0(%arg0: i32) -> (i32, i32, i32) {
    %c0_i32 = arith.constant 0 : i32
    %c0_i32_0 = arith.constant 0 : i32
    %c0_i32_1 = arith.constant 0 : i32
    return %c0_i32, %arg0, %c0_i32_0 : i32, i32, i32
  }
  func.func @transform_1(%arg0: i32) -> (i32, i32, i32) {
    %c1_i32 = arith.constant 1 : i32
    %c0_i32 = arith.constant 0 : i32
    %c0_i32_0 = arith.constant 0 : i32
    return %c1_i32, %arg0, %c0_i32 : i32, i32, i32
  }
  func.func @transform_2(%arg0: i32) -> (i32, i32) {
    %c0_i32 = arith.constant 0 : i32
    %c0_i32_0 = arith.constant 0 : i32
    return %arg0, %c0_i32 : i32, i32
  }
  func.func @transform_3(%arg0: i32) -> (i32, i32) {
    %c0_i32 = arith.constant 0 : i32
    %c0_i32_0 = arith.constant 0 : i32
    return %arg0, %c0_i32 : i32, i32
  }
  func.func @transform_4(%arg0: i32) -> (i32, i32) {
    %c0_i32 = arith.constant 0 : i32
    %c0_i32_0 = arith.constant 0 : i32
    %c0_i32_1 = arith.constant 0 : i32
    return %c0_i32, %c0_i32_0 : i32, i32
  }
  func.func @transform_5(%arg0: i32) -> (i32, i32) {
    %c0_i32 = arith.constant 0 : i32
    %c0_i32_0 = arith.constant 0 : i32
    return %arg0, %c0_i32 : i32, i32
  }
  func.func @transform_6(%arg0: i32) -> (i32, i32) {
    %c0_i32 = arith.constant 0 : i32
    %c0_i32_0 = arith.constant 0 : i32
    %c0_i32_1 = arith.constant 0 : i32
    return %c0_i32, %c0_i32_0 : i32, i32
  }
}

module attributes {stable_mosaic.version = 14 : i64} {
  func.func @_k_bn_mm_body(%arg0: i32, %arg1: memref<1024x128xf32, #tpu.memory_space<vmem>>, %arg2: memref<8x128xf32, #tpu.memory_space<vmem>>, %arg3: memref<1x128xf32, #tpu.memory_space<vmem>>, %arg4: memref<1x128xf32, #tpu.memory_space<vmem>>, %arg5: memref<1024x128xf32, #tpu.memory_space<vmem>>, %arg6: memref<128x128xf32, #tpu.memory_space<vmem>>, %arg7: memref<1024x128xf32, #tpu.memory_space<vmem>>) attributes {dimension_semantics = [#tpu.dimension_semantics<arbitrary>], iteration_bounds = array<i64: 10>, scalar_prefetch = 0 : i64, scratch_operands = 0 : i64, tpu.core_type = #tpu.core_type<tc>, window_params = [{transform_indices = @transform_0, window_bounds = array<i64: 1024, 128>}, {pipeline_mode = #tpu.pipeline_mode<synchronous>, transform_indices = @transform_1, window_bounds = array<i64: 8, 128>}, {pipeline_mode = #tpu.pipeline_mode<synchronous>, transform_indices = @transform_2, window_bounds = array<i64: 1, 128>}, {pipeline_mode = #tpu.pipeline_mode<synchronous>, transform_indices = @transform_3, window_bounds = array<i64: 1, 128>}, {transform_indices = @transform_4, window_bounds = array<i64: 1024, 128>}, {pipeline_mode = #tpu.pipeline_mode<synchronous>, transform_indices = @transform_5, window_bounds = array<i64: 128, 128>}, {transform_indices = @transform_6, window_bounds = array<i64: 1024, 128>}]} {
    %get3A = arith.constant 0 : index
    %get3A_0 = arith.constant 0 : index
    %get3A_1 = vector.load %arg2[%get3A, %get3A_0] : memref<8x128xf32, #tpu.memory_space<vmem>>, vector<1x128xf32>
    %mul3A = arith.constant 9.99999974E-5 : f32
    %mul3A_2 = vector.broadcast %mul3A : f32 to vector<1x128xf32>
    %mul3A_3 = arith.mulf %get3A_1, %mul3A_2 : vector<1x128xf32>
    %get3A_4 = arith.constant 1 : index
    %get3A_5 = arith.constant 0 : index
    %get3A_6 = vector.load %arg2[%get3A_4, %get3A_5] : memref<8x128xf32, #tpu.memory_space<vmem>>, vector<1x128xf32>
    %mul3A_7 = arith.constant 9.99999974E-5 : f32
    %mul3A_8 = vector.broadcast %mul3A_7 : f32 to vector<1x128xf32>
    %mul3A_9 = arith.mulf %get3A_6, %mul3A_8 : vector<1x128xf32>
    %mul3A_10 = arith.mulf %mul3A_3, %mul3A_3 : vector<1x128xf32>
    %sub3A = arith.subf %mul3A_9, %mul3A_10 : vector<1x128xf32>
    %get3A_11 = arith.constant 0 : index
    %get3A_12 = arith.constant 0 : index
    %get3A_13 = vector.load %arg3[%get3A_11, %get3A_12] : memref<1x128xf32, #tpu.memory_space<vmem>>, vector<1x128xf32>
    %get3A_14 = arith.constant 0 : index
    %get3A_15 = arith.constant 0 : index
    %get3A_16 = vector.load %arg1[%get3A_14, %get3A_15] : memref<1024x128xf32, #tpu.memory_space<vmem>>, vector<1024x128xf32>
    %sub3A_17 = vector.broadcast %mul3A_3 : vector<1x128xf32> to vector<1024x128xf32>
    %sub3A_18 = arith.subf %get3A_16, %sub3A_17 : vector<1024x128xf32>
    %mul3A_19 = vector.broadcast %get3A_13 : vector<1x128xf32> to vector<1024x128xf32>
    %mul3A_20 = arith.mulf %mul3A_19, %sub3A_18 : vector<1024x128xf32>
    %add3A = arith.constant 9.99999974E-6 : f32
    %add3A_21 = vector.broadcast %add3A : f32 to vector<1x128xf32>
    %add3A_22 = arith.addf %sub3A, %add3A_21 : vector<1x128xf32>
    %rsqrt3A = math.rsqrt %add3A_22 : vector<1x128xf32>
    %mul3A_23 = vector.broadcast %rsqrt3A : vector<1x128xf32> to vector<1024x128xf32>
    %mul3A_24 = arith.mulf %mul3A_20, %mul3A_23 : vector<1024x128xf32>
    %get3A_25 = arith.constant 0 : index
    %get3A_26 = arith.constant 0 : index
    %get3A_27 = vector.load %arg4[%get3A_25, %get3A_26] : memref<1x128xf32, #tpu.memory_space<vmem>>, vector<1x128xf32>
    %add3A_28 = vector.broadcast %get3A_27 : vector<1x128xf32> to vector<1024x128xf32>
    %add3A_29 = arith.addf %mul3A_24, %add3A_28 : vector<1024x128xf32>
    %max3A = arith.constant 0.000000e+00 : f32
    %max3A_30 = vector.broadcast %max3A : f32 to vector<1024x128xf32>
    %max3A_31 = arith.maximumf %add3A_29, %max3A_30 : vector<1024x128xf32>
    %get3A_32 = arith.constant 0 : index
    %get3A_33 = arith.constant 0 : index
    %get3A_34 = vector.load %arg6[%get3A_32, %get3A_33] : memref<128x128xf32, #tpu.memory_space<vmem>>, vector<128x128xf32>
    %dot_general3A = arith.constant dense<0.000000e+00> : vector<1024x128xf32>
    %dot_general3A_35 = tpu.matmul %max3A_31, %get3A_34, %dot_general3A {dimension_numbers = #tpu.dot_dimension_numbers<[1], [0], [0], [1], [0, 0, 1, 1], [], []>, transpose_lhs_hint = false} : vector<1024x128xf32>, vector<128x128xf32>, vector<1024x128xf32> -> vector<1024x128xf32>
    %get3A_36 = arith.constant 0 : index
    %get3A_37 = arith.constant 0 : index
    %get3A_38 = vector.load %arg5[%get3A_36, %get3A_37] : memref<1024x128xf32, #tpu.memory_space<vmem>>, vector<1024x128xf32>
    %mul3A_39 = arith.mulf %dot_general3A_35, %get3A_38 : vector<1024x128xf32>
    %swap3A = arith.constant 0 : index
    %swap3A_40 = arith.constant 0 : index
    %swap3A_41 = vector.load %arg7[%swap3A, %swap3A_40] : memref<1024x128xf32, #tpu.memory_space<vmem>>, vector<1024x128xf32>
    tpu.vector_store %arg7[%swap3A, %swap3A_40], %mul3A_39 {strides = array<i32>} : memref<1024x128xf32, #tpu.memory_space<vmem>>, vector<1024x128xf32>,
    return
  }
  func.func @transform_0(%arg0: i32) -> (i32, i32) {
    %c0_i32 = arith.constant 0 : i32
    %c0_i32_0 = arith.constant 0 : i32
    return %arg0, %c0_i32 : i32, i32
  }
  func.func @transform_1(%arg0: i32) -> (i32, i32) {
    %c0_i32 = arith.constant 0 : i32
    %c0_i32_0 = arith.constant 0 : i32
    %c0_i32_1 = arith.constant 0 : i32
    return %c0_i32, %c0_i32_0 : i32, i32
  }
  func.func @transform_2(%arg0: i32) -> (i32, i32) {
    %c0_i32 = arith.constant 0 : i32
    %c0_i32_0 = arith.constant 0 : i32
    %c0_i32_1 = arith.constant 0 : i32
    return %c0_i32, %c0_i32_0 : i32, i32
  }
  func.func @transform_3(%arg0: i32) -> (i32, i32) {
    %c0_i32 = arith.constant 0 : i32
    %c0_i32_0 = arith.constant 0 : i32
    %c0_i32_1 = arith.constant 0 : i32
    return %c0_i32, %c0_i32_0 : i32, i32
  }
  func.func @transform_4(%arg0: i32) -> (i32, i32) {
    %c0_i32 = arith.constant 0 : i32
    %c0_i32_0 = arith.constant 0 : i32
    return %arg0, %c0_i32 : i32, i32
  }
  func.func @transform_5(%arg0: i32) -> (i32, i32) {
    %c0_i32 = arith.constant 0 : i32
    %c0_i32_0 = arith.constant 0 : i32
    %c0_i32_1 = arith.constant 0 : i32
    return %c0_i32, %c0_i32_0 : i32, i32
  }
  func.func @transform_6(%arg0: i32) -> (i32, i32) {
    %c0_i32 = arith.constant 0 : i32
    %c0_i32_0 = arith.constant 0 : i32
    return %arg0, %c0_i32 : i32, i32
  }
}

module attributes {stable_mosaic.version = 14 : i64} {
  func.func @_k_edge_term_body(%arg0: i32, %arg1: memref<4000x128xf32, #tpu.memory_space<vmem>>, %arg2: memref<128x8xf32, #tpu.memory_space<vmem>>, %arg3: memref<4000x8xf32, #tpu.memory_space<vmem>>) attributes {dimension_semantics = [#tpu.dimension_semantics<arbitrary>], iteration_bounds = array<i64: 10>, scalar_prefetch = 0 : i64, scratch_operands = 0 : i64, tpu.core_type = #tpu.core_type<tc>, window_params = [{transform_indices = @transform_0, window_bounds = array<i64: 4000, 128>}, {pipeline_mode = #tpu.pipeline_mode<synchronous>, transform_indices = @transform_1, window_bounds = array<i64: 128, 8>}, {transform_indices = @transform_2, window_bounds = array<i64: 4000, 8>}]} {
    %get3A = arith.constant 0 : index
    %get3A_0 = arith.constant 0 : index
    %get3A_1 = vector.load %arg1[%get3A, %get3A_0] : memref<4000x128xf32, #tpu.memory_space<vmem>>, vector<4000x128xf32>
    %get3A_2 = arith.constant 0 : index
    %get3A_3 = arith.constant 0 : index
    %get3A_4 = vector.load %arg2[%get3A_2, %get3A_3] : memref<128x8xf32, #tpu.memory_space<vmem>>, vector<128x8xf32>
    %dot_general3A = arith.constant dense<0.000000e+00> : vector<4000x8xf32>
    %dot_general3A_5 = tpu.matmul %get3A_1, %get3A_4, %dot_general3A {dimension_numbers = #tpu.dot_dimension_numbers<[1], [0], [0], [1], [0, 0, 1, 1], [], []>, transpose_lhs_hint = false} : vector<4000x128xf32>, vector<128x8xf32>, vector<4000x8xf32> -> vector<4000x8xf32>
    %swap3A = arith.constant 0 : index
    %swap3A_6 = arith.constant 0 : index
    %swap3A_7 = vector.load %arg3[%swap3A, %swap3A_6] : memref<4000x8xf32, #tpu.memory_space<vmem>>, vector<4000x8xf32>
    tpu.vector_store %arg3[%swap3A, %swap3A_6], %dot_general3A_5 {strides = array<i32>} : memref<4000x8xf32, #tpu.memory_space<vmem>>, vector<4000x8xf32>,
    return
  }
  func.func @transform_0(%arg0: i32) -> (i32, i32) {
    %c0_i32 = arith.constant 0 : i32
    %c0_i32_0 = arith.constant 0 : i32
    return %arg0, %c0_i32 : i32, i32
  }
  func.func @transform_1(%arg0: i32) -> (i32, i32) {
    %c0_i32 = arith.constant 0 : i32
    %c0_i32_0 = arith.constant 0 : i32
    %c0_i32_1 = arith.constant 0 : i32
    return %c0_i32, %c0_i32_0 : i32, i32
  }
  func.func @transform_2(%arg0: i32) -> (i32, i32) {
    %c0_i32 = arith.constant 0 : i32
    %c0_i32_0 = arith.constant 0 : i32
    return %arg0, %c0_i32 : i32, i32
  }
}

module attributes {stable_mosaic.version = 14 : i64} {
  func.func @_k_bn_proj_body(%arg0: i32, %arg1: memref<1024x128xf32, #tpu.memory_space<vmem>>, %arg2: memref<8x128xf32, #tpu.memory_space<vmem>>, %arg3: memref<1x128xf32, #tpu.memory_space<vmem>>, %arg4: memref<1x128xf32, #tpu.memory_space<vmem>>, %arg5: memref<128x128xf32, #tpu.memory_space<vmem>>, %arg6: memref<1024x128xf32, #tpu.memory_space<vmem>>) attributes {dimension_semantics = [#tpu.dimension_semantics<arbitrary>], iteration_bounds = array<i64: 10>, scalar_prefetch = 0 : i64, scratch_operands = 0 : i64, tpu.core_type = #tpu.core_type<tc>, window_params = [{transform_indices = @transform_0, window_bounds = array<i64: 1024, 128>}, {pipeline_mode = #tpu.pipeline_mode<synchronous>, transform_indices = @transform_1, window_bounds = array<i64: 8, 128>}, {pipeline_mode = #tpu.pipeline_mode<synchronous>, transform_indices = @transform_2, window_bounds = array<i64: 1, 128>}, {pipeline_mode = #tpu.pipeline_mode<synchronous>, transform_indices = @transform_3, window_bounds = array<i64: 1, 128>}, {pipeline_mode = #tpu.pipeline_mode<synchronous>, transform_indices = @transform_4, window_bounds = array<i64: 128, 128>}, {transform_indices = @transform_5, window_bounds = array<i64: 1024, 128>}]} {
    %get3A = arith.constant 0 : index
    %get3A_0 = arith.constant 0 : index
    %get3A_1 = vector.load %arg2[%get3A, %get3A_0] : memref<8x128xf32, #tpu.memory_space<vmem>>, vector<1x128xf32>
    %mul3A = arith.constant 9.99999974E-5 : f32
    %mul3A_2 = vector.broadcast %mul3A : f32 to vector<1x128xf32>
    %mul3A_3 = arith.mulf %get3A_1, %mul3A_2 : vector<1x128xf32>
    %get3A_4 = arith.constant 1 : index
    %get3A_5 = arith.constant 0 : index
    %get3A_6 = vector.load %arg2[%get3A_4, %get3A_5] : memref<8x128xf32, #tpu.memory_space<vmem>>, vector<1x128xf32>
    %mul3A_7 = arith.constant 9.99999974E-5 : f32
    %mul3A_8 = vector.broadcast %mul3A_7 : f32 to vector<1x128xf32>
    %mul3A_9 = arith.mulf %get3A_6, %mul3A_8 : vector<1x128xf32>
    %mul3A_10 = arith.mulf %mul3A_3, %mul3A_3 : vector<1x128xf32>
    %sub3A = arith.subf %mul3A_9, %mul3A_10 : vector<1x128xf32>
    %get3A_11 = arith.constant 0 : index
    %get3A_12 = arith.constant 0 : index
    %get3A_13 = vector.load %arg3[%get3A_11, %get3A_12] : memref<1x128xf32, #tpu.memory_space<vmem>>, vector<1x128xf32>
    %get3A_14 = arith.constant 0 : index
    %get3A_15 = arith.constant 0 : index
    %get3A_16 = vector.load %arg1[%get3A_14, %get3A_15] : memref<1024x128xf32, #tpu.memory_space<vmem>>, vector<1024x128xf32>
    %sub3A_17 = vector.broadcast %mul3A_3 : vector<1x128xf32> to vector<1024x128xf32>
    %sub3A_18 = arith.subf %get3A_16, %sub3A_17 : vector<1024x128xf32>
    %mul3A_19 = vector.broadcast %get3A_13 : vector<1x128xf32> to vector<1024x128xf32>
    %mul3A_20 = arith.mulf %mul3A_19, %sub3A_18 : vector<1024x128xf32>
    %add3A = arith.constant 9.99999974E-6 : f32
    %add3A_21 = vector.broadcast %add3A : f32 to vector<1x128xf32>
    %add3A_22 = arith.addf %sub3A, %add3A_21 : vector<1x128xf32>
    %rsqrt3A = math.rsqrt %add3A_22 : vector<1x128xf32>
    %mul3A_23 = vector.broadcast %rsqrt3A : vector<1x128xf32> to vector<1024x128xf32>
    %mul3A_24 = arith.mulf %mul3A_20, %mul3A_23 : vector<1024x128xf32>
    %get3A_25 = arith.constant 0 : index
    %get3A_26 = arith.constant 0 : index
    %get3A_27 = vector.load %arg4[%get3A_25, %get3A_26] : memref<1x128xf32, #tpu.memory_space<vmem>>, vector<1x128xf32>
    %add3A_28 = vector.broadcast %get3A_27 : vector<1x128xf32> to vector<1024x128xf32>
    %add3A_29 = arith.addf %mul3A_24, %add3A_28 : vector<1024x128xf32>
    %max3A = arith.constant 0.000000e+00 : f32
    %max3A_30 = vector.broadcast %max3A : f32 to vector<1024x128xf32>
    %max3A_31 = arith.maximumf %add3A_29, %max3A_30 : vector<1024x128xf32>
    %get3A_32 = arith.constant 0 : index
    %get3A_33 = arith.constant 0 : index
    %get3A_34 = vector.load %arg5[%get3A_32, %get3A_33] : memref<128x128xf32, #tpu.memory_space<vmem>>, vector<128x128xf32>
    %dot_general3A = arith.constant dense<0.000000e+00> : vector<1024x128xf32>
    %dot_general3A_35 = tpu.matmul %max3A_31, %get3A_34, %dot_general3A {dimension_numbers = #tpu.dot_dimension_numbers<[1], [0], [0], [1], [0, 0, 1, 1], [], []>, transpose_lhs_hint = false} : vector<1024x128xf32>, vector<128x128xf32>, vector<1024x128xf32> -> vector<1024x128xf32>
    %swap3A = arith.constant 0 : index
    %swap3A_36 = arith.constant 0 : index
    %swap3A_37 = vector.load %arg6[%swap3A, %swap3A_36] : memref<1024x128xf32, #tpu.memory_space<vmem>>, vector<1024x128xf32>
    tpu.vector_store %arg6[%swap3A, %swap3A_36], %dot_general3A_35 {strides = array<i32>} : memref<1024x128xf32, #tpu.memory_space<vmem>>, vector<1024x128xf32>,
    return
  }
  func.func @transform_0(%arg0: i32) -> (i32, i32) {
    %c0_i32 = arith.constant 0 : i32
    %c0_i32_0 = arith.constant 0 : i32
    return %arg0, %c0_i32 : i32, i32
  }
  func.func @transform_1(%arg0: i32) -> (i32, i32) {
    %c0_i32 = arith.constant 0 : i32
    %c0_i32_0 = arith.constant 0 : i32
    %c0_i32_1 = arith.constant 0 : i32
    return %c0_i32, %c0_i32_0 : i32, i32
  }
  func.func @transform_2(%arg0: i32) -> (i32, i32) {
    %c0_i32 = arith.constant 0 : i32
    %c0_i32_0 = arith.constant 0 : i32
    %c0_i32_1 = arith.constant 0 : i32
    return %c0_i32, %c0_i32_0 : i32, i32
  }
  func.func @transform_3(%arg0: i32) -> (i32, i32) {
    %c0_i32 = arith.constant 0 : i32
    %c0_i32_0 = arith.constant 0 : i32
    %c0_i32_1 = arith.constant 0 : i32
    return %c0_i32, %c0_i32_0 : i32, i32
  }
  func.func @transform_4(%arg0: i32) -> (i32, i32) {
    %c0_i32 = arith.constant 0 : i32
    %c0_i32_0 = arith.constant 0 : i32
    %c0_i32_1 = arith.constant 0 : i32
    return %c0_i32, %c0_i32_0 : i32, i32
  }
  func.func @transform_5(%arg0: i32) -> (i32, i32) {
    %c0_i32 = arith.constant 0 : i32
    %c0_i32_0 = arith.constant 0 : i32
    return %arg0, %c0_i32 : i32, i32
  }
}

</mosaic_0001>

<sc_bundles>
// kernel: kernel.12.cloned.1.call-start
scs
__scs_entry_jumppad:
0x0: {  	(pc) =	sbr.rel $0x88, $3  }
0x1: {  	(tag) =	ssettag $0x0;
	lr =	simm.s32 $0x1  }
0x2: {  	[smem:$0x3F94] =	sst lr;
	_ =	strace $0xD0000000  }
0x3: {  	_ = 	snop  }
0x4: {  	_ = 	snop  }
0x5: {  	_ = 	snop  }
0x6: {  	_ = 	snop  }
0x7: {  	_ = 	snop  }
__scs_overlays_trampoline_lowered:
0x8: {  	[smem:$0x3FA3] =	sst s0  }
0x9: {  	[smem:$0x3FA4] =	sst s1  }
0xa: {  	[smem:$0x3FA5] =	sst s2  }
0xb: {  	[smem:$0x3FA6] =	sst s3  }
0xc: {  	[smem:$0x3FA7] =	sst s4  }
0xd: {  	[smem:$0x3FA8] =	sst s5  }
0xe: {  	[smem:$0x3FA9] =	sst s6  }
0xf: {  	[smem:$0x3FAA] =	sst s7  }
0x10: {  	[smem:$0x3FAB] =	sst s8  }
0x11: {  	[smem:$0x3FAC] =	sst s9;
	s0 =	simm.s32 @!p0 $0x0  }
0x12: {  	s1 =	sld [smem:$0x3F92];
	s0 =	simm.s32 @p0 $0x1  }
0x13: {  	[smem:$0x3FAD] =	sst s0;
	s0 =	simm.s32 @!p1 $0x0  }
0x14: {  	s2 =	sld [smem:$0x3F91];
	s0 =	simm.s32 @p1 $0x1  }
0x15: {  	[smem:$0x3FAE] =	sst s0;
	s0 =	simm.s32 @!p2 $0x0  }
0x16: {  	s3 =	sld [smem:$0x3FDB];
	s0 =	simm.s32 @p2 $0x1  }
0x17: {  	s4 =	simm.s32 $0x1BF5;
	[smem:$0x3FB0] =	sst s0  }
0x18: {  	s0 =	sld [smem:$0x3F93];
	_ =	swait.ge [sflag:s4], $0x0  }
0x19: {  	s7 =	sld [smem:$0x3F94]  }
0x1a: {  	s8 =	sadd.s32 $0xFFFFE003, lr  }
0x1b: {  	s9 =	sadd.s32 $0xFFFFFEF7, lr;
	s5 =	simm.s32 $0xFFFFFFFF;
	p2 =	slt.u32 s8, $0xFFFFF086  }
0x1c: {  	p1 =	slt.u32 s9, $0xF7A;
	s5 =	simm.s32 @!p2 $0x0  }
0x1d: {  	s5 =	simm.s32 @p1 $0x1;
	p0 =	seq.s32 s7, s2  }
0x1e: {  	s7 =	smul.u32 @!p0 $0xF7A, s2;
	p2 =	seq.s32 @!p0 s5, $0x0  }
0x1f: {  	s9 =	smul.u32 $0xF7A, s1;
	s8 =	simm.s32 @!p0 $0x1BF5;
	p2 =	por !p2, p0  }
0x20: {  	[sflag:s8] =	ssyncset.s32 @!p0 $0xFFFFF086;
	s6 =	sadd.s32 @!p0 s3, s7;
	s7 =	simm.s32 @!p0 $0x108  }
0x21: {  	s3 =	sadd.s32 s3, s9;
	s6 =	sadd.s32 @!p0 $0x88, s6;
	s7 =	simm.s32 @p2 $0x1082  }
0x22: {  	[simem:s7], [sflag:s8] =	dma.local @!p0 [hbm:s6], $0xF7A  }
0x23: {  	s9 =	sor.u32 $0xD0000000, s2;
	s6 =	simm.s32 $0x108;
	_ =	swait.ge @!p0 [sflag:s8], $0x0  }
0x24: {  	s3 =	sadd.s32 $0x88, s3;
	s6 =	simm.s32 @!p1 $0x1082;
	[sflag:s4] =	ssyncset.s32 $0xFFFFF086  }
0x25: {  	[simem:s6], [sflag:s4] =	dma.local [hbm:s3], $0xF7A  }
0x26: {  	[smem:$0x3F94] =	sst s1;
	(tag) =	ssettag s2;
	_ =	strace s9  }
0x27: {  	s1 =	sld [smem:$0x3FA4]  }
0x28: {  	s2 =	sld [smem:$0x3FA5]  }
0x29: {  	s4 =	sld [smem:$0x3FA7]  }
0x2a: {  	p0 =	seq.s32 s5, $0x0;
	s5 =	sld [smem:$0x3FA8]  }
0x2b: {  	s6 =	sld [smem:$0x3FA9]  }
0x2c: {  	s7 =	sld [smem:$0x3FAA]  }
0x2d: {  	s3 =	simm.s32 $0x108;
	s8 =	sld [smem:$0x3FAB]  }
0x2e: {  	s3 =	simm.s32 @!p0 $0x1082;
	s9 =	sld [smem:$0x3FAC]  }
0x2f: {  	lr =	sadd.s32 s0, s3;
	s0 =	sld [smem:$0x3FA3]  }
0x30: {  	s3 =	sld [smem:$0x3FA6]  }
0x31: {  	[smem:$0x3FAF] =	sst s10  }
0x32: {  	s10 =	sld [smem:$0x3FAD];
	_ =	sdelay $0x3  }
0x33: {  	p0 =	seq.s32 s10, $0x1;
	s10 =	sld [smem:$0x3FAF];
	_ =	sdelay $0x3  }
0x34: {  	[smem:$0x3FAF] =	sst s10  }
0x35: {  	s10 =	sld [smem:$0x3FAE];
	_ =	sdelay $0x3  }
0x36: {  	p1 =	seq.s32 s10, $0x1;
	s10 =	sld [smem:$0x3FAF];
	_ =	sdelay $0x3  }
0x37: {  	[smem:$0x3FAF] =	sst s10  }
0x38: {  	s10 =	sld [smem:$0x3FB0]  }
0x39: {  	_ = 	snop;
	(pc) =	sbr.ind lr, $3  }
0x3a: {  	_ = 	snop  }
0x3b: {  	_ = 	snop  }
0x3c: {  	p2 =	seq.s32 s10, $0x1;
	s10 =	sld [smem:$0x3FAF]  }
0x3d: {  	_ =	shalt  }
0x3e: {  	_ =	shalt  }
0x3f: {  	_ =	shalt  }
0x40: {  	_ =	shalt  }
0x41: {  	_ =	shalt  }
0x42: {  	_ =	shalt  }
0x43: {  	_ =	shalt  }
0x44: {  	_ =	shalt  }
0x45: {  	_ =	shalt  }
0x46: {  	_ =	shalt  }
0x47: {  	_ =	shalt  }
0x48: {  	_ =	shalt  }
0x49: {  	_ =	shalt  }
0x4a: {  	_ =	shalt  }
0x4b: {  	_ =	shalt  }
0x4c: {  	_ =	shalt  }
0x4d: {  	_ =	shalt  }
0x4e: {  	_ =	shalt  }
0x4f: {  	_ =	shalt  }
0x50: {  	_ =	shalt  }
0x51: {  	_ =	shalt  }
0x52: {  	_ =	shalt  }
0x53: {  	_ =	shalt  }
0x54: {  	_ =	shalt  }
0x55: {  	_ =	shalt  }
0x56: {  	_ =	shalt  }
0x57: {  	_ =	shalt  }
0x58: {  	_ =	shalt  }
0x59: {  	_ =	shalt  }
0x5a: {  	_ =	shalt  }
0x5b: {  	_ =	shalt  }
0x5c: {  	_ =	shalt  }
0x5d: {  	_ =	shalt  }
0x5e: {  	_ =	shalt  }
0x5f: {  	_ =	shalt  }
0x60: {  	_ =	shalt  }
0x61: {  	_ =	shalt  }
0x62: {  	_ =	shalt  }
0x63: {  	_ =	shalt  }
0x64: {  	_ =	shalt  }
0x65: {  	_ =	shalt  }
0x66: {  	_ =	shalt  }
0x67: {  	_ =	shalt  }
0x68: {  	_ =	shalt  }
0x69: {  	_ =	shalt  }
0x6a: {  	_ =	shalt  }
0x6b: {  	_ =	shalt  }
0x6c: {  	_ =	shalt  }
0x6d: {  	_ =	shalt  }
0x6e: {  	_ =	shalt  }
0x6f: {  	_ =	shalt  }
0x70: {  	_ =	shalt  }
0x71: {  	_ =	shalt  }
0x72: {  	_ =	shalt  }
0x73: {  	_ =	shalt  }
0x74: {  	_ =	shalt  }
0x75: {  	_ =	shalt  }
0x76: {  	_ =	shalt  }
0x77: {  	_ =	shalt  }
0x78: {  	_ =	shalt  }
0x79: {  	_ =	shalt  }
0x7a: {  	_ =	shalt  }
0x7b: {  	_ =	shalt  }
0x7c: {  	_ =	shalt  }
0x7d: {  	_ =	shalt  }
0x7e: {  	_ =	shalt  }
0x7f: {  	_ =	shalt  }
0x80: {  	_ =	shalt  }
0x81: {  	_ =	shalt  }
0x82: {  	_ =	shalt  }
0x83: {  	_ =	shalt  }
0x84: {  	_ =	shalt  }
0x85: {  	_ =	shalt  }
0x86: {  	_ =	shalt  }
0x87: {  	_ =	shalt  }
.Lfunc_end0:
.L_simem_size_0:
called_computation_lowered:
.L_overlay_start_0:
0x88: {  	s2 =	sld [smem:$0x3FD9]  }
0x89: {  	s3 =	sld [smem:$0x3FFE];
	_ =	sdelay $0x1  }
0x8a: {  	s1 =	srdreg.scid  }
0x8b: {  	s0 =	sand.u32 $0x1, s1  }
0x8c: {  	s17 =	sshll.u32 s0, $0xA;
	s2 =	sadd.s32 s3, s2  }
0x8d: {  	s2 =	sadd.s32 s2, s17  }
0x8e: {  	[smem:$0x3FBB] =	sst s2  }
0x8f: {  	_ = 	snop  }
0x90: {  	s2 =	sld [smem:$0x3FD0];
	(tm) =	ssettm $0x1  }
0x91: {  	s18 =	sld [smem:$0x3FFB];
	_ =	sdelay $0x3  }
0x92: {  	_ =	strace s18  }
0x93: {  	s3 =	sld [smem:$0x3FFC];
	_ =	sdelay $0x3  }
0x94: {  	_ =	strace s3  }
0x95: {  	s3 =	sld [smem:$0x3FFD];
	_ =	sdelay $0x3  }
0x96: {  	_ =	strace s3  }
0x97: {  	_ =	strace $0x8FFFFFFF  }
0x98: {  	s19 =	sld [smem:$0x3FDB];
	_ =	sdelay $0x1  }
0x99: {  	s4 =	simm.s32 $_scs_section_size  }
0x9a: {  	s5 =	simm.s32 $_size__tile_overlayer_lowered;
	s6 =	simm.s32 $_tile_overlayer_lowered  }
0x9b: {  	s22 =	simm.s32 $0x1BFF;
	s21 =	sshll.u32 s6, $0x1;
	s3 =	sadd.s32 s4, s19  }
0x9c: {  	s7 =	simm.s32 $0x0;
	s20 =	sshll.u32 s5, $0x1;
	s5 =	sadd.s32 s21, s3  }
0x9d: {  	[timem:s7], [sflag:s22] =	dma.local [hbm:s5], s20  }
0x9e: {  	_ =	swait.ge [sflag:s22], s20  }
0x9f: {  	s4 =	ssub.s32 $0x0, s20;
	[sflag:s22] =	ssyncset.done $0x0  }
0xa0: {  	[sflag:s22] =	ssyncadd.s32 s4;
	_ =	sdelay $0x1  }
0xa1: {  	s23 =	simm.s32 $0x1B8B  }
0xa2: {  	_ =	swait.ge [sflag:s23], $0x1  }
0xa3: {  	[sflag:s23] =	ssyncset.done $0x0  }
0xa4: {  	s25 =	simm.s32 $0x1B8E;
	s24 =	sld [smem:$0x3FFE];
	[sflag:s23] =	ssyncadd.s32 $0xFFFFFFFF  }
0xa5: {  	s26 =	simm.s32 $execute0_lowered;
	[smem:$0x3FD2] =	sst s25  }
0xa6: {  	s5 =	sshll.u32 s26, $0x1;
	_ =	strace $0x80000046;
	[dreg:$0x1] =	wrdreg $0xFFFFFFFF  }
0xa7: {  	s28 =	simm.s32 $_size_execute0_lowered;
	s3 =	sadd.s32 s3, s5;
	[dreg:$0x0] =	wrdreg $0x0  }
0xa8: {  	s5 =	sshll.u32 s28, $0x1;
	[dreg:$0x2] =	wrdreg s3  }
0xa9: {  	[dreg:$0x3] =	wrdreg s5  }
0xaa: {  	[dreg:$0x4] =	wrdreg $0xC0  }
0xab: {  	_ =	task [dreg:s7], $0x5FFFF  }
0xac: {  	[dreg:$0x1] =	wrdreg $0xFFFFFFFF  }
0xad: {  	[dreg:$0x0] =	wrdreg $0x60  }
0xae: {  	[dreg:$0x2] =	wrdreg s24  }
0xaf: {  	[dreg:$0x3] =	wrdreg s2  }
0xb0: {  	[dreg:$0x4] =	wrdreg $0x0  }
0xb1: {  	[dreg:$0x5] =	wrdreg $0x9  }
0xb2: {  	_ =	task.clear_ibuf [dreg:s7], $0x6FFFF;
	_ =	strace $0x90000046  }
0xb3: {  	s29 =	simm.s32 $0x9;
	_ =	strace $0x80000048  }
0xb4: {  	_ =	swait.ge [sflag:s29], $0x1  }
0xb5: {  	[sflag:s29] =	ssyncadd.s32 $0xFFFFFFFF  }
0xb6: {  	_ =	strace $0x90000048  }
0xb7: {  	_ =	sfence  }
0xb8: {  	s30 =	sld [smem:$0x0];
	_ =	sdelay $0x2  }
0xb9: {  	s31 =	sshll.u32 s1, $0xD;
	s1 =	sshrl.u32 s1, $0x2  }
0xba: {  	s3 =	sand.u32 $0x4000, s31;
	s1 =	sadd.s32 s1, s30  }
0xbb: {  	s0 =	sor.u32 s3, s0;
	s1 =	sshll.u32 s1, $0x11  }
0xbc: {  	s0 =	sor.u32 s1, s0  }
0xbd: {  	s0 =	sadd.s32 $0x8F2B, s0  }
0xbe: {  	[sflag:s0] =	ssyncadd.remote.s32 $0x1  }
0xbf: {  	_ =	sfence.sel $0xFFFF  }
0xc0: {  	[dreg:$0x0] =	wrdreg $0xFFFFFFFF;
	(pc) =	sbr.abs _section_cstart, $3  }
0xc1: {  	[dreg:$0x1] =	wrdreg $0xFFFFFFFF  }
0xc2: {  	_ =	task.clear_ibuf [dreg:s7], $0x2FFFF;
	_ =	strace $0x9FFFFFFF  }
0xc3: {  	(tm) =	ssettm $0x7FFFFFFF  }
tec
execute0_lowered:
.L_overlay_start_1:
0x0: {  	(tag) =	ssettag $0x1  }
0x1: {  	s4 =	rddreg [dreg:$0x0]  }
0x2: {  	s1 =	srdreg.scid;
	s8 =	rddreg [dreg:$0x1]  }
0x3: {  	s0 =	stileid.u32;
	s2 =	rddreg [dreg:$0x2];
	s3 =	simm.s32 $0x0  }
0x4: {  	s13 =	simm.s32 $0x1;
	s16 =	simm.s32 $0x10;
	s17 =	simm.s32 $0x0  }
0x5: {  	s19 =	simm.s32 $0x64;
	s9 =	sand.u32 $0x1, s1;
	s1 =	rddreg [dreg:$0x3]  }
0x6: {  	s28 =	sshll.u32 s0, $0x1;
	[smem:$0x7FF] =	sst s3;
	s7 =	smul.u32 $0x280, s0  }
0x7: {  	s31 =	sshll.u32 s0, $0x6;
	s15 =	smul.u32 $0xA0, s0;
	s5 =	sor.u32 s9, s28  }
0x8: {  	s6 =	ssub.s32 $0x2, s9;
	_ =	strace $0x80000047;
	s9 =	sshll.u32 s9, $0x4  }
0x9: {  	s5 =	smul.u32 $0x640, s5;
	s29 =	sshrl.u32 s6, $0x1;
	s30 =	sshrl.u32 s7, $0x3  }
0xa: {  	s12 =	sadd.s32 s7, s2;
	s14 =	sadd.s32 s8, s9;
	s11 =	ssub.s32 s6, s29  }
0xb: {  	s6 =	sor.u32 $0x1C02, s31;
	s9 =	sshrl.u32 s12, $0x3;
	s12 =	simm.s32 $0x280  }
0xc: {  	s14 =	sadd.s32 s15, s14;
	s15 =	simm.s32 $0x20;
	s10 =	sadd.s32 s5, s4  }
0xd: {  	s4 =	sadd.s32 $0x10000, s4;
	s8 =	smax.u32 s11, $0x1;
	s11 =	simm.s32 $0x3480  }
0xe: {  	s5 =	sadd.s32 s4, s30;
	s7 =	sadd.s32 $0x3800, s10;
	s10 =	simm.s32 $0x2  }
.LBB2_1:
0xf: {  	[spmem:s9], [sflag:s6] =	dma.local [hbm:s5], $0x50  }
0x10: {  	_ =	swait.ge [sflag:s10], $0x50  }
0x11: {  	[sflag:s10] =	ssyncset.done $0x0  }
0x12: {  	[sflag:s10] =	ssyncadd.s32 $0xFFFFFFB0  }
0x13: {  	[tilespmem:s11], [sflag:$0x2] =	stream.linear.gather [hbm4b:s4+s3], $0x64, $0x38;
	[tilespmem:$0x3500] =	vst v63  }
0x14: {  	_ =	swait.ge [sflag:s10], $0x64  }
0x15: {  	[sflag:s10] =	ssyncset.done $0x0  }
0x16: {  	[sflag:s10] =	ssyncadd.s32 $0xFFFFFF9C  }
0x17: {  	[bflag:$0x0] =	sbarrier.arrive $0xFFFF  }
0x18: {  	[tilespmem:s12], [sflag:$0x2] =	stream.linear.gather [hbm4b:s7+s3], $0x3200, $0x38;
	[tilespmem:$0x3500] =	vst v63  }
0x19: {  	_ =	swait.ge [sflag:s10], $0x3200  }
0x1a: {  	[sflag:s10] =	ssyncset.done $0x0  }
0x1b: {  	s18 =	simm.s32 $0x200;
	s20 =	simm.s32 $0x280;
	[sflag:s10] =	ssyncadd.s32 $0xFFFFCE00  }
.LBB2_2:
0x1c: {  	[spmem:s2] =	stream.indirect.scatter.add.f32 [tilespmem:s11], [sflag:$0x1], $0x1, s20, s19, $0xb8;
	[tilespmem:$0x3500] =	vst v63  }
0x1d: {  	s20 =	smov.u32 s18;
	p0 =	sne.s32 s18, $0xC600  }
.Ltmp0:
0x1e: {  	s18 =	sadd.s32 $0x200, s18;
	(pc) =	sbr.rel @p0 .LBB2_2-.Ltmp0, $3  }
0x1f: {  	_ =	sdelay $0x1  }
0x20: {  	s20 =	sshra.s32 s20, $0x2  }
0x21: {  	s20 =	sadd.s32 $0x280, s20  }
0x22: {  	[spmem:s2] =	stream.indirect.scatter.add.f32 [tilespmem:s11], [sflag:$0x1], $0x1, s20, s19, $0xb8;
	[tilespmem:$0x3500] =	vst v63  }
0x23: {  	_ =	swait.ge [sflag:s13], $0x64  }
0x24: {  	s18 =	simm.s32 $0x63;
	[sflag:s13] =	ssyncset.done $0x0  }
.LBB2_4:
0x25: {  	p0 =	sne.s32 s18, $0x1;
	s18 =	sadd.s32 $0xFFFFFFFF, s18;
	[sflag:s13] =	ssyncadd.s32 $0xFFFFFF9C  }
.Ltmp1:
0x26: {  	(pc) =	sbr.rel @p0 .LBB2_4-.Ltmp1, $3  }
0x27: {  	_ =	sdelay $0x1  }
0x28: {  	_ =	swait.ge [sflag:s13], $0x64  }
0x29: {  	[sflag:s13] =	ssyncset.done $0x0  }
0x2a: {  	s17 =	sadd.s32 $0x1, s17  }
0x2b: {  	[sflag:s13] =	ssyncadd.s32 $0xFFFFFF9C;
	p0 =	sne.s32 s17, s8  }
.Ltmp2:
0x2c: {  	[bflag:$0x0] =	sbarrier.arrive $0xFFFF;
	(pc) =	sbr.rel @p0 .LBB2_1-.Ltmp2, $4  }
0x2d: {  	[hbm:s14@s15], [sflag:s6] =	dma.strided [spmem:s9@s16], $0x50, s13, $0x10   }
0x2e: {  	_ =	swait.ge [sflag:s10], $0x50  }
0x2f: {  	[sflag:s10] =	ssyncset.done $0x0  }
0x30: {  	[sflag:s10] =	ssyncadd.s32 $0xFFFFFFB0  }
0x31: {  	_ =	sfence.sel $0x180000  }
0x32: {  	[bflag:$0x0] =	sbarrier.arrive $0xFFFF  }
0x33: {  	p0 =	sne.s32 s0, $0x0;
	_ =	strace $0x90000047  }
0x34: {  	s0 =	sadd.s32 @!p0 $0x100000, s1;
	[bflag:$0x2] =	sbarrier.arrive $0xFFFF  }
0x35: {  	[sflag:s0] =	ssyncadd.tile.s32 @!p0 $0x1;
	_ =	shalt  }
.Lfunc_end2:
_tile_overlayer_lowered:
.L_overlay_start_2:
0x36: {  	(tag) =	ssettag $0x2  }
0x37: {  	s0 =	rddreg [dreg:$0x0];
	s2 =	stileid.u32  }
0x38: {  	s1 =	rddreg [dreg:$0x1];
	p0 =	sne.s32 s2, $0x0  }
0x39: {  	s3 =	rddreg [dreg:$0x2];
	[bflag:$0x3] =	sbarrier.arrive $0xFFFF;
	s2 =	simm.s32 @!p0 $0x1C02  }
0x3a: {  	[timem:s3], [sflag:s2] =	dma.local @!p0 [hbm:s0], s1  }
0x3b: {  	s0 =	simm.s32 @!p0 $0x2  }
0x3c: {  	_ =	swait.ge @!p0 [sflag:s0], s1  }
0x3d: {  	s1 =	ssub.s32 @!p0 $0x0, s1;
	[sflag:s0] =	ssyncset.done @!p0 $0x0  }
0x3e: {  	[sflag:s0] =	ssyncadd.s32 @!p0 s1  }
0x3f: {  	[bflag:$0x3] =	sbarrier.arrive $0xFFFF  }
0x40: {  	_ =	shalt  }

// kernel: kernel.15.cloned.1.call-start
scs
__scs_entry_jumppad:
0x0: {  	(pc) =	sbr.rel $0x88, $3  }
0x1: {  	(tag) =	ssettag $0x0;
	lr =	simm.s32 $0x1  }
0x2: {  	[smem:$0x3F94] =	sst lr;
	_ =	strace $0xD0000000  }
0x3: {  	_ = 	snop  }
0x4: {  	_ = 	snop  }
0x5: {  	_ = 	snop  }
0x6: {  	_ = 	snop  }
0x7: {  	_ = 	snop  }
__scs_overlays_trampoline_lowered:
0x8: {  	[smem:$0x3FA3] =	sst s0  }
0x9: {  	[smem:$0x3FA4] =	sst s1  }
0xa: {  	[smem:$0x3FA5] =	sst s2  }
0xb: {  	[smem:$0x3FA6] =	sst s3  }
0xc: {  	[smem:$0x3FA7] =	sst s4  }
0xd: {  	[smem:$0x3FA8] =	sst s5  }
0xe: {  	[smem:$0x3FA9] =	sst s6  }
0xf: {  	[smem:$0x3FAA] =	sst s7  }
0x10: {  	[smem:$0x3FAB] =	sst s8  }
0x11: {  	[smem:$0x3FAC] =	sst s9;
	s0 =	simm.s32 @!p0 $0x0  }
0x12: {  	s1 =	sld [smem:$0x3F92];
	s0 =	simm.s32 @p0 $0x1  }
0x13: {  	[smem:$0x3FAD] =	sst s0;
	s0 =	simm.s32 @!p1 $0x0  }
0x14: {  	s2 =	sld [smem:$0x3F91];
	s0 =	simm.s32 @p1 $0x1  }
0x15: {  	[smem:$0x3FAE] =	sst s0;
	s0 =	simm.s32 @!p2 $0x0  }
0x16: {  	s3 =	sld [smem:$0x3FDB];
	s0 =	simm.s32 @p2 $0x1  }
0x17: {  	s4 =	simm.s32 $0x1BF5;
	[smem:$0x3FB0] =	sst s0  }
0x18: {  	s0 =	sld [smem:$0x3F93];
	_ =	swait.ge [sflag:s4], $0x0  }
0x19: {  	s7 =	sld [smem:$0x3F94]  }
0x1a: {  	s8 =	sadd.s32 $0xFFFFE003, lr  }
0x1b: {  	s9 =	sadd.s32 $0xFFFFFEF7, lr;
	s5 =	simm.s32 $0xFFFFFFFF;
	p2 =	slt.u32 s8, $0xFFFFF086  }
0x1c: {  	p1 =	slt.u32 s9, $0xF7A;
	s5 =	simm.s32 @!p2 $0x0  }
0x1d: {  	s5 =	simm.s32 @p1 $0x1;
	p0 =	seq.s32 s7, s2  }
0x1e: {  	s7 =	smul.u32 @!p0 $0xF7A, s2;
	p2 =	seq.s32 @!p0 s5, $0x0  }
0x1f: {  	s9 =	smul.u32 $0xF7A, s1;
	s8 =	simm.s32 @!p0 $0x1BF5;
	p2 =	por !p2, p0  }
0x20: {  	[sflag:s8] =	ssyncset.s32 @!p0 $0xFFFFF086;
	s6 =	sadd.s32 @!p0 s3, s7;
	s7 =	simm.s32 @!p0 $0x108  }
0x21: {  	s3 =	sadd.s32 s3, s9;
	s6 =	sadd.s32 @!p0 $0x88, s6;
	s7 =	simm.s32 @p2 $0x1082  }
0x22: {  	[simem:s7], [sflag:s8] =	dma.local @!p0 [hbm:s6], $0xF7A  }
0x23: {  	s9 =	sor.u32 $0xD0000000, s2;
	s6 =	simm.s32 $0x108;
	_ =	swait.ge @!p0 [sflag:s8], $0x0  }
0x24: {  	s3 =	sadd.s32 $0x88, s3;
	s6 =	simm.s32 @!p1 $0x1082;
	[sflag:s4] =	ssyncset.s32 $0xFFFFF086  }
0x25: {  	[simem:s6], [sflag:s4] =	dma.local [hbm:s3], $0xF7A  }
0x26: {  	[smem:$0x3F94] =	sst s1;
	(tag) =	ssettag s2;
	_ =	strace s9  }
0x27: {  	s1 =	sld [smem:$0x3FA4]  }
0x28: {  	s2 =	sld [smem:$0x3FA5]  }
0x29: {  	s4 =	sld [smem:$0x3FA7]  }
0x2a: {  	p0 =	seq.s32 s5, $0x0;
	s5 =	sld [smem:$0x3FA8]  }
0x2b: {  	s6 =	sld [smem:$0x3FA9]  }
0x2c: {  	s7 =	sld [smem:$0x3FAA]  }
0x2d: {  	s3 =	simm.s32 $0x108;
	s8 =	sld [smem:$0x3FAB]  }
0x2e: {  	s3 =	simm.s32 @!p0 $0x1082;
	s9 =	sld [smem:$0x3FAC]  }
0x2f: {  	lr =	sadd.s32 s0, s3;
	s0 =	sld [smem:$0x3FA3]  }
0x30: {  	s3 =	sld [smem:$0x3FA6]  }
0x31: {  	[smem:$0x3FAF] =	sst s10  }
0x32: {  	s10 =	sld [smem:$0x3FAD];
	_ =	sdelay $0x3  }
0x33: {  	p0 =	seq.s32 s10, $0x1;
	s10 =	sld [smem:$0x3FAF];
	_ =	sdelay $0x3  }
0x34: {  	[smem:$0x3FAF] =	sst s10  }
0x35: {  	s10 =	sld [smem:$0x3FAE];
	_ =	sdelay $0x3  }
0x36: {  	p1 =	seq.s32 s10, $0x1;
	s10 =	sld [smem:$0x3FAF];
	_ =	sdelay $0x3  }
0x37: {  	[smem:$0x3FAF] =	sst s10  }
0x38: {  	s10 =	sld [smem:$0x3FB0]  }
0x39: {  	_ = 	snop;
	(pc) =	sbr.ind lr, $3  }
0x3a: {  	_ = 	snop  }
0x3b: {  	_ = 	snop  }
0x3c: {  	p2 =	seq.s32 s10, $0x1;
	s10 =	sld [smem:$0x3FAF]  }
0x3d: {  	_ =	shalt  }
0x3e: {  	_ =	shalt  }
0x3f: {  	_ =	shalt  }
0x40: {  	_ =	shalt  }
0x41: {  	_ =	shalt  }
0x42: {  	_ =	shalt  }
0x43: {  	_ =	shalt  }
0x44: {  	_ =	shalt  }
0x45: {  	_ =	shalt  }
0x46: {  	_ =	shalt  }
0x47: {  	_ =	shalt  }
0x48: {  	_ =	shalt  }
0x49: {  	_ =	shalt  }
0x4a: {  	_ =	shalt  }
0x4b: {  	_ =	shalt  }
0x4c: {  	_ =	shalt  }
0x4d: {  	_ =	shalt  }
0x4e: {  	_ =	shalt  }
0x4f: {  	_ =	shalt  }
0x50: {  	_ =	shalt  }
0x51: {  	_ =	shalt  }
0x52: {  	_ =	shalt  }
0x53: {  	_ =	shalt  }
0x54: {  	_ =	shalt  }
0x55: {  	_ =	shalt  }
0x56: {  	_ =	shalt  }
0x57: {  	_ =	shalt  }
0x58: {  	_ =	shalt  }
0x59: {  	_ =	shalt  }
0x5a: {  	_ =	shalt  }
0x5b: {  	_ =	shalt  }
0x5c: {  	_ =	shalt  }
0x5d: {  	_ =	shalt  }
0x5e: {  	_ =	shalt  }
0x5f: {  	_ =	shalt  }
0x60: {  	_ =	shalt  }
0x61: {  	_ =	shalt  }
0x62: {  	_ =	shalt  }
0x63: {  	_ =	shalt  }
0x64: {  	_ =	shalt  }
0x65: {  	_ =	shalt  }
0x66: {  	_ =	shalt  }
0x67: {  	_ =	shalt  }
0x68: {  	_ =	shalt  }
0x69: {  	_ =	shalt  }
0x6a: {  	_ =	shalt  }
0x6b: {  	_ =	shalt  }
0x6c: {  	_ =	shalt  }
0x6d: {  	_ =	shalt  }
0x6e: {  	_ =	shalt  }
0x6f: {  	_ =	shalt  }
0x70: {  	_ =	shalt  }
0x71: {  	_ =	shalt  }
0x72: {  	_ =	shalt  }
0x73: {  	_ =	shalt  }
0x74: {  	_ =	shalt  }
0x75: {  	_ =	shalt  }
0x76: {  	_ =	shalt  }
0x77: {  	_ =	shalt  }
0x78: {  	_ =	shalt  }
0x79: {  	_ =	shalt  }
0x7a: {  	_ =	shalt  }
0x7b: {  	_ =	shalt  }
0x7c: {  	_ =	shalt  }
0x7d: {  	_ =	shalt  }
0x7e: {  	_ =	shalt  }
0x7f: {  	_ =	shalt  }
0x80: {  	_ =	shalt  }
0x81: {  	_ =	shalt  }
0x82: {  	_ =	shalt  }
0x83: {  	_ =	shalt  }
0x84: {  	_ =	shalt  }
0x85: {  	_ =	shalt  }
0x86: {  	_ =	shalt  }
0x87: {  	_ =	shalt  }
.Lfunc_end0:
.L_simem_size_0:
called_computation.1_lowered:
.L_overlay_start_0:
0x88: {  	s2 =	sld [smem:$0x3FD9]  }
0x89: {  	s3 =	sld [smem:$0x3FFE];
	_ =	sdelay $0x1  }
0x8a: {  	s1 =	srdreg.scid  }
0x8b: {  	s0 =	sand.u32 $0x1, s1  }
0x8c: {  	s16 =	sshll.u32 s0, $0xA;
	s2 =	sadd.s32 s3, s2  }
0x8d: {  	s2 =	sadd.s32 s2, s16  }
0x8e: {  	[smem:$0x3FBB] =	sst s2  }
0x8f: {  	_ = 	snop  }
0x90: {  	(tm) =	ssettm $0x1  }
0x91: {  	s17 =	sld [smem:$0x3FFB];
	_ =	sdelay $0x3  }
0x92: {  	_ =	strace s17  }
0x93: {  	s2 =	sld [smem:$0x3FFC];
	_ =	sdelay $0x3  }
0x94: {  	_ =	strace s2  }
0x95: {  	s2 =	sld [smem:$0x3FFD];
	_ =	sdelay $0x3  }
0x96: {  	_ =	strace s2  }
0x97: {  	_ =	strace $0x8FFFFFFF  }
0x98: {  	s18 =	sld [smem:$0x3FDB];
	_ =	sdelay $0x1  }
0x99: {  	s19 =	simm.s32 $_scs_section_size  }
0x9a: {  	s4 =	simm.s32 $_size__tile_overlayer_lowered;
	s5 =	simm.s32 $_tile_overlayer_lowered  }
0x9b: {  	s22 =	simm.s32 $0x1BFF;
	s21 =	sshll.u32 s5, $0x1;
	s2 =	sadd.s32 s19, s18  }
0x9c: {  	s6 =	simm.s32 $0x0;
	s20 =	sshll.u32 s4, $0x1;
	s4 =	sadd.s32 s21, s2  }
0x9d: {  	[timem:s6], [sflag:s22] =	dma.local [hbm:s4], s20  }
0x9e: {  	_ =	swait.ge [sflag:s22], s20  }
0x9f: {  	s3 =	ssub.s32 $0x0, s20;
	[sflag:s22] =	ssyncset.done $0x0  }
0xa0: {  	[sflag:s22] =	ssyncadd.s32 s3;
	_ =	sdelay $0x1  }
0xa1: {  	s23 =	simm.s32 $0x1B8B  }
0xa2: {  	_ =	swait.ge [sflag:s23], $0x1  }
0xa3: {  	[sflag:s23] =	ssyncset.done $0x0  }
0xa4: {  	s25 =	simm.s32 $0x1B8E;
	s24 =	sld [smem:$0x3FFE];
	[sflag:s23] =	ssyncadd.s32 $0xFFFFFFFF  }
0xa5: {  	s26 =	simm.s32 $execute0_lowered;
	[smem:$0x3FD2] =	sst s25  }
0xa6: {  	s4 =	sshll.u32 s26, $0x1;
	_ =	strace $0x80000049;
	[dreg:$0x1] =	wrdreg $0xFFFFFFFF  }
0xa7: {  	s28 =	simm.s32 $_size_execute0_lowered;
	s2 =	sadd.s32 s2, s4;
	[dreg:$0x0] =	wrdreg $0x0  }
0xa8: {  	s4 =	sshll.u32 s28, $0x1;
	[dreg:$0x2] =	wrdreg s2  }
0xa9: {  	[dreg:$0x3] =	wrdreg s4  }
0xaa: {  	[dreg:$0x4] =	wrdreg $0xC0  }
0xab: {  	_ =	task [dreg:s6], $0x5FFFF  }
0xac: {  	[dreg:$0x1] =	wrdreg $0xFFFFFFFF  }
0xad: {  	[dreg:$0x0] =	wrdreg $0x60  }
0xae: {  	[dreg:$0x2] =	wrdreg s24  }
0xaf: {  	[dreg:$0x3] =	wrdreg $0x0  }
0xb0: {  	[dreg:$0x4] =	wrdreg $0x9  }
0xb1: {  	_ =	task.clear_ibuf [dreg:s6], $0x5FFFF;
	_ =	strace $0x90000049  }
0xb2: {  	s29 =	simm.s32 $0x9;
	_ =	strace $0x8000004B  }
0xb3: {  	_ =	swait.ge [sflag:s29], $0x1  }
0xb4: {  	[sflag:s29] =	ssyncadd.s32 $0xFFFFFFFF  }
0xb5: {  	_ =	strace $0x9000004B  }
0xb6: {  	_ =	sfence  }
0xb7: {  	s30 =	sld [smem:$0x0];
	_ =	sdelay $0x2  }
0xb8: {  	s31 =	sshll.u32 s1, $0xD;
	s1 =	sshrl.u32 s1, $0x2  }
0xb9: {  	s3 =	sand.u32 $0x4000, s31;
	s1 =	sadd.s32 s1, s30  }
0xba: {  	s0 =	sor.u32 s3, s0;
	s1 =	sshll.u32 s1, $0x11  }
0xbb: {  	s0 =	sor.u32 s1, s0  }
0xbc: {  	s0 =	sadd.s32 $0x8F2B, s0  }
0xbd: {  	[sflag:s0] =	ssyncadd.remote.s32 $0x1  }
0xbe: {  	_ =	sfence.sel $0xFFFF  }
0xbf: {  	[dreg:$0x0] =	wrdreg $0xFFFFFFFF;
	(pc) =	sbr.abs _section_cstart, $3  }
0xc0: {  	[dreg:$0x1] =	wrdreg $0xFFFFFFFF  }
0xc1: {  	_ =	task.clear_ibuf [dreg:s6], $0x2FFFF;
	_ =	strace $0x9FFFFFFF  }
0xc2: {  	(tm) =	ssettm $0x7FFFFFFF  }
0xc3: {  	_ =	shalt  }
tec
execute0_lowered:
.L_overlay_start_1:
0x0: {  	(tag) =	ssettag $0x1  }
0x1: {  	s3 =	rddreg [dreg:$0x0]  }
0x2: {  	s1 =	rddreg [dreg:$0x1];
	s4 =	srdreg.scid;
	s2 =	simm.s32 $0x0  }
0x3: {  	s19 =	simm.s32 $0x64;
	s20 =	simm.s32 $0x15900;
	s21 =	simm.s32 $0x14080  }
0x4: {  	s22 =	simm.s32 $0x18D00;
	s23 =	simm.s32 $0x1;
	s5 =	sand.u32 $0x1, s4  }
0x5: {  	s26 =	simm.s32 $0x0;
	[smem:$0x7FF] =	sst s2;
	s6 =	smul.u32 $0x28000, s5  }
0x6: {  	s4 =	sadd.s32 $0x1CE00, s3;
	s13 =	sadd.s32 $0x10600, s3;
	s14 =	sadd.s32 $0x3800, s3  }
0x7: {  	s28 =	ssub.s32 $0x2, s5;
	s15 =	sadd.s32 s6, s3;
	s3 =	stileid.u32  }
0x8: {  	_ =	strace $0x8000004A;
	s9 =	sshrl.u32 s28, $0x1;
	s8 =	smul.u32 $0x50000, s3  }
0x9: {  	s16 =	ssub.s32 s28, s9;
	s7 =	sshll.u32 s3, $0x1;
	s24 =	smul.u32 $0x2800, s3  }
0xa: {  	s30 =	sshll.u32 s3, $0x6;
	s25 =	sadd.s32 $0x44E00, s15;
	s5 =	sor.u32 s5, s7  }
0xb: {  	s15 =	smax.u32 s16, $0x1;
	s6 =	sor.u32 $0x1C03, s30;
	s7 =	smul.u32 $0x3200, s5  }
0xc: {  	s29 =	sshrl.u32 s8, $0x2;
	s31 =	smul.u32 $0x640, s5;
	s5 =	sadd.s32 s4, s24  }
0xd: {  	s24 =	sadd.s32 s24, s25;
	s25 =	simm.s32 $0x2;
	s17 =	sadd.s32 s29, s1  }
0xe: {  	s18 =	sshrl.u32 s7, $0x3;
	s7 =	sadd.s32 s13, s31;
	s8 =	sadd.s32 s14, s31  }
0xf: {  	s16 =	sshrl.u32 s17, $0x3;
	s17 =	simm.s32 $0x3;
	s10 =	sadd.s32 $0x190, s18  }
0x10: {  	s12 =	sadd.s32 $0x320, s18;
	s18 =	sadd.s32 $0x4B0, s18;
	s9 =	sadd.s32 s13, s10  }
0x11: {  	s10 =	sadd.s32 s14, s10;
	s11 =	sadd.s32 s13, s12;
	s12 =	sadd.s32 s14, s12  }
0x12: {  	s13 =	sadd.s32 s13, s18;
	s14 =	sadd.s32 s14, s18;
	s18 =	simm.s32 $0x14000  }
.LBB2_1:
0x13: {  	[spmem:s16], [sflag:s6] =	dma.local [hbm:s5], $0x2800  }
0x14: {  	_ =	swait.ge [sflag:s17], $0x2800  }
0x15: {  	[sflag:s17] =	ssyncset.done $0x0  }
0x16: {  	[sflag:s17] =	ssyncadd.s32 $0xFFFFD800  }
0x17: {  	[bflag:$0x0] =	sbarrier.arrive $0xFFFF  }
0x18: {  	[tilespmem:s18], [sflag:$0x3] =	stream.linear.gather [hbm4b:s7+s2], $0xC80, $0x38;
	[tilespmem:$0x1F500] =	vst v63  }
0x19: {  	_ =	swait.ge [sflag:s17], $0xC80  }
0x1a: {  	[sflag:s17] =	ssyncset.done $0x0  }
0x1b: {  	s28 =	simm.s32 $0x14C80;
	[sflag:s17] =	ssyncadd.s32 $0xFFFFF380  }
0x1c: {  	[tilespmem:s28], [sflag:$0x3] =	stream.linear.gather [hbm4b:s8+s2], $0xC80, $0x38;
	[tilespmem:$0x1F500] =	vst v63  }
0x1d: {  	_ =	swait.ge [sflag:s17], $0xC80  }
0x1e: {  	[sflag:s17] =	ssyncset.done $0x0  }
0x1f: {  	[sflag:s17] =	ssyncadd.s32 $0xFFFFF380  }
0x20: {  	[tilespmem:s20], [sflag:$0x1] =	stream.indirect.gather [hbm4b:s4+s19], $0x80, s18, s19, $0xb8;
	[tilespmem:$0x1F500] =	vst v63  }
0x21: {  	s29 =	simm.s32 $0x14100;
	s30 =	simm.s32 $0x0  }
0x22: {  	[tilespmem:s22], [sflag:$0x1] =	stream.indirect.gather [hbm4b:s4+s19], $0x80, s21, s19, $0xb8;
	[tilespmem:$0x1F500] =	vst v63  }
.LBB2_2:
0x23: {  	s31 =	smul.u32 $0xAB, s30;
	_ =	sdelay $0x1  }
0x24: {  	s31 =	sshrl.u32 s31, $0x9  }
0x25: {  	s31 =	sand.u32 $0x7F, s31  }
0x26: {  	s31 =	smul.u32 $0x3, s31;
	_ =	sdelay $0x1  }
0x27: {  	s31 =	ssub.s32 s30, s31  }
0x28: {  	s31 =	sand.u32 $0xFF, s31  }
0x29: {  	s31 =	smul.u32 $0xD000, s31  }
0x2a: {  	_ =	swait.ge [sflag:s23], $0x3200  }
0x2b: {  	[sflag:s23] =	ssyncset.done $0x0;
	s31 =	sshrl.u32 s31, $0x2  }
0x2c: {  	p0 =	seq.s32 s30, $0x0;
	[sflag:s23] =	ssyncadd.s32 $0xFFFFCE00;
	s31 =	sadd.s32 $0x15900, s31  }
0x2d: {  	[spmem:s1] =	stream.indirect.scatter.add.f32 [tilespmem:s31], [sflag:$0x2], $0x80, s28, s19, $0xb8;
	[tilespmem:$0x1F500] =	vst v63  }
0x2e: {  	s31 =	simm.s32 @!p0 $0x2  }
0x2f: {  	p1 =	sgt.u32 @!p0 s30, $0x16;
	_ =	swait.ge @!p0 [sflag:s31], $0x3200  }
0x30: {  	p1 =	por p0, !p1;
	[sflag:s31] =	ssyncset.done @!p0 $0x0  }
0x31: {  	[sflag:s31] =	ssyncadd.s32 @!p0 $0xFFFFCE00;
	s31 =	sadd.s32 @p1 $0x2, s30  }
0x32: {  	s0 =	smul.u32 @p1 $0xAB, s31;
	_ =	sdelay $0x1  }
0x33: {  	s0 =	sshrl.u32 @p1 s0, $0x9  }
0x34: {  	s0 =	sand.u32 @p1 $0x7F, s0  }
0x35: {  	s0 =	smul.u32 @p1 $0x3, s0;
	_ =	sdelay $0x1  }
0x36: {  	s0 =	ssub.s32 @p1 s31, s0  }
0x37: {  	s30 =	sadd.s32 $0x1, s30;
	s0 =	sand.u32 @p1 $0xFF, s0  }
0x38: {  	p0 =	sne.s32 s30, $0x19;
	s0 =	smul.u32 @p1 $0xD000, s0  }
.Ltmp0:
0x39: {  	_ = 	snop;
	(pc) =	sbr.rel @p0 .LBB2_2-.Ltmp0, $4  }
0x3a: {  	s0 =	sshrl.u32 @p1 s0, $0x2  }
0x3b: {  	s0 =	sadd.s32 @p1 $0x15900, s0  }
0x3c: {  	[tilespmem:s0], [sflag:$0x1] =	stream.indirect.gather @p1 [hbm4b:s4+s19], $0x80, s29, s19, $0xb8;
	[tilespmem:$0x1F500] =	vst v63  }
0x3d: {  	s28 =	sadd.s32 $0x80, s28;
	s29 =	sadd.s32 $0x80, s29  }
0x3e: {  	_ =	swait.ge [sflag:s25], $0x3200  }
0x3f: {  	[sflag:s25] =	ssyncset.done $0x0  }
0x40: {  	s28 =	simm.s32 $0x0;
	[sflag:s25] =	ssyncadd.s32 $0xFFFFCE00  }
0x41: {  	[tilespmem:s18], [sflag:$0x3] =	stream.linear.gather [hbm4b:s9+s28], $0xC80, $0x38;
	[tilespmem:$0x1F500] =	vst v63  }
0x42: {  	_ =	swait.ge [sflag:s17], $0xC80  }
0x43: {  	[sflag:s17] =	ssyncset.done $0x0  }
0x44: {  	s29 =	simm.s32 $0x14C80;
	[sflag:s17] =	ssyncadd.s32 $0xFFFFF380  }
0x45: {  	[tilespmem:s29], [sflag:$0x3] =	stream.linear.gather [hbm4b:s10+s28], $0xC80, $0x38;
	[tilespmem:$0x1F500] =	vst v63  }
0x46: {  	_ =	swait.ge [sflag:s17], $0xC80  }
0x47: {  	[sflag:s17] =	ssyncset.done $0x0  }
0x48: {  	[sflag:s17] =	ssyncadd.s32 $0xFFFFF380  }
0x49: {  	[tilespmem:s20], [sflag:$0x1] =	stream.indirect.gather [hbm4b:s4+s19], $0x80, s18, s19, $0xb8;
	[tilespmem:$0x1F500] =	vst v63  }
0x4a: {  	s30 =	simm.s32 $0x14100  }
0x4b: {  	[tilespmem:s22], [sflag:$0x1] =	stream.indirect.gather [hbm4b:s4+s19], $0x80, s21, s19, $0xb8;
	[tilespmem:$0x1F500] =	vst v63  }
.LBB2_4:
0x4c: {  	s0 =	smul.u32 $0xAB, s28;
	_ =	sdelay $0x1  }
0x4d: {  	s0 =	sshrl.u32 s0, $0x9  }
0x4e: {  	s0 =	sand.u32 $0x7F, s0  }
0x4f: {  	s0 =	smul.u32 $0x3, s0;
	_ =	sdelay $0x1  }
0x50: {  	s0 =	ssub.s32 s28, s0  }
0x51: {  	s0 =	sand.u32 $0xFF, s0  }
0x52: {  	s0 =	smul.u32 $0xD000, s0  }
0x53: {  	_ =	swait.ge [sflag:s23], $0x3200  }
0x54: {  	[sflag:s23] =	ssyncset.done $0x0;
	s0 =	sshrl.u32 s0, $0x2  }
0x55: {  	p0 =	seq.s32 s28, $0x0;
	[sflag:s23] =	ssyncadd.s32 $0xFFFFCE00;
	s0 =	sadd.s32 $0x15900, s0  }
0x56: {  	[spmem:s1] =	stream.indirect.scatter.add.f32 [tilespmem:s0], [sflag:$0x2], $0x80, s29, s19, $0xb8;
	[tilespmem:$0x1F500] =	vst v63  }
0x57: {  	s0 =	simm.s32 @!p0 $0x2  }
0x58: {  	p1 =	sgt.u32 @!p0 s28, $0x16;
	_ =	swait.ge @!p0 [sflag:s0], $0x3200  }
0x59: {  	p1 =	por p0, !p1;
	[sflag:s0] =	ssyncset.done @!p0 $0x0  }
0x5a: {  	[sflag:s0] =	ssyncadd.s32 @!p0 $0xFFFFCE00;
	s0 =	sadd.s32 @p1 $0x2, s28  }
0x5b: {  	s31 =	smul.u32 @p1 $0xAB, s0;
	_ =	sdelay $0x1  }
0x5c: {  	s31 =	sshrl.u32 @p1 s31, $0x9  }
0x5d: {  	s31 =	sand.u32 @p1 $0x7F, s31  }
0x5e: {  	s31 =	smul.u32 @p1 $0x3, s31;
	_ =	sdelay $0x1  }
0x5f: {  	s0 =	ssub.s32 @p1 s0, s31  }
0x60: {  	s28 =	sadd.s32 $0x1, s28;
	s0 =	sand.u32 @p1 $0xFF, s0  }
0x61: {  	p0 =	sne.s32 s28, $0x19;
	s0 =	smul.u32 @p1 $0xD000, s0  }
.Ltmp1:
0x62: {  	_ = 	snop;
	(pc) =	sbr.rel @p0 .LBB2_4-.Ltmp1, $4  }
0x63: {  	s0 =	sshrl.u32 @p1 s0, $0x2  }
0x64: {  	s0 =	sadd.s32 @p1 $0x15900, s0  }
0x65: {  	[tilespmem:s0], [sflag:$0x1] =	stream.indirect.gather @p1 [hbm4b:s4+s19], $0x80, s30, s19, $0xb8;
	[tilespmem:$0x1F500] =	vst v63  }
0x66: {  	s29 =	sadd.s32 $0x80, s29;
	s30 =	sadd.s32 $0x80, s30  }
0x67: {  	_ =	swait.ge [sflag:s25], $0x3200  }
0x68: {  	[sflag:s25] =	ssyncset.done $0x0  }
0x69: {  	s28 =	simm.s32 $0x0;
	[sflag:s25] =	ssyncadd.s32 $0xFFFFCE00  }
0x6a: {  	[tilespmem:s18], [sflag:$0x3] =	stream.linear.gather [hbm4b:s11+s28], $0xC80, $0x38;
	[tilespmem:$0x1F500] =	vst v63  }
0x6b: {  	_ =	swait.ge [sflag:s17], $0xC80  }
0x6c: {  	[sflag:s17] =	ssyncset.done $0x0  }
0x6d: {  	s29 =	simm.s32 $0x14C80;
	[sflag:s17] =	ssyncadd.s32 $0xFFFFF380  }
0x6e: {  	[tilespmem:s29], [sflag:$0x3] =	stream.linear.gather [hbm4b:s12+s28], $0xC80, $0x38;
	[tilespmem:$0x1F500] =	vst v63  }
0x6f: {  	_ =	swait.ge [sflag:s17], $0xC80  }
0x70: {  	[sflag:s17] =	ssyncset.done $0x0  }
0x71: {  	[sflag:s17] =	ssyncadd.s32 $0xFFFFF380  }
0x72: {  	[tilespmem:s20], [sflag:$0x1] =	stream.indirect.gather [hbm4b:s4+s19], $0x80, s18, s19, $0xb8;
	[tilespmem:$0x1F500] =	vst v63  }
0x73: {  	s30 =	simm.s32 $0x14100  }
0x74: {  	[tilespmem:s22], [sflag:$0x1] =	stream.indirect.gather [hbm4b:s4+s19], $0x80, s21, s19, $0xb8;
	[tilespmem:$0x1F500] =	vst v63  }
.LBB2_6:
0x75: {  	s0 =	smul.u32 $0xAB, s28;
	_ =	sdelay $0x1  }
0x76: {  	s0 =	sshrl.u32 s0, $0x9  }
0x77: {  	s0 =	sand.u32 $0x7F, s0  }
0x78: {  	s0 =	smul.u32 $0x3, s0;
	_ =	sdelay $0x1  }
0x79: {  	s0 =	ssub.s32 s28, s0  }
0x7a: {  	s0 =	sand.u32 $0xFF, s0  }
0x7b: {  	s0 =	smul.u32 $0xD000, s0  }
0x7c: {  	_ =	swait.ge [sflag:s23], $0x3200  }
0x7d: {  	[sflag:s23] =	ssyncset.done $0x0;
	s0 =	sshrl.u32 s0, $0x2  }
0x7e: {  	p0 =	seq.s32 s28, $0x0;
	[sflag:s23] =	ssyncadd.s32 $0xFFFFCE00;
	s0 =	sadd.s32 $0x15900, s0  }
0x7f: {  	[spmem:s1] =	stream.indirect.scatter.add.f32 [tilespmem:s0], [sflag:$0x2], $0x80, s29, s19, $0xb8;
	[tilespmem:$0x1F500] =	vst v63  }
0x80: {  	s0 =	simm.s32 @!p0 $0x2  }
0x81: {  	p1 =	sgt.u32 @!p0 s28, $0x16;
	_ =	swait.ge @!p0 [sflag:s0], $0x3200  }
0x82: {  	p1 =	por p0, !p1;
	[sflag:s0] =	ssyncset.done @!p0 $0x0  }
0x83: {  	[sflag:s0] =	ssyncadd.s32 @!p0 $0xFFFFCE00;
	s0 =	sadd.s32 @p1 $0x2, s28  }
0x84: {  	s31 =	smul.u32 @p1 $0xAB, s0;
	_ =	sdelay $0x1  }
0x85: {  	s31 =	sshrl.u32 @p1 s31, $0x9  }
0x86: {  	s31 =	sand.u32 @p1 $0x7F, s31  }
0x87: {  	s31 =	smul.u32 @p1 $0x3, s31;
	_ =	sdelay $0x1  }
0x88: {  	s0 =	ssub.s32 @p1 s0, s31  }
0x89: {  	s28 =	sadd.s32 $0x1, s28;
	s0 =	sand.u32 @p1 $0xFF, s0  }
0x8a: {  	p0 =	sne.s32 s28, $0x19;
	s0 =	smul.u32 @p1 $0xD000, s0  }
.Ltmp2:
0x8b: {  	_ = 	snop;
	(pc) =	sbr.rel @p0 .LBB2_6-.Ltmp2, $4  }
0x8c: {  	s0 =	sshrl.u32 @p1 s0, $0x2  }
0x8d: {  	s0 =	sadd.s32 @p1 $0x15900, s0  }
0x8e: {  	[tilespmem:s0], [sflag:$0x1] =	stream.indirect.gather @p1 [hbm4b:s4+s19], $0x80, s30, s19, $0xb8;
	[tilespmem:$0x1F500] =	vst v63  }
0x8f: {  	s29 =	sadd.s32 $0x80, s29;
	s30 =	sadd.s32 $0x80, s30  }
0x90: {  	_ =	swait.ge [sflag:s25], $0x3200  }
0x91: {  	[sflag:s25] =	ssyncset.done $0x0  }
0x92: {  	s28 =	simm.s32 $0x0;
	[sflag:s25] =	ssyncadd.s32 $0xFFFFCE00  }
0x93: {  	[tilespmem:s18], [sflag:$0x3] =	stream.linear.gather [hbm4b:s13+s28], $0xC80, $0x38;
	[tilespmem:$0x1F500] =	vst v63  }
0x94: {  	_ =	swait.ge [sflag:s17], $0xC80  }
0x95: {  	[sflag:s17] =	ssyncset.done $0x0  }
0x96: {  	s29 =	simm.s32 $0x14C80;
	[sflag:s17] =	ssyncadd.s32 $0xFFFFF380  }
0x97: {  	[tilespmem:s29], [sflag:$0x3] =	stream.linear.gather [hbm4b:s14+s28], $0xC80, $0x38;
	[tilespmem:$0x1F500] =	vst v63  }
0x98: {  	_ =	swait.ge [sflag:s17], $0xC80  }
0x99: {  	[sflag:s17] =	ssyncset.done $0x0  }
0x9a: {  	[sflag:s17] =	ssyncadd.s32 $0xFFFFF380  }
0x9b: {  	[tilespmem:s20], [sflag:$0x1] =	stream.indirect.gather [hbm4b:s4+s19], $0x80, s18, s19, $0xb8;
	[tilespmem:$0x1F500] =	vst v63  }
0x9c: {  	s30 =	simm.s32 $0x14100  }
0x9d: {  	[tilespmem:s22], [sflag:$0x1] =	stream.indirect.gather [hbm4b:s4+s19], $0x80, s21, s19, $0xb8;
	[tilespmem:$0x1F500] =	vst v63  }
.LBB2_8:
0x9e: {  	s0 =	smul.u32 $0xAB, s28;
	_ =	sdelay $0x1  }
0x9f: {  	s0 =	sshrl.u32 s0, $0x9  }
0xa0: {  	s0 =	sand.u32 $0x7F, s0  }
0xa1: {  	s0 =	smul.u32 $0x3, s0;
	_ =	sdelay $0x1  }
0xa2: {  	s0 =	ssub.s32 s28, s0  }
0xa3: {  	s0 =	sand.u32 $0xFF, s0  }
0xa4: {  	s0 =	smul.u32 $0xD000, s0  }
0xa5: {  	_ =	swait.ge [sflag:s23], $0x3200  }
0xa6: {  	[sflag:s23] =	ssyncset.done $0x0;
	s0 =	sshrl.u32 s0, $0x2  }
0xa7: {  	p0 =	seq.s32 s28, $0x0;
	[sflag:s23] =	ssyncadd.s32 $0xFFFFCE00;
	s0 =	sadd.s32 $0x15900, s0  }
0xa8: {  	[spmem:s1] =	stream.indirect.scatter.add.f32 [tilespmem:s0], [sflag:$0x2], $0x80, s29, s19, $0xb8;
	[tilespmem:$0x1F500] =	vst v63  }
0xa9: {  	s0 =	simm.s32 @!p0 $0x2  }
0xaa: {  	p1 =	sgt.u32 @!p0 s28, $0x16;
	_ =	swait.ge @!p0 [sflag:s0], $0x3200  }
0xab: {  	p1 =	por p0, !p1;
	[sflag:s0] =	ssyncset.done @!p0 $0x0  }
0xac: {  	[sflag:s0] =	ssyncadd.s32 @!p0 $0xFFFFCE00;
	s0 =	sadd.s32 @p1 $0x2, s28  }
0xad: {  	s31 =	smul.u32 @p1 $0xAB, s0;
	_ =	sdelay $0x1  }
0xae: {  	s31 =	sshrl.u32 @p1 s31, $0x9  }
0xaf: {  	s31 =	sand.u32 @p1 $0x7F, s31  }
0xb0: {  	s31 =	smul.u32 @p1 $0x3, s31;
	_ =	sdelay $0x1  }
0xb1: {  	s0 =	ssub.s32 @p1 s0, s31  }
0xb2: {  	s28 =	sadd.s32 $0x1, s28;
	s0 =	sand.u32 @p1 $0xFF, s0  }
0xb3: {  	p0 =	sne.s32 s28, $0x19;
	s0 =	smul.u32 @p1 $0xD000, s0  }
.Ltmp3:
0xb4: {  	_ = 	snop;
	(pc) =	sbr.rel @p0 .LBB2_8-.Ltmp3, $4  }
0xb5: {  	s0 =	sshrl.u32 @p1 s0, $0x2  }
0xb6: {  	s0 =	sadd.s32 @p1 $0x15900, s0  }
0xb7: {  	[tilespmem:s0], [sflag:$0x1] =	stream.indirect.gather @p1 [hbm4b:s4+s19], $0x80, s30, s19, $0xb8;
	[tilespmem:$0x1F500] =	vst v63  }
0xb8: {  	s29 =	sadd.s32 $0x80, s29;
	s30 =	sadd.s32 $0x80, s30  }
0xb9: {  	_ =	swait.ge [sflag:s25], $0x3200  }
0xba: {  	s26 =	sadd.s32 $0x1, s26;
	[sflag:s25] =	ssyncset.done $0x0  }
0xbb: {  	p0 =	sne.s32 s26, s15;
	[sflag:s25] =	ssyncadd.s32 $0xFFFFCE00  }
.Ltmp4:
0xbc: {  	[bflag:$0x0] =	sbarrier.arrive $0xFFFF;
	(pc) =	sbr.rel @p0 .LBB2_1-.Ltmp4, $4  }
0xbd: {  	[hbm:s24], [sflag:s6] =	dma.local [spmem:s16], $0x2800  }
0xbe: {  	_ =	swait.ge [sflag:s17], $0x2800  }
0xbf: {  	[sflag:s17] =	ssyncset.done $0x0  }
0xc0: {  	[sflag:s17] =	ssyncadd.s32 $0xFFFFD800  }
0xc1: {  	_ =	sfence.sel $0x180000  }
0xc2: {  	[bflag:$0x0] =	sbarrier.arrive $0xFFFF  }
0xc3: {  	_ =	strace $0x9000004A  }
0xc4: {  	[bflag:$0x2] =	sbarrier.arrive $0xFFFF  }
0xc5: {  	p0 =	sne.s32 s3, $0x0;
	s0 =	rddreg [dreg:$0x2]  }
0xc6: {  	s0 =	sadd.s32 @!p0 $0x100000, s0  }
0xc7: {  	[sflag:s0] =	ssyncadd.tile.s32 @!p0 $0x1;
	_ =	shalt  }
.Lfunc_end2:
_tile_overlayer_lowered:
.L_overlay_start_2:
0xc8: {  	(tag) =	ssettag $0x2  }
0xc9: {  	s0 =	rddreg [dreg:$0x0];
	s2 =	stileid.u32  }
0xca: {  	s1 =	rddreg [dreg:$0x1];
	p0 =	sne.s32 s2, $0x0  }
0xcb: {  	s3 =	rddreg [dreg:$0x2];
	[bflag:$0x3] =	sbarrier.arrive $0xFFFF;
	s2 =	simm.s32 @!p0 $0x1C03  }
0xcc: {  	[timem:s3], [sflag:s2] =	dma.local @!p0 [hbm:s0], s1  }
0xcd: {  	s0 =	simm.s32 @!p0 $0x3  }
0xce: {  	_ =	swait.ge @!p0 [sflag:s0], s1  }
0xcf: {  	s1 =	ssub.s32 @!p0 $0x0, s1;
	[sflag:s0] =	ssyncset.done @!p0 $0x0  }
0xd0: {  	[sflag:s0] =	ssyncadd.s32 @!p0 s1  }
0xd1: {  	[bflag:$0x3] =	sbarrier.arrive $0xFFFF  }
0xd2: {  	_ =	shalt  }

// kernel: kernel.18.cloned.1.call-start
scs
__scs_entry_jumppad:
0x0: {  	(pc) =	sbr.rel $0x88, $3  }
0x1: {  	(tag) =	ssettag $0x0;
	lr =	simm.s32 $0x1  }
0x2: {  	[smem:$0x3F94] =	sst lr;
	_ =	strace $0xD0000000  }
0x3: {  	_ = 	snop  }
0x4: {  	_ = 	snop  }
0x5: {  	_ = 	snop  }
0x6: {  	_ = 	snop  }
0x7: {  	_ = 	snop  }
__scs_overlays_trampoline_lowered:
0x8: {  	[smem:$0x3FA3] =	sst s0  }
0x9: {  	[smem:$0x3FA4] =	sst s1  }
0xa: {  	[smem:$0x3FA5] =	sst s2  }
0xb: {  	[smem:$0x3FA6] =	sst s3  }
0xc: {  	[smem:$0x3FA7] =	sst s4  }
0xd: {  	[smem:$0x3FA8] =	sst s5  }
0xe: {  	[smem:$0x3FA9] =	sst s6  }
0xf: {  	[smem:$0x3FAA] =	sst s7  }
0x10: {  	[smem:$0x3FAB] =	sst s8  }
0x11: {  	[smem:$0x3FAC] =	sst s9;
	s0 =	simm.s32 @!p0 $0x0  }
0x12: {  	s1 =	sld [smem:$0x3F92];
	s0 =	simm.s32 @p0 $0x1  }
0x13: {  	[smem:$0x3FAD] =	sst s0;
	s0 =	simm.s32 @!p1 $0x0  }
0x14: {  	s2 =	sld [smem:$0x3F91];
	s0 =	simm.s32 @p1 $0x1  }
0x15: {  	[smem:$0x3FAE] =	sst s0;
	s0 =	simm.s32 @!p2 $0x0  }
0x16: {  	s3 =	sld [smem:$0x3FDB];
	s0 =	simm.s32 @p2 $0x1  }
0x17: {  	s4 =	simm.s32 $0x1BF5;
	[smem:$0x3FB0] =	sst s0  }
0x18: {  	s0 =	sld [smem:$0x3F93];
	_ =	swait.ge [sflag:s4], $0x0  }
0x19: {  	s7 =	sld [smem:$0x3F94]  }
0x1a: {  	s8 =	sadd.s32 $0xFFFFE003, lr  }
0x1b: {  	s9 =	sadd.s32 $0xFFFFFEF7, lr;
	s5 =	simm.s32 $0xFFFFFFFF;
	p2 =	slt.u32 s8, $0xFFFFF086  }
0x1c: {  	p1 =	slt.u32 s9, $0xF7A;
	s5 =	simm.s32 @!p2 $0x0  }
0x1d: {  	s5 =	simm.s32 @p1 $0x1;
	p0 =	seq.s32 s7, s2  }
0x1e: {  	s7 =	smul.u32 @!p0 $0xF7A, s2;
	p2 =	seq.s32 @!p0 s5, $0x0  }
0x1f: {  	s9 =	smul.u32 $0xF7A, s1;
	s8 =	simm.s32 @!p0 $0x1BF5;
	p2 =	por !p2, p0  }
0x20: {  	[sflag:s8] =	ssyncset.s32 @!p0 $0xFFFFF086;
	s6 =	sadd.s32 @!p0 s3, s7;
	s7 =	simm.s32 @!p0 $0x108  }
0x21: {  	s3 =	sadd.s32 s3, s9;
	s6 =	sadd.s32 @!p0 $0x88, s6;
	s7 =	simm.s32 @p2 $0x1082  }
0x22: {  	[simem:s7], [sflag:s8] =	dma.local @!p0 [hbm:s6], $0xF7A  }
0x23: {  	s9 =	sor.u32 $0xD0000000, s2;
	s6 =	simm.s32 $0x108;
	_ =	swait.ge @!p0 [sflag:s8], $0x0  }
0x24: {  	s3 =	sadd.s32 $0x88, s3;
	s6 =	simm.s32 @!p1 $0x1082;
	[sflag:s4] =	ssyncset.s32 $0xFFFFF086  }
0x25: {  	[simem:s6], [sflag:s4] =	dma.local [hbm:s3], $0xF7A  }
0x26: {  	[smem:$0x3F94] =	sst s1;
	(tag) =	ssettag s2;
	_ =	strace s9  }
0x27: {  	s1 =	sld [smem:$0x3FA4]  }
0x28: {  	s2 =	sld [smem:$0x3FA5]  }
0x29: {  	s4 =	sld [smem:$0x3FA7]  }
0x2a: {  	p0 =	seq.s32 s5, $0x0;
	s5 =	sld [smem:$0x3FA8]  }
0x2b: {  	s6 =	sld [smem:$0x3FA9]  }
0x2c: {  	s7 =	sld [smem:$0x3FAA]  }
0x2d: {  	s3 =	simm.s32 $0x108;
	s8 =	sld [smem:$0x3FAB]  }
0x2e: {  	s3 =	simm.s32 @!p0 $0x1082;
	s9 =	sld [smem:$0x3FAC]  }
0x2f: {  	lr =	sadd.s32 s0, s3;
	s0 =	sld [smem:$0x3FA3]  }
0x30: {  	s3 =	sld [smem:$0x3FA6]  }
0x31: {  	[smem:$0x3FAF] =	sst s10  }
0x32: {  	s10 =	sld [smem:$0x3FAD];
	_ =	sdelay $0x3  }
0x33: {  	p0 =	seq.s32 s10, $0x1;
	s10 =	sld [smem:$0x3FAF];
	_ =	sdelay $0x3  }
0x34: {  	[smem:$0x3FAF] =	sst s10  }
0x35: {  	s10 =	sld [smem:$0x3FAE];
	_ =	sdelay $0x3  }
0x36: {  	p1 =	seq.s32 s10, $0x1;
	s10 =	sld [smem:$0x3FAF];
	_ =	sdelay $0x3  }
0x37: {  	[smem:$0x3FAF] =	sst s10  }
0x38: {  	s10 =	sld [smem:$0x3FB0]  }
0x39: {  	_ = 	snop;
	(pc) =	sbr.ind lr, $3  }
0x3a: {  	_ = 	snop  }
0x3b: {  	_ = 	snop  }
0x3c: {  	p2 =	seq.s32 s10, $0x1;
	s10 =	sld [smem:$0x3FAF]  }
0x3d: {  	_ =	shalt  }
0x3e: {  	_ =	shalt  }
0x3f: {  	_ =	shalt  }
0x40: {  	_ =	shalt  }
0x41: {  	_ =	shalt  }
0x42: {  	_ =	shalt  }
0x43: {  	_ =	shalt  }
0x44: {  	_ =	shalt  }
0x45: {  	_ =	shalt  }
0x46: {  	_ =	shalt  }
0x47: {  	_ =	shalt  }
0x48: {  	_ =	shalt  }
0x49: {  	_ =	shalt  }
0x4a: {  	_ =	shalt  }
0x4b: {  	_ =	shalt  }
0x4c: {  	_ =	shalt  }
0x4d: {  	_ =	shalt  }
0x4e: {  	_ =	shalt  }
0x4f: {  	_ =	shalt  }
0x50: {  	_ =	shalt  }
0x51: {  	_ =	shalt  }
0x52: {  	_ =	shalt  }
0x53: {  	_ =	shalt  }
0x54: {  	_ =	shalt  }
0x55: {  	_ =	shalt  }
0x56: {  	_ =	shalt  }
0x57: {  	_ =	shalt  }
0x58: {  	_ =	shalt  }
0x59: {  	_ =	shalt  }
0x5a: {  	_ =	shalt  }
0x5b: {  	_ =	shalt  }
0x5c: {  	_ =	shalt  }
0x5d: {  	_ =	shalt  }
0x5e: {  	_ =	shalt  }
0x5f: {  	_ =	shalt  }
0x60: {  	_ =	shalt  }
0x61: {  	_ =	shalt  }
0x62: {  	_ =	shalt  }
0x63: {  	_ =	shalt  }
0x64: {  	_ =	shalt  }
0x65: {  	_ =	shalt  }
0x66: {  	_ =	shalt  }
0x67: {  	_ =	shalt  }
0x68: {  	_ =	shalt  }
0x69: {  	_ =	shalt  }
0x6a: {  	_ =	shalt  }
0x6b: {  	_ =	shalt  }
0x6c: {  	_ =	shalt  }
0x6d: {  	_ =	shalt  }
0x6e: {  	_ =	shalt  }
0x6f: {  	_ =	shalt  }
0x70: {  	_ =	shalt  }
0x71: {  	_ =	shalt  }
0x72: {  	_ =	shalt  }
0x73: {  	_ =	shalt  }
0x74: {  	_ =	shalt  }
0x75: {  	_ =	shalt  }
0x76: {  	_ =	shalt  }
0x77: {  	_ =	shalt  }
0x78: {  	_ =	shalt  }
0x79: {  	_ =	shalt  }
0x7a: {  	_ =	shalt  }
0x7b: {  	_ =	shalt  }
0x7c: {  	_ =	shalt  }
0x7d: {  	_ =	shalt  }
0x7e: {  	_ =	shalt  }
0x7f: {  	_ =	shalt  }
0x80: {  	_ =	shalt  }
0x81: {  	_ =	shalt  }
0x82: {  	_ =	shalt  }
0x83: {  	_ =	shalt  }
0x84: {  	_ =	shalt  }
0x85: {  	_ =	shalt  }
0x86: {  	_ =	shalt  }
0x87: {  	_ =	shalt  }
.Lfunc_end0:
.L_simem_size_0:
called_computation.2_lowered:
.L_overlay_start_0:
0x88: {  	s2 =	sld [smem:$0x3FD9]  }
0x89: {  	s3 =	sld [smem:$0x3FFE];
	_ =	sdelay $0x1  }
0x8a: {  	s1 =	srdreg.scid  }
0x8b: {  	s0 =	sand.u32 $0x1, s1  }
0x8c: {  	s16 =	sshll.u32 s0, $0xA;
	s2 =	sadd.s32 s3, s2  }
0x8d: {  	s2 =	sadd.s32 s2, s16  }
0x8e: {  	[smem:$0x3FBB] =	sst s2  }
0x8f: {  	_ = 	snop  }
0x90: {  	(tm) =	ssettm $0x1  }
0x91: {  	s17 =	sld [smem:$0x3FFB];
	_ =	sdelay $0x3  }
0x92: {  	_ =	strace s17  }
0x93: {  	s2 =	sld [smem:$0x3FFC];
	_ =	sdelay $0x3  }
0x94: {  	_ =	strace s2  }
0x95: {  	s2 =	sld [smem:$0x3FFD];
	_ =	sdelay $0x3  }
0x96: {  	_ =	strace s2  }
0x97: {  	_ =	strace $0x8FFFFFFF  }
0x98: {  	s18 =	sld [smem:$0x3FDB];
	_ =	sdelay $0x1  }
0x99: {  	s19 =	simm.s32 $_scs_section_size  }
0x9a: {  	s4 =	simm.s32 $_size__tile_overlayer_lowered;
	s5 =	simm.s32 $_tile_overlayer_lowered  }
0x9b: {  	s22 =	simm.s32 $0x1BFF;
	s21 =	sshll.u32 s5, $0x1;
	s2 =	sadd.s32 s19, s18  }
0x9c: {  	s6 =	simm.s32 $0x0;
	s20 =	sshll.u32 s4, $0x1;
	s4 =	sadd.s32 s21, s2  }
0x9d: {  	[timem:s6], [sflag:s22] =	dma.local [hbm:s4], s20  }
0x9e: {  	_ =	swait.ge [sflag:s22], s20  }
0x9f: {  	s3 =	ssub.s32 $0x0, s20;
	[sflag:s22] =	ssyncset.done $0x0  }
0xa0: {  	[sflag:s22] =	ssyncadd.s32 s3;
	_ =	sdelay $0x1  }
0xa1: {  	s23 =	simm.s32 $0x1B8B  }
0xa2: {  	_ =	swait.ge [sflag:s23], $0x1  }
0xa3: {  	[sflag:s23] =	ssyncset.done $0x0  }
0xa4: {  	s25 =	simm.s32 $0x1B8E;
	s24 =	sld [smem:$0x3FFE];
	[sflag:s23] =	ssyncadd.s32 $0xFFFFFFFF  }
0xa5: {  	s26 =	simm.s32 $execute0_lowered;
	[smem:$0x3FD2] =	sst s25  }
0xa6: {  	s4 =	sshll.u32 s26, $0x1;
	_ =	strace $0x8000004C;
	[dreg:$0x1] =	wrdreg $0xFFFFFFFF  }
0xa7: {  	s28 =	simm.s32 $_size_execute0_lowered;
	s2 =	sadd.s32 s2, s4;
	[dreg:$0x0] =	wrdreg $0x0  }
0xa8: {  	s4 =	sshll.u32 s28, $0x1;
	[dreg:$0x2] =	wrdreg s2  }
0xa9: {  	[dreg:$0x3] =	wrdreg s4  }
0xaa: {  	[dreg:$0x4] =	wrdreg $0xC0  }
0xab: {  	_ =	task [dreg:s6], $0x5FFFF  }
0xac: {  	[dreg:$0x1] =	wrdreg $0xFFFFFFFF  }
0xad: {  	[dreg:$0x0] =	wrdreg $0x60  }
0xae: {  	[dreg:$0x2] =	wrdreg s24  }
0xaf: {  	[dreg:$0x3] =	wrdreg $0x0  }
0xb0: {  	[dreg:$0x4] =	wrdreg $0x9  }
0xb1: {  	_ =	task.clear_ibuf [dreg:s6], $0x5FFFF;
	_ =	strace $0x9000004C  }
0xb2: {  	s29 =	simm.s32 $0x9;
	_ =	strace $0x8000004E  }
0xb3: {  	_ =	swait.ge [sflag:s29], $0x1  }
0xb4: {  	[sflag:s29] =	ssyncadd.s32 $0xFFFFFFFF  }
0xb5: {  	_ =	strace $0x9000004E  }
0xb6: {  	_ =	sfence  }
0xb7: {  	s30 =	sld [smem:$0x0];
	_ =	sdelay $0x2  }
0xb8: {  	s31 =	sshll.u32 s1, $0xD;
	s1 =	sshrl.u32 s1, $0x2  }
0xb9: {  	s3 =	sand.u32 $0x4000, s31;
	s1 =	sadd.s32 s1, s30  }
0xba: {  	s0 =	sor.u32 s3, s0;
	s1 =	sshll.u32 s1, $0x11  }
0xbb: {  	s0 =	sor.u32 s1, s0  }
0xbc: {  	s0 =	sadd.s32 $0x8F2B, s0  }
0xbd: {  	[sflag:s0] =	ssyncadd.remote.s32 $0x1  }
0xbe: {  	_ =	sfence.sel $0xFFFF  }
0xbf: {  	[dreg:$0x0] =	wrdreg $0xFFFFFFFF;
	(pc) =	sbr.abs _section_cstart, $3  }
0xc0: {  	[dreg:$0x1] =	wrdreg $0xFFFFFFFF  }
0xc1: {  	_ =	task.clear_ibuf [dreg:s6], $0x2FFFF;
	_ =	strace $0x9FFFFFFF  }
0xc2: {  	(tm) =	ssettm $0x7FFFFFFF  }
0xc3: {  	_ =	shalt  }
tec
execute0_lowered:
.L_overlay_start_1:
0x0: {  	(tag) =	ssettag $0x1  }
0x1: {  	s3 =	rddreg [dreg:$0x0]  }
0x2: {  	s1 =	rddreg [dreg:$0x1];
	s4 =	srdreg.scid;
	s2 =	simm.s32 $0x0  }
0x3: {  	s19 =	simm.s32 $0x64;
	s20 =	simm.s32 $0x15900;
	s21 =	simm.s32 $0x14080  }
0x4: {  	s22 =	simm.s32 $0x18D00;
	s23 =	simm.s32 $0x1;
	s5 =	sand.u32 $0x1, s4  }
0x5: {  	s26 =	simm.s32 $0x0;
	[smem:$0x7FF] =	sst s2;
	s6 =	smul.u32 $0x28000, s5  }
0x6: {  	s4 =	sadd.s32 $0x1CE00, s3;
	s13 =	sadd.s32 $0x10600, s3;
	s14 =	sadd.s32 $0x3800, s3  }
0x7: {  	s28 =	ssub.s32 $0x2, s5;
	s15 =	sadd.s32 s6, s3;
	s3 =	stileid.u32  }
0x8: {  	_ =	strace $0x8000004D;
	s9 =	sshrl.u32 s28, $0x1;
	s8 =	smul.u32 $0x50000, s3  }
0x9: {  	s16 =	ssub.s32 s28, s9;
	s7 =	sshll.u32 s3, $0x1;
	s24 =	smul.u32 $0x2800, s3  }
0xa: {  	s30 =	sshll.u32 s3, $0x6;
	s25 =	sadd.s32 $0x44E00, s15;
	s5 =	sor.u32 s5, s7  }
0xb: {  	s15 =	smax.u32 s16, $0x1;
	s6 =	sor.u32 $0x1C03, s30;
	s7 =	smul.u32 $0x3200, s5  }
0xc: {  	s29 =	sshrl.u32 s8, $0x2;
	s31 =	smul.u32 $0x640, s5;
	s5 =	sadd.s32 s4, s24  }
0xd: {  	s24 =	sadd.s32 s24, s25;
	s25 =	simm.s32 $0x2;
	s17 =	sadd.s32 s29, s1  }
0xe: {  	s18 =	sshrl.u32 s7, $0x3;
	s7 =	sadd.s32 s13, s31;
	s8 =	sadd.s32 s14, s31  }
0xf: {  	s16 =	sshrl.u32 s17, $0x3;
	s17 =	simm.s32 $0x3;
	s10 =	sadd.s32 $0x190, s18  }
0x10: {  	s12 =	sadd.s32 $0x320, s18;
	s18 =	sadd.s32 $0x4B0, s18;
	s9 =	sadd.s32 s13, s10  }
0x11: {  	s10 =	sadd.s32 s14, s10;
	s11 =	sadd.s32 s13, s12;
	s12 =	sadd.s32 s14, s12  }
0x12: {  	s13 =	sadd.s32 s13, s18;
	s14 =	sadd.s32 s14, s18;
	s18 =	simm.s32 $0x14000  }
.LBB2_1:
0x13: {  	[spmem:s16], [sflag:s6] =	dma.local [hbm:s5], $0x2800  }
0x14: {  	_ =	swait.ge [sflag:s17], $0x2800  }
0x15: {  	[sflag:s17] =	ssyncset.done $0x0  }
0x16: {  	[sflag:s17] =	ssyncadd.s32 $0xFFFFD800  }
0x17: {  	[bflag:$0x0] =	sbarrier.arrive $0xFFFF  }
0x18: {  	[tilespmem:s18], [sflag:$0x3] =	stream.linear.gather [hbm4b:s7+s2], $0xC80, $0x38;
	[tilespmem:$0x1F500] =	vst v63  }
0x19: {  	_ =	swait.ge [sflag:s17], $0xC80  }
0x1a: {  	[sflag:s17] =	ssyncset.done $0x0  }
0x1b: {  	s28 =	simm.s32 $0x14C80;
	[sflag:s17] =	ssyncadd.s32 $0xFFFFF380  }
0x1c: {  	[tilespmem:s28], [sflag:$0x3] =	stream.linear.gather [hbm4b:s8+s2], $0xC80, $0x38;
	[tilespmem:$0x1F500] =	vst v63  }
0x1d: {  	_ =	swait.ge [sflag:s17], $0xC80  }
0x1e: {  	[sflag:s17] =	ssyncset.done $0x0  }
0x1f: {  	[sflag:s17] =	ssyncadd.s32 $0xFFFFF380  }
0x20: {  	[tilespmem:s20], [sflag:$0x1] =	stream.indirect.gather [hbm4b:s4+s19], $0x80, s18, s19, $0xb8;
	[tilespmem:$0x1F500] =	vst v63  }
0x21: {  	s29 =	simm.s32 $0x14100;
	s30 =	simm.s32 $0x0  }
0x22: {  	[tilespmem:s22], [sflag:$0x1] =	stream.indirect.gather [hbm4b:s4+s19], $0x80, s21, s19, $0xb8;
	[tilespmem:$0x1F500] =	vst v63  }
.LBB2_2:
0x23: {  	s31 =	smul.u32 $0xAB, s30;
	_ =	sdelay $0x1  }
0x24: {  	s31 =	sshrl.u32 s31, $0x9  }
0x25: {  	s31 =	sand.u32 $0x7F, s31  }
0x26: {  	s31 =	smul.u32 $0x3, s31;
	_ =	sdelay $0x1  }
0x27: {  	s31 =	ssub.s32 s30, s31  }
0x28: {  	s31 =	sand.u32 $0xFF, s31  }
0x29: {  	s31 =	smul.u32 $0xD000, s31  }
0x2a: {  	_ =	swait.ge [sflag:s23], $0x3200  }
0x2b: {  	[sflag:s23] =	ssyncset.done $0x0;
	s31 =	sshrl.u32 s31, $0x2  }
0x2c: {  	p0 =	seq.s32 s30, $0x0;
	[sflag:s23] =	ssyncadd.s32 $0xFFFFCE00;
	s31 =	sadd.s32 $0x15900, s31  }
0x2d: {  	[spmem:s1] =	stream.indirect.scatter.add.f32 [tilespmem:s31], [sflag:$0x2], $0x80, s28, s19, $0xb8;
	[tilespmem:$0x1F500] =	vst v63  }
0x2e: {  	s31 =	simm.s32 @!p0 $0x2  }
0x2f: {  	p1 =	sgt.u32 @!p0 s30, $0x16;
	_ =	swait.ge @!p0 [sflag:s31], $0x3200  }
0x30: {  	p1 =	por p0, !p1;
	[sflag:s31] =	ssyncset.done @!p0 $0x0  }
0x31: {  	[sflag:s31] =	ssyncadd.s32 @!p0 $0xFFFFCE00;
	s31 =	sadd.s32 @p1 $0x2, s30  }
0x32: {  	s0 =	smul.u32 @p1 $0xAB, s31;
	_ =	sdelay $0x1  }
0x33: {  	s0 =	sshrl.u32 @p1 s0, $0x9  }
0x34: {  	s0 =	sand.u32 @p1 $0x7F, s0  }
0x35: {  	s0 =	smul.u32 @p1 $0x3, s0;
	_ =	sdelay $0x1  }
0x36: {  	s0 =	ssub.s32 @p1 s31, s0  }
0x37: {  	s30 =	sadd.s32 $0x1, s30;
	s0 =	sand.u32 @p1 $0xFF, s0  }
0x38: {  	p0 =	sne.s32 s30, $0x19;
	s0 =	smul.u32 @p1 $0xD000, s0  }
.Ltmp0:
0x39: {  	_ = 	snop;
	(pc) =	sbr.rel @p0 .LBB2_2-.Ltmp0, $4  }
0x3a: {  	s0 =	sshrl.u32 @p1 s0, $0x2  }
0x3b: {  	s0 =	sadd.s32 @p1 $0x15900, s0  }
0x3c: {  	[tilespmem:s0], [sflag:$0x1] =	stream.indirect.gather @p1 [hbm4b:s4+s19], $0x80, s29, s19, $0xb8;
	[tilespmem:$0x1F500] =	vst v63  }
0x3d: {  	s28 =	sadd.s32 $0x80, s28;
	s29 =	sadd.s32 $0x80, s29  }
0x3e: {  	_ =	swait.ge [sflag:s25], $0x3200  }
0x3f: {  	[sflag:s25] =	ssyncset.done $0x0  }
0x40: {  	s28 =	simm.s32 $0x0;
	[sflag:s25] =	ssyncadd.s32 $0xFFFFCE00  }
0x41: {  	[tilespmem:s18], [sflag:$0x3] =	stream.linear.gather [hbm4b:s9+s28], $0xC80, $0x38;
	[tilespmem:$0x1F500] =	vst v63  }
0x42: {  	_ =	swait.ge [sflag:s17], $0xC80  }
0x43: {  	[sflag:s17] =	ssyncset.done $0x0  }
0x44: {  	s29 =	simm.s32 $0x14C80;
	[sflag:s17] =	ssyncadd.s32 $0xFFFFF380  }
0x45: {  	[tilespmem:s29], [sflag:$0x3] =	stream.linear.gather [hbm4b:s10+s28], $0xC80, $0x38;
	[tilespmem:$0x1F500] =	vst v63  }
0x46: {  	_ =	swait.ge [sflag:s17], $0xC80  }
0x47: {  	[sflag:s17] =	ssyncset.done $0x0  }
0x48: {  	[sflag:s17] =	ssyncadd.s32 $0xFFFFF380  }
0x49: {  	[tilespmem:s20], [sflag:$0x1] =	stream.indirect.gather [hbm4b:s4+s19], $0x80, s18, s19, $0xb8;
	[tilespmem:$0x1F500] =	vst v63  }
0x4a: {  	s30 =	simm.s32 $0x14100  }
0x4b: {  	[tilespmem:s22], [sflag:$0x1] =	stream.indirect.gather [hbm4b:s4+s19], $0x80, s21, s19, $0xb8;
	[tilespmem:$0x1F500] =	vst v63  }
.LBB2_4:
0x4c: {  	s0 =	smul.u32 $0xAB, s28;
	_ =	sdelay $0x1  }
0x4d: {  	s0 =	sshrl.u32 s0, $0x9  }
0x4e: {  	s0 =	sand.u32 $0x7F, s0  }
0x4f: {  	s0 =	smul.u32 $0x3, s0;
	_ =	sdelay $0x1  }
0x50: {  	s0 =	ssub.s32 s28, s0  }
0x51: {  	s0 =	sand.u32 $0xFF, s0  }
0x52: {  	s0 =	smul.u32 $0xD000, s0  }
0x53: {  	_ =	swait.ge [sflag:s23], $0x3200  }
0x54: {  	[sflag:s23] =	ssyncset.done $0x0;
	s0 =	sshrl.u32 s0, $0x2  }
0x55: {  	p0 =	seq.s32 s28, $0x0;
	[sflag:s23] =	ssyncadd.s32 $0xFFFFCE00;
	s0 =	sadd.s32 $0x15900, s0  }
0x56: {  	[spmem:s1] =	stream.indirect.scatter.add.f32 [tilespmem:s0], [sflag:$0x2], $0x80, s29, s19, $0xb8;
	[tilespmem:$0x1F500] =	vst v63  }
0x57: {  	s0 =	simm.s32 @!p0 $0x2  }
0x58: {  	p1 =	sgt.u32 @!p0 s28, $0x16;
	_ =	swait.ge @!p0 [sflag:s0], $0x3200  }
0x59: {  	p1 =	por p0, !p1;
	[sflag:s0] =	ssyncset.done @!p0 $0x0  }
0x5a: {  	[sflag:s0] =	ssyncadd.s32 @!p0 $0xFFFFCE00;
	s0 =	sadd.s32 @p1 $0x2, s28  }
0x5b: {  	s31 =	smul.u32 @p1 $0xAB, s0;
	_ =	sdelay $0x1  }
0x5c: {  	s31 =	sshrl.u32 @p1 s31, $0x9  }
0x5d: {  	s31 =	sand.u32 @p1 $0x7F, s31  }
0x5e: {  	s31 =	smul.u32 @p1 $0x3, s31;
	_ =	sdelay $0x1  }
0x5f: {  	s0 =	ssub.s32 @p1 s0, s31  }
0x60: {  	s28 =	sadd.s32 $0x1, s28;
	s0 =	sand.u32 @p1 $0xFF, s0  }
0x61: {  	p0 =	sne.s32 s28, $0x19;
	s0 =	smul.u32 @p1 $0xD000, s0  }
.Ltmp1:
0x62: {  	_ = 	snop;
	(pc) =	sbr.rel @p0 .LBB2_4-.Ltmp1, $4  }
0x63: {  	s0 =	sshrl.u32 @p1 s0, $0x2  }
0x64: {  	s0 =	sadd.s32 @p1 $0x15900, s0  }
0x65: {  	[tilespmem:s0], [sflag:$0x1] =	stream.indirect.gather @p1 [hbm4b:s4+s19], $0x80, s30, s19, $0xb8;
	[tilespmem:$0x1F500] =	vst v63  }
0x66: {  	s29 =	sadd.s32 $0x80, s29;
	s30 =	sadd.s32 $0x80, s30  }
0x67: {  	_ =	swait.ge [sflag:s25], $0x3200  }
0x68: {  	[sflag:s25] =	ssyncset.done $0x0  }
0x69: {  	s28 =	simm.s32 $0x0;
	[sflag:s25] =	ssyncadd.s32 $0xFFFFCE00  }
0x6a: {  	[tilespmem:s18], [sflag:$0x3] =	stream.linear.gather [hbm4b:s11+s28], $0xC80, $0x38;
	[tilespmem:$0x1F500] =	vst v63  }
0x6b: {  	_ =	swait.ge [sflag:s17], $0xC80  }
0x6c: {  	[sflag:s17] =	ssyncset.done $0x0  }
0x6d: {  	s29 =	simm.s32 $0x14C80;
	[sflag:s17] =	ssyncadd.s32 $0xFFFFF380  }
0x6e: {  	[tilespmem:s29], [sflag:$0x3] =	stream.linear.gather [hbm4b:s12+s28], $0xC80, $0x38;
	[tilespmem:$0x1F500] =	vst v63  }
0x6f: {  	_ =	swait.ge [sflag:s17], $0xC80  }
0x70: {  	[sflag:s17] =	ssyncset.done $0x0  }
0x71: {  	[sflag:s17] =	ssyncadd.s32 $0xFFFFF380  }
0x72: {  	[tilespmem:s20], [sflag:$0x1] =	stream.indirect.gather [hbm4b:s4+s19], $0x80, s18, s19, $0xb8;
	[tilespmem:$0x1F500] =	vst v63  }
0x73: {  	s30 =	simm.s32 $0x14100  }
0x74: {  	[tilespmem:s22], [sflag:$0x1] =	stream.indirect.gather [hbm4b:s4+s19], $0x80, s21, s19, $0xb8;
	[tilespmem:$0x1F500] =	vst v63  }
.LBB2_6:
0x75: {  	s0 =	smul.u32 $0xAB, s28;
	_ =	sdelay $0x1  }
0x76: {  	s0 =	sshrl.u32 s0, $0x9  }
0x77: {  	s0 =	sand.u32 $0x7F, s0  }
0x78: {  	s0 =	smul.u32 $0x3, s0;
	_ =	sdelay $0x1  }
0x79: {  	s0 =	ssub.s32 s28, s0  }
0x7a: {  	s0 =	sand.u32 $0xFF, s0  }
0x7b: {  	s0 =	smul.u32 $0xD000, s0  }
0x7c: {  	_ =	swait.ge [sflag:s23], $0x3200  }
0x7d: {  	[sflag:s23] =	ssyncset.done $0x0;
	s0 =	sshrl.u32 s0, $0x2  }
0x7e: {  	p0 =	seq.s32 s28, $0x0;
	[sflag:s23] =	ssyncadd.s32 $0xFFFFCE00;
	s0 =	sadd.s32 $0x15900, s0  }
0x7f: {  	[spmem:s1] =	stream.indirect.scatter.add.f32 [tilespmem:s0], [sflag:$0x2], $0x80, s29, s19, $0xb8;
	[tilespmem:$0x1F500] =	vst v63  }
0x80: {  	s0 =	simm.s32 @!p0 $0x2  }
0x81: {  	p1 =	sgt.u32 @!p0 s28, $0x16;
	_ =	swait.ge @!p0 [sflag:s0], $0x3200  }
0x82: {  	p1 =	por p0, !p1;
	[sflag:s0] =	ssyncset.done @!p0 $0x0  }
0x83: {  	[sflag:s0] =	ssyncadd.s32 @!p0 $0xFFFFCE00;
	s0 =	sadd.s32 @p1 $0x2, s28  }
0x84: {  	s31 =	smul.u32 @p1 $0xAB, s0;
	_ =	sdelay $0x1  }
0x85: {  	s31 =	sshrl.u32 @p1 s31, $0x9  }
0x86: {  	s31 =	sand.u32 @p1 $0x7F, s31  }
0x87: {  	s31 =	smul.u32 @p1 $0x3, s31;
	_ =	sdelay $0x1  }
0x88: {  	s0 =	ssub.s32 @p1 s0, s31  }
0x89: {  	s28 =	sadd.s32 $0x1, s28;
	s0 =	sand.u32 @p1 $0xFF, s0  }
0x8a: {  	p0 =	sne.s32 s28, $0x19;
	s0 =	smul.u32 @p1 $0xD000, s0  }
.Ltmp2:
0x8b: {  	_ = 	snop;
	(pc) =	sbr.rel @p0 .LBB2_6-.Ltmp2, $4  }
0x8c: {  	s0 =	sshrl.u32 @p1 s0, $0x2  }
0x8d: {  	s0 =	sadd.s32 @p1 $0x15900, s0  }
0x8e: {  	[tilespmem:s0], [sflag:$0x1] =	stream.indirect.gather @p1 [hbm4b:s4+s19], $0x80, s30, s19, $0xb8;
	[tilespmem:$0x1F500] =	vst v63  }
0x8f: {  	s29 =	sadd.s32 $0x80, s29;
	s30 =	sadd.s32 $0x80, s30  }
0x90: {  	_ =	swait.ge [sflag:s25], $0x3200  }
0x91: {  	[sflag:s25] =	ssyncset.done $0x0  }
0x92: {  	s28 =	simm.s32 $0x0;
	[sflag:s25] =	ssyncadd.s32 $0xFFFFCE00  }
0x93: {  	[tilespmem:s18], [sflag:$0x3] =	stream.linear.gather [hbm4b:s13+s28], $0xC80, $0x38;
	[tilespmem:$0x1F500] =	vst v63  }
0x94: {  	_ =	swait.ge [sflag:s17], $0xC80  }
0x95: {  	[sflag:s17] =	ssyncset.done $0x0  }
0x96: {  	s29 =	simm.s32 $0x14C80;
	[sflag:s17] =	ssyncadd.s32 $0xFFFFF380  }
0x97: {  	[tilespmem:s29], [sflag:$0x3] =	stream.linear.gather [hbm4b:s14+s28], $0xC80, $0x38;
	[tilespmem:$0x1F500] =	vst v63  }
0x98: {  	_ =	swait.ge [sflag:s17], $0xC80  }
0x99: {  	[sflag:s17] =	ssyncset.done $0x0  }
0x9a: {  	[sflag:s17] =	ssyncadd.s32 $0xFFFFF380  }
0x9b: {  	[tilespmem:s20], [sflag:$0x1] =	stream.indirect.gather [hbm4b:s4+s19], $0x80, s18, s19, $0xb8;
	[tilespmem:$0x1F500] =	vst v63  }
0x9c: {  	s30 =	simm.s32 $0x14100  }
0x9d: {  	[tilespmem:s22], [sflag:$0x1] =	stream.indirect.gather [hbm4b:s4+s19], $0x80, s21, s19, $0xb8;
	[tilespmem:$0x1F500] =	vst v63  }
.LBB2_8:
0x9e: {  	s0 =	smul.u32 $0xAB, s28;
	_ =	sdelay $0x1  }
0x9f: {  	s0 =	sshrl.u32 s0, $0x9  }
0xa0: {  	s0 =	sand.u32 $0x7F, s0  }
0xa1: {  	s0 =	smul.u32 $0x3, s0;
	_ =	sdelay $0x1  }
0xa2: {  	s0 =	ssub.s32 s28, s0  }
0xa3: {  	s0 =	sand.u32 $0xFF, s0  }
0xa4: {  	s0 =	smul.u32 $0xD000, s0  }
0xa5: {  	_ =	swait.ge [sflag:s23], $0x3200  }
0xa6: {  	[sflag:s23] =	ssyncset.done $0x0;
	s0 =	sshrl.u32 s0, $0x2  }
0xa7: {  	p0 =	seq.s32 s28, $0x0;
	[sflag:s23] =	ssyncadd.s32 $0xFFFFCE00;
	s0 =	sadd.s32 $0x15900, s0  }
0xa8: {  	[spmem:s1] =	stream.indirect.scatter.add.f32 [tilespmem:s0], [sflag:$0x2], $0x80, s29, s19, $0xb8;
	[tilespmem:$0x1F500] =	vst v63  }
0xa9: {  	s0 =	simm.s32 @!p0 $0x2  }
0xaa: {  	p1 =	sgt.u32 @!p0 s28, $0x16;
	_ =	swait.ge @!p0 [sflag:s0], $0x3200  }
0xab: {  	p1 =	por p0, !p1;
	[sflag:s0] =	ssyncset.done @!p0 $0x0  }
0xac: {  	[sflag:s0] =	ssyncadd.s32 @!p0 $0xFFFFCE00;
	s0 =	sadd.s32 @p1 $0x2, s28  }
0xad: {  	s31 =	smul.u32 @p1 $0xAB, s0;
	_ =	sdelay $0x1  }
0xae: {  	s31 =	sshrl.u32 @p1 s31, $0x9  }
0xaf: {  	s31 =	sand.u32 @p1 $0x7F, s31  }
0xb0: {  	s31 =	smul.u32 @p1 $0x3, s31;
	_ =	sdelay $0x1  }
0xb1: {  	s0 =	ssub.s32 @p1 s0, s31  }
0xb2: {  	s28 =	sadd.s32 $0x1, s28;
	s0 =	sand.u32 @p1 $0xFF, s0  }
0xb3: {  	p0 =	sne.s32 s28, $0x19;
	s0 =	smul.u32 @p1 $0xD000, s0  }
.Ltmp3:
0xb4: {  	_ = 	snop;
	(pc) =	sbr.rel @p0 .LBB2_8-.Ltmp3, $4  }
0xb5: {  	s0 =	sshrl.u32 @p1 s0, $0x2  }
0xb6: {  	s0 =	sadd.s32 @p1 $0x15900, s0  }
0xb7: {  	[tilespmem:s0], [sflag:$0x1] =	stream.indirect.gather @p1 [hbm4b:s4+s19], $0x80, s30, s19, $0xb8;
	[tilespmem:$0x1F500] =	vst v63  }
0xb8: {  	s29 =	sadd.s32 $0x80, s29;
	s30 =	sadd.s32 $0x80, s30  }
0xb9: {  	_ =	swait.ge [sflag:s25], $0x3200  }
0xba: {  	s26 =	sadd.s32 $0x1, s26;
	[sflag:s25] =	ssyncset.done $0x0  }
0xbb: {  	p0 =	sne.s32 s26, s15;
	[sflag:s25] =	ssyncadd.s32 $0xFFFFCE00  }
.Ltmp4:
0xbc: {  	[bflag:$0x0] =	sbarrier.arrive $0xFFFF;
	(pc) =	sbr.rel @p0 .LBB2_1-.Ltmp4, $4  }
0xbd: {  	[hbm:s24], [sflag:s6] =	dma.local [spmem:s16], $0x2800  }
0xbe: {  	_ =	swait.ge [sflag:s17], $0x2800  }
0xbf: {  	[sflag:s17] =	ssyncset.done $0x0  }
0xc0: {  	[sflag:s17] =	ssyncadd.s32 $0xFFFFD800  }
0xc1: {  	_ =	sfence.sel $0x180000  }
0xc2: {  	[bflag:$0x0] =	sbarrier.arrive $0xFFFF  }
0xc3: {  	_ =	strace $0x9000004D  }
0xc4: {  	[bflag:$0x2] =	sbarrier.arrive $0xFFFF  }
0xc5: {  	p0 =	sne.s32 s3, $0x0;
	s0 =	rddreg [dreg:$0x2]  }
0xc6: {  	s0 =	sadd.s32 @!p0 $0x100000, s0  }
0xc7: {  	[sflag:s0] =	ssyncadd.tile.s32 @!p0 $0x1;
	_ =	shalt  }
.Lfunc_end2:
_tile_overlayer_lowered:
.L_overlay_start_2:
0xc8: {  	(tag) =	ssettag $0x2  }
0xc9: {  	s0 =	rddreg [dreg:$0x0];
	s2 =	stileid.u32  }
0xca: {  	s1 =	rddreg [dreg:$0x1];
	p0 =	sne.s32 s2, $0x0  }
0xcb: {  	s3 =	rddreg [dreg:$0x2];
	[bflag:$0x3] =	sbarrier.arrive $0xFFFF;
	s2 =	simm.s32 @!p0 $0x1C03  }
0xcc: {  	[timem:s3], [sflag:s2] =	dma.local @!p0 [hbm:s0], s1  }
0xcd: {  	s0 =	simm.s32 @!p0 $0x3  }
0xce: {  	_ =	swait.ge @!p0 [sflag:s0], s1  }
0xcf: {  	s1 =	ssub.s32 @!p0 $0x0, s1;
	[sflag:s0] =	ssyncset.done @!p0 $0x0  }
0xd0: {  	[sflag:s0] =	ssyncadd.s32 @!p0 s1  }
0xd1: {  	[bflag:$0x3] =	sbarrier.arrive $0xFFFF  }
0xd2: {  	_ =	shalt  }

// kernel: kernel.21.cloned.1.call-start
scs
__scs_entry_jumppad:
0x0: {  	(pc) =	sbr.rel $0x88, $3  }
0x1: {  	(tag) =	ssettag $0x0;
	lr =	simm.s32 $0x1  }
0x2: {  	[smem:$0x3F94] =	sst lr;
	_ =	strace $0xD0000000  }
0x3: {  	_ = 	snop  }
0x4: {  	_ = 	snop  }
0x5: {  	_ = 	snop  }
0x6: {  	_ = 	snop  }
0x7: {  	_ = 	snop  }
__scs_overlays_trampoline_lowered:
0x8: {  	[smem:$0x3FA3] =	sst s0  }
0x9: {  	[smem:$0x3FA4] =	sst s1  }
0xa: {  	[smem:$0x3FA5] =	sst s2  }
0xb: {  	[smem:$0x3FA6] =	sst s3  }
0xc: {  	[smem:$0x3FA7] =	sst s4  }
0xd: {  	[smem:$0x3FA8] =	sst s5  }
0xe: {  	[smem:$0x3FA9] =	sst s6  }
0xf: {  	[smem:$0x3FAA] =	sst s7  }
0x10: {  	[smem:$0x3FAB] =	sst s8  }
0x11: {  	[smem:$0x3FAC] =	sst s9;
	s0 =	simm.s32 @!p0 $0x0  }
0x12: {  	s1 =	sld [smem:$0x3F92];
	s0 =	simm.s32 @p0 $0x1  }
0x13: {  	[smem:$0x3FAD] =	sst s0;
	s0 =	simm.s32 @!p1 $0x0  }
0x14: {  	s2 =	sld [smem:$0x3F91];
	s0 =	simm.s32 @p1 $0x1  }
0x15: {  	[smem:$0x3FAE] =	sst s0;
	s0 =	simm.s32 @!p2 $0x0  }
0x16: {  	s3 =	sld [smem:$0x3FDB];
	s0 =	simm.s32 @p2 $0x1  }
0x17: {  	s4 =	simm.s32 $0x1BF5;
	[smem:$0x3FB0] =	sst s0  }
0x18: {  	s0 =	sld [smem:$0x3F93];
	_ =	swait.ge [sflag:s4], $0x0  }
0x19: {  	s7 =	sld [smem:$0x3F94]  }
0x1a: {  	s8 =	sadd.s32 $0xFFFFE003, lr  }
0x1b: {  	s9 =	sadd.s32 $0xFFFFFEF7, lr;
	s5 =	simm.s32 $0xFFFFFFFF;
	p2 =	slt.u32 s8, $0xFFFFF086  }
0x1c: {  	p1 =	slt.u32 s9, $0xF7A;
	s5 =	simm.s32 @!p2 $0x0  }
0x1d: {  	s5 =	simm.s32 @p1 $0x1;
	p0 =	seq.s32 s7, s2  }
0x1e: {  	s7 =	smul.u32 @!p0 $0xF7A, s2;
	p2 =	seq.s32 @!p0 s5, $0x0  }
0x1f: {  	s9 =	smul.u32 $0xF7A, s1;
	s8 =	simm.s32 @!p0 $0x1BF5;
	p2 =	por !p2, p0  }
0x20: {  	[sflag:s8] =	ssyncset.s32 @!p0 $0xFFFFF086;
	s6 =	sadd.s32 @!p0 s3, s7;
	s7 =	simm.s32 @!p0 $0x108  }
0x21: {  	s3 =	sadd.s32 s3, s9;
	s6 =	sadd.s32 @!p0 $0x88, s6;
	s7 =	simm.s32 @p2 $0x1082  }
0x22: {  	[simem:s7], [sflag:s8] =	dma.local @!p0 [hbm:s6], $0xF7A  }
0x23: {  	s9 =	sor.u32 $0xD0000000, s2;
	s6 =	simm.s32 $0x108;
	_ =	swait.ge @!p0 [sflag:s8], $0x0  }
0x24: {  	s3 =	sadd.s32 $0x88, s3;
	s6 =	simm.s32 @!p1 $0x1082;
	[sflag:s4] =	ssyncset.s32 $0xFFFFF086  }
0x25: {  	[simem:s6], [sflag:s4] =	dma.local [hbm:s3], $0xF7A  }
0x26: {  	[smem:$0x3F94] =	sst s1;
	(tag) =	ssettag s2;
	_ =	strace s9  }
0x27: {  	s1 =	sld [smem:$0x3FA4]  }
0x28: {  	s2 =	sld [smem:$0x3FA5]  }
0x29: {  	s4 =	sld [smem:$0x3FA7]  }
0x2a: {  	p0 =	seq.s32 s5, $0x0;
	s5 =	sld [smem:$0x3FA8]  }
0x2b: {  	s6 =	sld [smem:$0x3FA9]  }
0x2c: {  	s7 =	sld [smem:$0x3FAA]  }
0x2d: {  	s3 =	simm.s32 $0x108;
	s8 =	sld [smem:$0x3FAB]  }
0x2e: {  	s3 =	simm.s32 @!p0 $0x1082;
	s9 =	sld [smem:$0x3FAC]  }
0x2f: {  	lr =	sadd.s32 s0, s3;
	s0 =	sld [smem:$0x3FA3]  }
0x30: {  	s3 =	sld [smem:$0x3FA6]  }
0x31: {  	[smem:$0x3FAF] =	sst s10  }
0x32: {  	s10 =	sld [smem:$0x3FAD];
	_ =	sdelay $0x3  }
0x33: {  	p0 =	seq.s32 s10, $0x1;
	s10 =	sld [smem:$0x3FAF];
	_ =	sdelay $0x3  }
0x34: {  	[smem:$0x3FAF] =	sst s10  }
0x35: {  	s10 =	sld [smem:$0x3FAE];
	_ =	sdelay $0x3  }
0x36: {  	p1 =	seq.s32 s10, $0x1;
	s10 =	sld [smem:$0x3FAF];
	_ =	sdelay $0x3  }
0x37: {  	[smem:$0x3FAF] =	sst s10  }
0x38: {  	s10 =	sld [smem:$0x3FB0]  }
0x39: {  	_ = 	snop;
	(pc) =	sbr.ind lr, $3  }
0x3a: {  	_ = 	snop  }
0x3b: {  	_ = 	snop  }
0x3c: {  	p2 =	seq.s32 s10, $0x1;
	s10 =	sld [smem:$0x3FAF]  }
0x3d: {  	_ =	shalt  }
0x3e: {  	_ =	shalt  }
0x3f: {  	_ =	shalt  }
0x40: {  	_ =	shalt  }
0x41: {  	_ =	shalt  }
0x42: {  	_ =	shalt  }
0x43: {  	_ =	shalt  }
0x44: {  	_ =	shalt  }
0x45: {  	_ =	shalt  }
0x46: {  	_ =	shalt  }
0x47: {  	_ =	shalt  }
0x48: {  	_ =	shalt  }
0x49: {  	_ =	shalt  }
0x4a: {  	_ =	shalt  }
0x4b: {  	_ =	shalt  }
0x4c: {  	_ =	shalt  }
0x4d: {  	_ =	shalt  }
0x4e: {  	_ =	shalt  }
0x4f: {  	_ =	shalt  }
0x50: {  	_ =	shalt  }
0x51: {  	_ =	shalt  }
0x52: {  	_ =	shalt  }
0x53: {  	_ =	shalt  }
0x54: {  	_ =	shalt  }
0x55: {  	_ =	shalt  }
0x56: {  	_ =	shalt  }
0x57: {  	_ =	shalt  }
0x58: {  	_ =	shalt  }
0x59: {  	_ =	shalt  }
0x5a: {  	_ =	shalt  }
0x5b: {  	_ =	shalt  }
0x5c: {  	_ =	shalt  }
0x5d: {  	_ =	shalt  }
0x5e: {  	_ =	shalt  }
0x5f: {  	_ =	shalt  }
0x60: {  	_ =	shalt  }
0x61: {  	_ =	shalt  }
0x62: {  	_ =	shalt  }
0x63: {  	_ =	shalt  }
0x64: {  	_ =	shalt  }
0x65: {  	_ =	shalt  }
0x66: {  	_ =	shalt  }
0x67: {  	_ =	shalt  }
0x68: {  	_ =	shalt  }
0x69: {  	_ =	shalt  }
0x6a: {  	_ =	shalt  }
0x6b: {  	_ =	shalt  }
0x6c: {  	_ =	shalt  }
0x6d: {  	_ =	shalt  }
0x6e: {  	_ =	shalt  }
0x6f: {  	_ =	shalt  }
0x70: {  	_ =	shalt  }
0x71: {  	_ =	shalt  }
0x72: {  	_ =	shalt  }
0x73: {  	_ =	shalt  }
0x74: {  	_ =	shalt  }
0x75: {  	_ =	shalt  }
0x76: {  	_ =	shalt  }
0x77: {  	_ =	shalt  }
0x78: {  	_ =	shalt  }
0x79: {  	_ =	shalt  }
0x7a: {  	_ =	shalt  }
0x7b: {  	_ =	shalt  }
0x7c: {  	_ =	shalt  }
0x7d: {  	_ =	shalt  }
0x7e: {  	_ =	shalt  }
0x7f: {  	_ =	shalt  }
0x80: {  	_ =	shalt  }
0x81: {  	_ =	shalt  }
0x82: {  	_ =	shalt  }
0x83: {  	_ =	shalt  }
0x84: {  	_ =	shalt  }
0x85: {  	_ =	shalt  }
0x86: {  	_ =	shalt  }
0x87: {  	_ =	shalt  }
.Lfunc_end0:
.L_simem_size_0:
called_computation.3_lowered:
.L_overlay_start_0:
0x88: {  	s2 =	sld [smem:$0x3FD9]  }
0x89: {  	s3 =	sld [smem:$0x3FFE];
	_ =	sdelay $0x1  }
0x8a: {  	s1 =	srdreg.scid  }
0x8b: {  	s0 =	sand.u32 $0x1, s1  }
0x8c: {  	s17 =	sshll.u32 s0, $0xA;
	s2 =	sadd.s32 s3, s2  }
0x8d: {  	s2 =	sadd.s32 s2, s17  }
0x8e: {  	[smem:$0x3FBB] =	sst s2  }
0x8f: {  	_ = 	snop  }
0x90: {  	s2 =	sld [smem:$0x3FD0];
	(tm) =	ssettm $0x1  }
0x91: {  	s18 =	sld [smem:$0x3FFB];
	_ =	sdelay $0x3  }
0x92: {  	_ =	strace s18  }
0x93: {  	s3 =	sld [smem:$0x3FFC];
	_ =	sdelay $0x3  }
0x94: {  	_ =	strace s3  }
0x95: {  	s3 =	sld [smem:$0x3FFD];
	_ =	sdelay $0x3  }
0x96: {  	_ =	strace s3  }
0x97: {  	_ =	strace $0x8FFFFFFF  }
0x98: {  	s19 =	sld [smem:$0x3FDB];
	_ =	sdelay $0x1  }
0x99: {  	s4 =	simm.s32 $_scs_section_size  }
0x9a: {  	s5 =	simm.s32 $_size__tile_overlayer_lowered;
	s6 =	simm.s32 $_tile_overlayer_lowered  }
0x9b: {  	s22 =	simm.s32 $0x1BFF;
	s21 =	sshll.u32 s6, $0x1;
	s3 =	sadd.s32 s4, s19  }
0x9c: {  	s7 =	simm.s32 $0x0;
	s20 =	sshll.u32 s5, $0x1;
	s5 =	sadd.s32 s21, s3  }
0x9d: {  	[timem:s7], [sflag:s22] =	dma.local [hbm:s5], s20  }
0x9e: {  	_ =	swait.ge [sflag:s22], s20  }
0x9f: {  	s4 =	ssub.s32 $0x0, s20;
	[sflag:s22] =	ssyncset.done $0x0  }
0xa0: {  	[sflag:s22] =	ssyncadd.s32 s4;
	_ =	sdelay $0x1  }
0xa1: {  	s23 =	simm.s32 $0x1B8B  }
0xa2: {  	_ =	swait.ge [sflag:s23], $0x1  }
0xa3: {  	[sflag:s23] =	ssyncset.done $0x0  }
0xa4: {  	s25 =	simm.s32 $0x1B8E;
	s24 =	sld [smem:$0x3FFE];
	[sflag:s23] =	ssyncadd.s32 $0xFFFFFFFF  }
0xa5: {  	s26 =	simm.s32 $execute0_lowered;
	[smem:$0x3FD2] =	sst s25  }
0xa6: {  	s5 =	sshll.u32 s26, $0x1;
	_ =	strace $0x8000004F;
	[dreg:$0x1] =	wrdreg $0xFFFFFFFF  }
0xa7: {  	s28 =	simm.s32 $_size_execute0_lowered;
	s3 =	sadd.s32 s3, s5;
	[dreg:$0x0] =	wrdreg $0x0  }
0xa8: {  	s5 =	sshll.u32 s28, $0x1;
	[dreg:$0x2] =	wrdreg s3  }
0xa9: {  	[dreg:$0x3] =	wrdreg s5  }
0xaa: {  	[dreg:$0x4] =	wrdreg $0xC0  }
0xab: {  	_ =	task [dreg:s7], $0x5FFFF  }
0xac: {  	[dreg:$0x1] =	wrdreg $0xFFFFFFFF  }
0xad: {  	[dreg:$0x0] =	wrdreg $0x60  }
0xae: {  	[dreg:$0x2] =	wrdreg s24  }
0xaf: {  	[dreg:$0x3] =	wrdreg s2  }
0xb0: {  	[dreg:$0x4] =	wrdreg $0x9  }
0xb1: {  	_ =	task.clear_ibuf [dreg:s7], $0x5FFFF;
	_ =	strace $0x9000004F  }
0xb2: {  	s29 =	simm.s32 $0x9;
	_ =	strace $0x80000051  }
0xb3: {  	_ =	swait.ge [sflag:s29], $0x1  }
0xb4: {  	[sflag:s29] =	ssyncadd.s32 $0xFFFFFFFF  }
0xb5: {  	_ =	strace $0x90000051  }
0xb6: {  	_ =	sfence  }
0xb7: {  	s30 =	sld [smem:$0x0];
	_ =	sdelay $0x2  }
0xb8: {  	s31 =	sshll.u32 s1, $0xD;
	s1 =	sshrl.u32 s1, $0x2  }
0xb9: {  	s3 =	sand.u32 $0x4000, s31;
	s1 =	sadd.s32 s1, s30  }
0xba: {  	s0 =	sor.u32 s3, s0;
	s1 =	sshll.u32 s1, $0x11  }
0xbb: {  	s0 =	sor.u32 s1, s0  }
0xbc: {  	s0 =	sadd.s32 $0x8F2B, s0  }
0xbd: {  	[sflag:s0] =	ssyncadd.remote.s32 $0x1  }
0xbe: {  	_ =	sfence.sel $0xFFFF  }
0xbf: {  	[dreg:$0x0] =	wrdreg $0xFFFFFFFF;
	(pc) =	sbr.abs _section_cstart, $3  }
0xc0: {  	[dreg:$0x1] =	wrdreg $0xFFFFFFFF  }
0xc1: {  	_ =	task.clear_ibuf [dreg:s7], $0x2FFFF;
	_ =	strace $0x9FFFFFFF  }
0xc2: {  	(tm) =	ssettm $0x7FFFFFFF  }
0xc3: {  	_ =	shalt  }
tec
execute0_lowered:
.L_overlay_start_1:
0x0: {  	(tag) =	ssettag $0x1  }
0x1: {  	s5 =	rddreg [dreg:$0x0];
	s1 =	srdreg.scid  }
0x2: {  	s0 =	stileid.u32;
	s8 =	rddreg [dreg:$0x1];
	s2 =	simm.s32 $0x0  }
0x3: {  	s12 =	simm.s32 $0x5000;
	s13 =	simm.s32 $0x8200;
	s14 =	simm.s32 $0xB400  }
0x4: {  	s15 =	simm.s32 $0xDB80;
	s3 =	sand.u32 $0x1, s1;
	s4 =	sshll.u32 s0, $0x1  }
0x5: {  	s16 =	simm.s32 $0x0;
	s1 =	rddreg [dreg:$0x2];
	s4 =	sor.u32 s3, s4  }
0x6: {  	[smem:$0x7FF] =	sst s2;
	s7 =	ssub.s32 $0x2, s3;
	s6 =	smul.u32 $0x640, s4  }
0x7: {  	_ =	strace $0x80000050;
	s9 =	smul.u32 $0x4E2, s4;
	s10 =	sshrl.u32 s7, $0x1  }
0x8: {  	s3 =	sadd.s32 $0x1D400, s5;
	s4 =	sadd.s32 $0x1CE00, s5;
	s10 =	ssub.s32 s7, s10  }
0x9: {  	s6 =	sadd.s32 s6, s5;
	s11 =	sadd.s32 s9, s5;
	s8 =	sadd.s32 s8, s9  }
0xa: {  	s9 =	smax.u32 s10, $0x1;
	s10 =	simm.s32 $0x1;
	s5 =	sadd.s32 $0x10600, s6  }
0xb: {  	s6 =	sadd.s32 $0x3800, s6;
	s7 =	sadd.s32 $0x94E00, s11;
	s11 =	simm.s32 $0x2800  }
.LBB2_1:
0xc: {  	[tilespmem:s2], [sflag:$0x1] =	stream.linear.gather [hbm4b:s3+s2], $0x2800, $0x38;
	[tilespmem:$0x10300] =	vst v63  }
0xd: {  	_ =	swait.ge [sflag:s10], $0x2800  }
0xe: {  	[sflag:s10] =	ssyncset.done $0x0  }
0xf: {  	[sflag:s10] =	ssyncadd.s32 $0xFFFFD800  }
0x10: {  	[tilespmem:s11], [sflag:$0x1] =	stream.linear.gather [hbm4b:s4+s2], $0x2800, $0x38;
	[tilespmem:$0x10300] =	vst v63  }
0x11: {  	_ =	swait.ge [sflag:s10], $0x2800  }
0x12: {  	[sflag:s10] =	ssyncset.done $0x0  }
0x13: {  	[sflag:s10] =	ssyncadd.s32 $0xFFFFD800  }
0x14: {  	[tilespmem:s12], [sflag:$0x1] =	stream.linear.gather [hbm4b:s5+s2], $0x3200, $0x38;
	[tilespmem:$0x10300] =	vst v63  }
0x15: {  	_ =	swait.ge [sflag:s10], $0x3200  }
0x16: {  	[sflag:s10] =	ssyncset.done $0x0  }
0x17: {  	[sflag:s10] =	ssyncadd.s32 $0xFFFFCE00  }
0x18: {  	[tilespmem:s13], [sflag:$0x1] =	stream.linear.gather [hbm4b:s6+s2], $0x3200, $0x38;
	[tilespmem:$0x10300] =	vst v63  }
0x19: {  	_ =	swait.ge [sflag:s10], $0x3200  }
0x1a: {  	[sflag:s10] =	ssyncset.done $0x0  }
0x1b: {  	[sflag:s10] =	ssyncadd.s32 $0xFFFFCE00  }
0x1c: {  	[tilespmem:s14], [sflag:$0x1] =	stream.linear.gather [hbm4b:s7+s2], $0x2710, $0x38;
	[tilespmem:$0x10300] =	vst v63  }
0x1d: {  	_ =	swait.ge [sflag:s10], $0x2710  }
0x1e: {  	s17 =	simm.s32 $0xDBB0;
	[sflag:s10] =	ssyncset.done $0x0  }
0x1f: {  	s18 =	simm.s32 $0xB430;
	s19 =	simm.s32 $0x0;
	[sflag:s10] =	ssyncadd.s32 $0xFFFFD8F0  }
.LBB2_2:
0x20: {  	s20 =	sshra.s32 s19, $0x2  }
0x21: {  	v0 =	vld [tilespmem:s20+$0x5000]  }
0x22: {  	v1 =	vld [tilespmem:s20+$0x8200];
	_ =	sdelay $0x6  }
0x23: {  	v0 =	vld.idx.msk [tilespmem:v0+s2+$0x0], $0xffff  }
0x24: {  	v1 =	vld.idx.msk [tilespmem:v1+s11+$0x0], $0xffff;
	_ =	sdelay $0x1  }
0x25: {  	v2 =	vld [tilespmem:s18+$0xFFFFFFD0];
	_ =	sdelay $0x2  }
0x26: {  	v0 =	vadd.f32 v1, v0;
	_ =	sdelay $0x1  }
0x27: {  	v0 =	vadd.f32 v2, v0;
	_ =	sdelay $0x1  }
0x28: {  	[tilespmem:s17+$0xFFFFFFD0] =	vst v0  }
0x29: {  	v0 =	vld [tilespmem:s20+$0x5010]  }
0x2a: {  	v52 =	vld [tilespmem:s20+$0x8210];
	_ =	sdelay $0x6  }
0x2b: {  	v0 =	vld.idx.msk [tilespmem:v0+s2+$0x0], $0xffff  }
0x2c: {  	v1 =	vld.idx.msk [tilespmem:v52+s11+$0x0], $0xffff;
	_ =	sdelay $0x1  }
0x2d: {  	v53 =	vld [tilespmem:s18+$0xFFFFFFE0];
	_ =	sdelay $0x2  }
0x2e: {  	v0 =	vadd.f32 v1, v0;
	_ =	sdelay $0x1  }
0x2f: {  	v0 =	vadd.f32 v53, v0;
	_ =	sdelay $0x1  }
0x30: {  	[tilespmem:s17+$0xFFFFFFE0] =	vst v0  }
0x31: {  	v0 =	vld [tilespmem:s20+$0x5020]  }
0x32: {  	v54 =	vld [tilespmem:s20+$0x8220];
	_ =	sdelay $0x6  }
0x33: {  	v0 =	vld.idx.msk [tilespmem:v0+s2+$0x0], $0xffff  }
0x34: {  	v1 =	vld.idx.msk [tilespmem:v54+s11+$0x0], $0xffff;
	_ =	sdelay $0x1  }
0x35: {  	v55 =	vld [tilespmem:s18+$0xFFFFFFF0];
	_ =	sdelay $0x2  }
0x36: {  	v0 =	vadd.f32 v1, v0;
	_ =	sdelay $0x1  }
0x37: {  	v0 =	vadd.f32 v55, v0;
	_ =	sdelay $0x1  }
0x38: {  	[tilespmem:s17+$0xFFFFFFF0] =	vst v0  }
0x39: {  	v0 =	vld [tilespmem:s20+$0x5030]  }
0x3a: {  	v56 =	vld [tilespmem:s20+$0x8230];
	_ =	sdelay $0x6  }
0x3b: {  	v0 =	vld.idx.msk [tilespmem:v0+s2+$0x0], $0xffff  }
0x3c: {  	v1 =	vld.idx.msk [tilespmem:v56+s11+$0x0], $0xffff;
	_ =	sdelay $0x1  }
0x3d: {  	v57 =	vld [tilespmem:s18+$0x0];
	_ =	sdelay $0x2  }
0x3e: {  	v0 =	vadd.f32 v1, v0;
	_ =	sdelay $0x1  }
0x3f: {  	v0 =	vadd.f32 v57, v0;
	_ =	sdelay $0x1  }
0x40: {  	[tilespmem:s17+$0x0] =	vst v0  }
0x41: {  	v0 =	vld [tilespmem:s20+$0x5040]  }
0x42: {  	v58 =	vld [tilespmem:s20+$0x8240];
	_ =	sdelay $0x6  }
0x43: {  	v0 =	vld.idx.msk [tilespmem:v0+s2+$0x0], $0xffff  }
0x44: {  	v1 =	vld.idx.msk [tilespmem:v58+s11+$0x0], $0xffff;
	_ =	sdelay $0x1  }
0x45: {  	v59 =	vld [tilespmem:s18+$0x10];
	_ =	sdelay $0x2  }
0x46: {  	v0 =	vadd.f32 v1, v0;
	_ =	sdelay $0x1  }
0x47: {  	v0 =	vadd.f32 v59, v0;
	_ =	sdelay $0x1  }
0x48: {  	[tilespmem:s17+$0x10] =	vst v0  }
0x49: {  	v0 =	vld [tilespmem:s20+$0x5050]  }
0x4a: {  	v60 =	vld [tilespmem:s20+$0x8250];
	_ =	sdelay $0x6  }
0x4b: {  	v0 =	vld.idx.msk [tilespmem:v0+s2+$0x0], $0xffff  }
0x4c: {  	v1 =	vld.idx.msk [tilespmem:v60+s11+$0x0], $0xffff;
	_ =	sdelay $0x1  }
0x4d: {  	v61 =	vld [tilespmem:s18+$0x20];
	_ =	sdelay $0x2  }
0x4e: {  	v0 =	vadd.f32 v1, v0;
	_ =	sdelay $0x1  }
0x4f: {  	v0 =	vadd.f32 v61, v0;
	_ =	sdelay $0x1  }
0x50: {  	[tilespmem:s17+$0x20] =	vst v0  }
0x51: {  	v0 =	vld [tilespmem:s20+$0x5054]  }
0x52: {  	v62 =	vld [tilespmem:s20+$0x8254];
	_ =	sdelay $0x6  }
0x53: {  	v0 =	vld.idx.msk [tilespmem:v0+s2+$0x0], $0xffff  }
0x54: {  	v1 =	vld.idx.msk [tilespmem:v62+s11+$0x0], $0xffff;
	_ =	sdelay $0x1  }
0x55: {  	v63 =	vld [tilespmem:s18+$0x24];
	_ =	sdelay $0x1  }
0x56: {  	p0 =	sne.s32 s19, $0xC600  }
.Ltmp0:
0x57: {  	v0 =	vadd.f32 v1, v0;
	(pc) =	sbr.rel @p0 .LBB2_2-.Ltmp0, $3  }
0x58: {  	_ = 	snop  }
0x59: {  	v0 =	vadd.f32 v63, v0;
	_ =	sdelay $0x1  }
0x5a: {  	s19 =	sadd.s32 $0x200, s19;
	s18 =	sadd.s32 $0x64, s18;
	[tilespmem:s17+$0x24] =	vst v0;
	s17 =	sadd.s32 $0x64, s17  }
0x5b: {  	s16 =	sadd.s32 $0x1, s16  }
0x5c: {  	p0 =	sne.s32 s16, s9  }
.Ltmp1:
0x5d: {  	_ = 	snop;
	(pc) =	sbr.rel @p0 .LBB2_1-.Ltmp1, $4  }
0x5e: {  	[hbm4b:s8+s2] =	stream.linear.scatter [tilespmem:s15], [sflag:$0x1], $0x2710, $0x38;
	[tilespmem:$0x10300] =	vst v63  }
0x5f: {  	_ =	swait.ge [sflag:s10], $0x2710  }
0x60: {  	[sflag:s10] =	ssyncset.done $0x0  }
0x61: {  	[sflag:s10] =	ssyncadd.s32 $0xFFFFD8F0  }
0x62: {  	_ =	sfence.sel $0x180000  }
0x63: {  	[bflag:$0x0] =	sbarrier.arrive $0xFFFF  }
0x64: {  	p0 =	sne.s32 s0, $0x0;
	_ =	strace $0x90000050  }
0x65: {  	s0 =	sadd.s32 @!p0 $0x100000, s1;
	[bflag:$0x2] =	sbarrier.arrive $0xFFFF  }
0x66: {  	[sflag:s0] =	ssyncadd.tile.s32 @!p0 $0x1;
	_ =	shalt  }
.Lfunc_end2:
_tile_overlayer_lowered:
.L_overlay_start_2:
0x67: {  	(tag) =	ssettag $0x2  }
0x68: {  	s0 =	rddreg [dreg:$0x0];
	s2 =	stileid.u32  }
0x69: {  	s1 =	rddreg [dreg:$0x1];
	p0 =	sne.s32 s2, $0x0  }
0x6a: {  	s3 =	rddreg [dreg:$0x2];
	[bflag:$0x3] =	sbarrier.arrive $0xFFFF;
	s2 =	simm.s32 @!p0 $0x1C01  }
0x6b: {  	[timem:s3], [sflag:s2] =	dma.local @!p0 [hbm:s0], s1  }
0x6c: {  	s0 =	simm.s32 @!p0 $0x1  }
0x6d: {  	_ =	swait.ge @!p0 [sflag:s0], s1  }
0x6e: {  	s1 =	ssub.s32 @!p0 $0x0, s1;
	[sflag:s0] =	ssyncset.done @!p0 $0x0  }
0x6f: {  	[sflag:s0] =	ssyncadd.s32 @!p0 s1  }
0x70: {  	[bflag:$0x3] =	sbarrier.arrive $0xFFFF  }
0x71: {  	_ =	shalt  }

</sc_bundles>
